<compile_context>
chip_gen: v7x
topology: tpu7x:2x2x1
jax: 0.10.2.dev20260603
libtpu: 0.0.44.dev20260713+nightly
codegen_flags: <defaults>
</compile_context>

<pallas_src>
import functools

import jax
import jax.numpy as jnp
from jax import lax
from jax.experimental import pallas as pl
from jax.experimental.pallas import tpu as pltpu
from jax.experimental.pallas import tpu_sc as plsc

N_NODES = 10000
N_EDGES = 320000
D_IN = 128
D_HID = 64
N_ACT = 16

NP = 10240
NC, NS = 2, 16
NW = NC * NS
CHUNK = 128
K = 4
NG = 20
NCH = NG * K
EPW = NCH * CHUNK
EP = EPW * NW
RPS = NP // NS



def _make_sc_agg_spmem(d, tc_tiling=False):
    mesh = plsc.VectorSubcoreMesh(core_axis_name="c", subcore_axis_name="s")

    def body(g_hbm, src_hbm, dst_hbm, zeros_hbm, out_hbm,
             src_v, dst_v, buf, table, acc, semg, sems):
        cid = lax.axis_index("c")
        sid = lax.axis_index("s")
        wid = cid * NS + sid
        pltpu.sync_copy(src_hbm.at[wid], src_v)
        pltpu.sync_copy(dst_hbm.at[wid], dst_v)
        sl = pl.ds(sid * RPS, RPS)
        pltpu.sync_copy(zeros_hbm.at[sl], acc.at[sl])
        pltpu.sync_copy(g_hbm.at[sl], table.at[sl])
        plsc.subcore_barrier()

        for j in range(K):
            pltpu.async_copy(table.at[src_v.at[j]], buf.at[0, j], semg)

        def group(i, carry):
            pb = lax.rem(i, 2)
            nb = 1 - pb
            base = i * K
            nbase = base + K

            @pl.when(i + 1 < NG)
            def _fire_next():
                for j in range(K):
                    pltpu.async_copy(table.at[src_v.at[nbase + j]],
                                     buf.at[nb, j], semg)

            for j in range(K):
                pltpu.make_async_copy(table.at[src_v.at[base + j]],
                                      buf.at[pb, j], semg).wait()
                pltpu.async_copy(buf.at[pb, j], acc.at[dst_v.at[base + j]],
                                 sems, add=True)
            for j in range(K):
                pltpu.make_async_copy(buf.at[pb, j],
                                      acc.at[dst_v.at[base + j]], sems).wait()
            return carry

        lax.fori_loop(0, NG, group, 0)
        plsc.subcore_barrier()
        pltpu.sync_copy(acc.at[sl], out_hbm.at[cid, sl])

    return pl.kernel(
        body,
        out_type=jax.ShapeDtypeStruct((NC, NP, d), jnp.float32),
        mesh=mesh,
        compiler_params=pltpu.CompilerParams(use_tc_tiling_on_sc=tc_tiling),
        scratch_types=[
            pltpu.VMEM((NCH, CHUNK), jnp.int32),
            pltpu.VMEM((NCH, CHUNK), jnp.int32),
            pltpu.VMEM((2, K, CHUNK, d), jnp.float32),
            pltpu.VMEM_SHARED((NP, d), jnp.float32),
            pltpu.VMEM_SHARED((NP, d), jnp.float32),
            pltpu.SemaphoreType.DMA,
            pltpu.SemaphoreType.DMA,
        ],
    )


NCH2 = EP // NS // CHUNK
NG2 = NCH2 // K


def _make_sc_agg_colsplit():
    mesh = plsc.VectorSubcoreMesh(core_axis_name="c", subcore_axis_name="s")
    d = D_HID // 2

    def body(g_hbm, src_hbm, dst_hbm, zeros_hbm, out_hbm,
             src_v, dst_v, buf, table, acc, semg, sems):
        cid = lax.axis_index("c")
        sid = lax.axis_index("s")
        pltpu.sync_copy(src_hbm.at[sid], src_v)
        pltpu.sync_copy(dst_hbm.at[sid], dst_v)
        sl = pl.ds(sid * RPS, RPS)
        cols = pl.ds(cid * d, d)
        pltpu.sync_copy(zeros_hbm.at[sl], acc.at[sl])
        pltpu.sync_copy(g_hbm.at[sl, cols], table.at[sl])
        plsc.subcore_barrier()

        for j in range(K):
            pltpu.async_copy(table.at[src_v.at[j]], buf.at[0, j], semg)

        def group(i, carry):
            pb = lax.rem(i, 2)
            nb = 1 - pb
            base = i * K
            nbase = base + K

            @pl.when(i + 1 < NG2)
            def _fire_next():
                for j in range(K):
                    pltpu.async_copy(table.at[src_v.at[nbase + j]],
                                     buf.at[nb, j], semg)

            for j in range(K):
                pltpu.make_async_copy(table.at[src_v.at[base + j]],
                                      buf.at[pb, j], semg).wait()
                pltpu.async_copy(buf.at[pb, j], acc.at[dst_v.at[base + j]],
                                 sems, add=True)
            for j in range(K):
                pltpu.make_async_copy(buf.at[pb, j],
                                      acc.at[dst_v.at[base + j]], sems).wait()
            return carry

        lax.fori_loop(0, NG2, group, 0)
        plsc.subcore_barrier()
        pltpu.sync_copy(acc.at[sl], out_hbm.at[sl, cols])

    return pl.kernel(
        body,
        out_type=jax.ShapeDtypeStruct((NP, D_HID), jnp.float32),
        mesh=mesh,
        compiler_params=pltpu.CompilerParams(use_tc_tiling_on_sc=False),
        scratch_types=[
            pltpu.VMEM((NCH2, CHUNK), jnp.int32),
            pltpu.VMEM((NCH2, CHUNK), jnp.int32),
            pltpu.VMEM((2, K, CHUNK, d), jnp.float32),
            pltpu.VMEM_SHARED((NP, d), jnp.float32),
            pltpu.VMEM_SHARED((NP, d), jnp.float32),
            pltpu.SemaphoreType.DMA,
            pltpu.SemaphoreType.DMA,
        ],
    )


def _make_sc_deg():
    mesh = plsc.VectorSubcoreMesh(core_axis_name="c", subcore_axis_name="s")
    d = 8
    KD = 10

    def body(ones_hbm, dst_hbm, zeros_hbm, out_hbm, dst_v, ones_v, acc, sems):
        cid = lax.axis_index("c")
        sid = lax.axis_index("s")
        wid = cid * NS + sid
        pltpu.sync_copy(dst_hbm.at[wid], dst_v)
        pltpu.sync_copy(ones_hbm.at[pl.ds(0, CHUNK)], ones_v)
        sl = pl.ds(sid * RPS, RPS)
        pltpu.sync_copy(zeros_hbm.at[sl], acc.at[sl])
        plsc.subcore_barrier()

        def group(i, carry):
            base = i * KD
            for j in range(KD):
                pltpu.async_copy(ones_v, acc.at[dst_v.at[base + j]],
                                 sems, add=True)
            for j in range(KD):
                pltpu.make_async_copy(ones_v,
                                      acc.at[dst_v.at[base + j]], sems).wait()
            return carry

        lax.fori_loop(0, NCH // KD, group, 0)
        plsc.subcore_barrier()
        pltpu.sync_copy(acc.at[sl], out_hbm.at[cid, sl])

    return pl.kernel(
        body,
        out_type=jax.ShapeDtypeStruct((NC, NP, 8), jnp.float32),
        mesh=mesh,
        compiler_params=pltpu.CompilerParams(use_tc_tiling_on_sc=False),
        scratch_types=[
            pltpu.VMEM((NCH, CHUNK), jnp.int32),
            pltpu.VMEM((CHUNK, d), jnp.float32),
            pltpu.VMEM_SHARED((NP, d), jnp.float32),
            pltpu.SemaphoreType.DMA,
        ],
    )



BM = 2048


def _tc_a1_body(view_ref, w1t_ref, h1_ref):
    h1_ref[...] = jnp.dot(view_ref[...], w1t_ref[...],
                          preferred_element_type=jnp.float32)


def _tc_a2_body(h1_ref, parts_ref, g1_ref, dis_ref):
    deg = parts_ref[0, :, 0:1] + parts_ref[1, :, 0:1] + 1.0
    dis = lax.rsqrt(deg)
    g1_ref[...] = h1_ref[...] * dis
    dis_ref[...] = dis


def _tc_b_body(p1_ref, g1_ref, dis_ref, b1_ref, w2t_ref, g2_ref):
    dis = dis_ref[...]
    s = p1_ref[...] + g1_ref[...]
    x = jnp.maximum(s * dis + b1_ref[...], 0.0)
    h2 = jnp.dot(x, w2t_ref[...], preferred_element_type=jnp.float32)
    g2_ref[...] = h2 * dis


def _tc_c_body(parts_ref, g2_ref, dis_ref, b2_ref, out_ref):
    s = parts_ref[0] + parts_ref[1] + g2_ref[...]
    out_ref[...] = s * dis_ref[...] + b2_ref[...]


def _row_spec(d):
    return pl.BlockSpec((BM, d), lambda i: (i, 0))


def _parts_spec(d):
    return pl.BlockSpec((NC, BM, d), lambda i: (0, i, 0))


def _full_spec(a, b):
    return pl.BlockSpec((a, b), lambda i: (0, 0))


_GRID = (NP // BM,)

_tc_a1 = pl.pallas_call(
    _tc_a1_body,
    grid=_GRID,
    in_specs=[_row_spec(D_IN), _full_spec(D_IN, D_HID)],
    out_specs=_row_spec(D_HID),
    out_shape=jax.ShapeDtypeStruct((NP, D_HID), jnp.float32),
)

_tc_a2 = pl.pallas_call(
    _tc_a2_body,
    grid=_GRID,
    in_specs=[_row_spec(D_HID), _parts_spec(8)],
    out_specs=[_row_spec(D_HID), _row_spec(1)],
    out_shape=[
        jax.ShapeDtypeStruct((NP, D_HID), jnp.float32),
        jax.ShapeDtypeStruct((NP, 1), jnp.float32),
    ],
)

_tc_b = pl.pallas_call(
    _tc_b_body,
    grid=_GRID,
    in_specs=[_row_spec(D_HID), _row_spec(D_HID), _row_spec(1),
              _full_spec(1, D_HID), _full_spec(D_HID, N_ACT)],
    out_specs=_row_spec(N_ACT),
    out_shape=jax.ShapeDtypeStruct((NP, N_ACT), jnp.float32),
)

_tc_c = pl.pallas_call(
    _tc_c_body,
    grid=_GRID,
    in_specs=[_parts_spec(N_ACT), _row_spec(N_ACT), _row_spec(1),
              _full_spec(1, N_ACT)],
    out_specs=_row_spec(N_ACT),
    out_shape=jax.ShapeDtypeStruct((NP, N_ACT), jnp.float32),
)

_agg_deg = _make_sc_deg()
_agg_h = _make_sc_agg_colsplit()
_agg_o = _make_sc_agg_spmem(N_ACT)


def kernel(view, edge_index, W1, b1, W2, b2):
    ei = jnp.pad(edge_index.astype(jnp.int32), ((0, 0), (0, EP - N_EDGES)),
                 constant_values=N_NODES)
    src3 = ei[0].reshape(NW, NCH, CHUNK)
    dst3 = ei[1].reshape(NW, NCH, CHUNK)
    src2 = ei[0].reshape(NS, NCH2, CHUNK)
    dst2 = ei[1].reshape(NS, NCH2, CHUNK)

    ones8 = jnp.ones((NP, 8), jnp.float32)
    z8 = jnp.zeros((NP, 8), jnp.float32)
    z32 = jnp.zeros((NP, D_HID // 2), jnp.float32)
    z16 = jnp.zeros((NP, N_ACT), jnp.float32)

    deg_parts = _agg_deg(ones8, dst3, z8)
    h1 = _tc_a1(view, W1.T)
    g1, dis = _tc_a2(h1, deg_parts)
    p1 = _agg_h(g1, src2, dst2, z32)
    g2 = _tc_b(p1, g1, dis, b1.reshape(1, D_HID), W2.T)
    parts2 = _agg_o(g2, src3, dst3, z16)
    out = _tc_c(parts2, g2, dis, b2.reshape(1, N_ACT))
    return out[:N_NODES]

# --- scband reference (transcript-rebuilt; emitter-appended) ---
"""Pipeline reference for scband-gcnmodel-83090437308937 (READ-ONLY COPY).

The authoritative reference and input builder live on the scoring server;
editing this copy changes nothing except your own understanding.
"""

import jax, jax.numpy as jnp
import numpy as np

N_NODES = 10000
N_EDGES = 320000
D_IN = 128
D_HID = 64
N_ACT = 16


def gcn_conv(x, src, dst, W, b, num_nodes):
    # PyG GCNConv: linear transform, add self-loops, symmetric normalization, scatter-add aggregate, bias
    h = x @ W.T
    loop = jnp.arange(num_nodes, dtype=src.dtype)
    s = jnp.concatenate([src, loop])
    d = jnp.concatenate([dst, loop])
    ones = jnp.ones(s.shape[0], dtype=h.dtype)
    deg = jnp.zeros((num_nodes,), dtype=h.dtype).at[d].add(ones)
    deg_inv_sqrt = jnp.where(deg > 0, deg ** -0.5, 0.0)
    norm = deg_inv_sqrt[s] * deg_inv_sqrt[d]
    msg = h[s] * norm[:, None]
    out = jnp.zeros((num_nodes, h.shape[1]), dtype=h.dtype).at[d].add(msg)
    return out + b


def setup_inputs(seed: int = 0) -> dict:
    key = jax.random.key(seed)
    k1, k2, k3, k4, k5, k6 = jax.random.split(key, 6)
    view = jax.random.normal(k1, (N_NODES, D_IN), dtype=jnp.float32)
    edge_index = jax.random.randint(k2, (2, N_EDGES), 0, N_NODES, dtype=jnp.int64)
    # Glorot-style init for GCN weights (PyG layout: [out, in])
    W1 = jax.random.normal(k3, (D_HID, D_IN), dtype=jnp.float32) * (1.0 / np.sqrt(D_IN))
    b1 = jnp.zeros((D_HID,), dtype=jnp.float32)
    W2 = jax.random.normal(k4, (N_ACT, D_HID), dtype=jnp.float32) * (1.0 / np.sqrt(D_HID))
    b2 = jnp.zeros((N_ACT,), dtype=jnp.float32)
    return {"view": view, "edge_index": edge_index, "W1": W1, "b1": b1, "W2": W2, "b2": b2}


def reference(view, edge_index, W1, b1, W2, b2):
    src = edge_index[0]
    dst = edge_index[1]
    x = gcn_conv(view, src, dst, W1, b1, N_NODES)
    x = jax.nn.relu(x)
    x = gcn_conv(x, src, dst, W2, b2, N_NODES)
    return x

if __name__ == "__main__":
    import jax
    _d = setup_inputs()
    print(jax.jit(kernel)(*tuple(_d.values())))

</pallas_src>

<mosaic_0001>
#map = affine_map<(d0, d1) -> (0, 0)>
#map1 = affine_map<(d0, d1) -> (0, 0, 0)>
module attributes {stable_mosaic.version = 14 : i64} {
  func.func @body(%arg0: i32, %arg1: i32, %arg2: memref<10240x8xf32, #tpu.memory_space<hbm>>, %arg3: memref<32x80x128xi32, #tpu.memory_space<hbm>>, %arg4: memref<10240x8xf32, #tpu.memory_space<hbm>>, %arg5: memref<2x10240x8xf32, #tpu.memory_space<hbm>>, %arg6: memref<80x128xi32, #tpu.memory_space<vmem>>, %arg7: memref<128x8xf32, #tpu.memory_space<vmem>>, %arg8: memref<10240x8xf32, #tpu.memory_space<vmem_shared>>, %arg9: memref<!tpu.dma_semaphore, #tpu.memory_space<semaphore_mem>>) attributes {dimension_semantics = [#tpu.dimension_semantics<core_parallel>, #tpu.dimension_semantics<subcore_parallel>], iteration_bounds = array<i64: 2, 16>, scalar_prefetch = 0 : i64, scratch_operands = 4 : i64, tpu.core_type = #tpu.core_type<sc_vector_subcore>, window_params = [{transform_indices = #map}, {transform_indices = #map1}, {transform_indices = #map}, {transform_indices = #map1}]} {
    %mul3A = arith.constant 16 : i32
    %mul3A_0 = arith.muli %arg0, %mul3A : i32
    %add3A = arith.addi %mul3A_0, %arg1 : i32
    "tpu.region"() ({
      %run_scoped3A = tpu.sem_alloc : memref<!tpu.dma_semaphore, #tpu.memory_space<semaphore_mem>>
      %dma_start3A = arith.constant 0 : i32
      %dma_start3A_9 = arith.constant 0 : i32
      %dma_start3A_10 = tpu.memref_slice %arg3[%add3A, %dma_start3A, %dma_start3A_9] : memref<32x80x128xi32, #tpu.memory_space<hbm>> -> memref<1x80x128xi32, #tpu.memory_space<hbm>>
      %dma_start3A_11 = tpu.memref_squeeze %dma_start3A_10 : memref<1x80x128xi32, #tpu.memory_space<hbm>> -> memref<80x128xi32, #tpu.memory_space<hbm>>
      %dma_start3A_12 = arith.constant 0 : i32
      %dma_start3A_13 = arith.constant 0 : i32
      %dma_start3A_14 = tpu.memref_slice %arg3[%add3A, %dma_start3A_12, %dma_start3A_13] : memref<32x80x128xi32, #tpu.memory_space<hbm>> -> memref<1x80x128xi32, #tpu.memory_space<hbm>>
      %dma_start3A_15 = tpu.memref_squeeze %dma_start3A_14 : memref<1x80x128xi32, #tpu.memory_space<hbm>> -> memref<80x128xi32, #tpu.memory_space<hbm>>
      tpu.enqueue_dma source(%dma_start3A_15 : memref<80x128xi32, #tpu.memory_space<hbm>>) target(%arg6 : memref<80x128xi32, #tpu.memory_space<vmem>>) target_semaphore(%run_scoped3A : memref<!tpu.dma_semaphore, #tpu.memory_space<semaphore_mem>>)
      %dma_wait3A = arith.constant 0 : i32
      %dma_wait3A_16 = arith.constant 0 : i32
      %dma_wait3A_17 = tpu.memref_slice %arg3[%add3A, %dma_wait3A, %dma_wait3A_16] : memref<32x80x128xi32, #tpu.memory_space<hbm>> -> memref<1x80x128xi32, #tpu.memory_space<hbm>>
      %dma_wait3A_18 = tpu.memref_squeeze %dma_wait3A_17 : memref<1x80x128xi32, #tpu.memory_space<hbm>> -> memref<80x128xi32, #tpu.memory_space<hbm>>
      %dma_wait3A_19 = arith.constant 0 : i32
      %dma_wait3A_20 = arith.constant 0 : i32
      %dma_wait3A_21 = tpu.memref_slice %arg3[%add3A, %dma_wait3A_19, %dma_wait3A_20] : memref<32x80x128xi32, #tpu.memory_space<hbm>> -> memref<1x80x128xi32, #tpu.memory_space<hbm>>
      %dma_wait3A_22 = tpu.memref_squeeze %dma_wait3A_21 : memref<1x80x128xi32, #tpu.memory_space<hbm>> -> memref<80x128xi32, #tpu.memory_space<hbm>>
      tpu.wait_dma2 semaphore(%run_scoped3A : memref<!tpu.dma_semaphore, #tpu.memory_space<semaphore_mem>>) src(%dma_wait3A_22 : memref<80x128xi32, #tpu.memory_space<hbm>>) dst(%arg6 : memref<80x128xi32, #tpu.memory_space<vmem>>)
      tpu.yield
    }) : () -> ()
    "tpu.region"() ({
      %run_scoped3A = tpu.sem_alloc : memref<!tpu.dma_semaphore, #tpu.memory_space<semaphore_mem>>
      %dma_start3A = arith.constant 0 : i32
      %dma_start3A_9 = arith.constant 0 : i32
      %dma_start3A_10 = tpu.memref_slice %arg2[%dma_start3A, %dma_start3A_9] : memref<10240x8xf32, #tpu.memory_space<hbm>> -> memref<128x8xf32, #tpu.memory_space<hbm>>
      %dma_start3A_11 = arith.constant 0 : i32
      %dma_start3A_12 = arith.constant 0 : i32
      %dma_start3A_13 = tpu.memref_slice %arg2[%dma_start3A_11, %dma_start3A_12] : memref<10240x8xf32, #tpu.memory_space<hbm>> -> memref<128x8xf32, #tpu.memory_space<hbm>>
      tpu.enqueue_dma source(%dma_start3A_13 : memref<128x8xf32, #tpu.memory_space<hbm>>) target(%arg7 : memref<128x8xf32, #tpu.memory_space<vmem>>) target_semaphore(%run_scoped3A : memref<!tpu.dma_semaphore, #tpu.memory_space<semaphore_mem>>)
      %dma_wait3A = arith.constant 0 : i32
      %dma_wait3A_14 = arith.constant 0 : i32
      %dma_wait3A_15 = tpu.memref_slice %arg2[%dma_wait3A, %dma_wait3A_14] : memref<10240x8xf32, #tpu.memory_space<hbm>> -> memref<128x8xf32, #tpu.memory_space<hbm>>
      %dma_wait3A_16 = arith.constant 0 : i32
      %dma_wait3A_17 = arith.constant 0 : i32
      %dma_wait3A_18 = tpu.memref_slice %arg2[%dma_wait3A_16, %dma_wait3A_17] : memref<10240x8xf32, #tpu.memory_space<hbm>> -> memref<128x8xf32, #tpu.memory_space<hbm>>
      tpu.wait_dma2 semaphore(%run_scoped3A : memref<!tpu.dma_semaphore, #tpu.memory_space<semaphore_mem>>) src(%dma_wait3A_18 : memref<128x8xf32, #tpu.memory_space<hbm>>) dst(%arg7 : memref<128x8xf32, #tpu.memory_space<vmem>>)
      tpu.yield
    }) : () -> ()
    %mul3A_1 = arith.constant 640 : i32
    %mul3A_2 = arith.muli %arg1, %mul3A_1 : i32
    "tpu.region"() ({
      %run_scoped3A = tpu.sem_alloc : memref<!tpu.dma_semaphore, #tpu.memory_space<semaphore_mem>>
      %dma_start3A = arith.constant 0 : i32
      %dma_start3A_9 = tpu.memref_slice %arg8[%mul3A_2, %dma_start3A] : memref<10240x8xf32, #tpu.memory_space<vmem_shared>> -> memref<640x8xf32, #tpu.memory_space<vmem_shared>>
      %dma_start3A_10 = arith.constant 0 : i32
      %dma_start3A_11 = tpu.memref_slice %arg4[%mul3A_2, %dma_start3A_10] : memref<10240x8xf32, #tpu.memory_space<hbm>> -> memref<640x8xf32, #tpu.memory_space<hbm>>
      tpu.enqueue_dma source(%dma_start3A_11 : memref<640x8xf32, #tpu.memory_space<hbm>>) target(%dma_start3A_9 : memref<640x8xf32, #tpu.memory_space<vmem_shared>>) target_semaphore(%run_scoped3A : memref<!tpu.dma_semaphore, #tpu.memory_space<semaphore_mem>>)
      %dma_wait3A = arith.constant 0 : i32
      %dma_wait3A_12 = tpu.memref_slice %arg8[%mul3A_2, %dma_wait3A] : memref<10240x8xf32, #tpu.memory_space<vmem_shared>> -> memref<640x8xf32, #tpu.memory_space<vmem_shared>>
      %dma_wait3A_13 = arith.constant 0 : i32
      %dma_wait3A_14 = tpu.memref_slice %arg4[%mul3A_2, %dma_wait3A_13] : memref<10240x8xf32, #tpu.memory_space<hbm>> -> memref<640x8xf32, #tpu.memory_space<hbm>>
      tpu.wait_dma2 semaphore(%run_scoped3A : memref<!tpu.dma_semaphore, #tpu.memory_space<semaphore_mem>>) src(%dma_wait3A_14 : memref<640x8xf32, #tpu.memory_space<hbm>>) dst(%dma_wait3A_12 : memref<640x8xf32, #tpu.memory_space<vmem_shared>>)
      tpu.yield
    }) : () -> ()
    %barrier3A = arith.constant 0 : index
    tpu.barrier barrier_id(%barrier3A)
    %scan3A = arith.constant 0 : i32
    %scan3A_3 = arith.constant 0 : i32
    %scan3A_4 = arith.constant 8 : i32
    %scan3A_5 = arith.addi %scan3A_3, %scan3A_4 : i32
    %scan3A_6 = arith.constant 1 : i32
    scf.for %scan3A_9 = %scan3A_3 to %scan3A_5 step %scan3A_6  : i32 {
      %mul3A_10 = arith.constant 10 : i32
      %mul3A_11 = arith.muli %scan3A_9, %mul3A_10 : i32
      %add3A_12 = arith.constant 0 : i32
      %add3A_13 = arith.addi %mul3A_11, %add3A_12 : i32
      %dma_start3A = arith.constant 0 : i32
      %dma_start3A_14 = tpu.memref_slice %arg6[%add3A_13, %dma_start3A] : memref<80x128xi32, #tpu.memory_space<vmem>> -> memref<1x128xi32, #tpu.memory_space<vmem>>
      %dma_start3A_15 = tpu.memref_squeeze %dma_start3A_14 : memref<1x128xi32, #tpu.memory_space<vmem>> -> memref<128xi32, #tpu.memory_space<vmem>>
      %dma_start3A_16 = arith.constant 0 : i32
      %dma_start3A_17 = arith.constant 0 : i32
      %dma_start3A_18 = tpu.memref_slice %arg8[%dma_start3A_16, %dma_start3A_17] : memref<10240x8xf32, #tpu.memory_space<vmem_shared>> -> memref<10240x8xf32, #tpu.memory_space<vmem_shared>>
      tpu.enqueue_indirect_dma source(%arg7 : memref<128x8xf32, #tpu.memory_space<vmem>>) target(%dma_start3A_18 : memref<10240x8xf32, #tpu.memory_space<vmem_shared>>) offsets(%dma_start3A_15 : memref<128xi32, #tpu.memory_space<vmem>>) semaphore(%arg9 : memref<!tpu.dma_semaphore, #tpu.memory_space<semaphore_mem>>) {add = true}
      %add3A_19 = arith.constant 1 : i32
      %add3A_20 = arith.addi %mul3A_11, %add3A_19 : i32
      %dma_start3A_21 = arith.constant 0 : i32
      %dma_start3A_22 = tpu.memref_slice %arg6[%add3A_20, %dma_start3A_21] : memref<80x128xi32, #tpu.memory_space<vmem>> -> memref<1x128xi32, #tpu.memory_space<vmem>>
      %dma_start3A_23 = tpu.memref_squeeze %dma_start3A_22 : memref<1x128xi32, #tpu.memory_space<vmem>> -> memref<128xi32, #tpu.memory_space<vmem>>
      %dma_start3A_24 = arith.constant 0 : i32
      %dma_start3A_25 = arith.constant 0 : i32
      %dma_start3A_26 = tpu.memref_slice %arg8[%dma_start3A_24, %dma_start3A_25] : memref<10240x8xf32, #tpu.memory_space<vmem_shared>> -> memref<10240x8xf32, #tpu.memory_space<vmem_shared>>
      tpu.enqueue_indirect_dma source(%arg7 : memref<128x8xf32, #tpu.memory_space<vmem>>) target(%dma_start3A_26 : memref<10240x8xf32, #tpu.memory_space<vmem_shared>>) offsets(%dma_start3A_23 : memref<128xi32, #tpu.memory_space<vmem>>) semaphore(%arg9 : memref<!tpu.dma_semaphore, #tpu.memory_space<semaphore_mem>>) {add = true}
      %add3A_27 = arith.constant 2 : i32
      %add3A_28 = arith.addi %mul3A_11, %add3A_27 : i32
      %dma_start3A_29 = arith.constant 0 : i32
      %dma_start3A_30 = tpu.memref_slice %arg6[%add3A_28, %dma_start3A_29] : memref<80x128xi32, #tpu.memory_space<vmem>> -> memref<1x128xi32, #tpu.memory_space<vmem>>
      %dma_start3A_31 = tpu.memref_squeeze %dma_start3A_30 : memref<1x128xi32, #tpu.memory_space<vmem>> -> memref<128xi32, #tpu.memory_space<vmem>>
      %dma_start3A_32 = arith.constant 0 : i32
      %dma_start3A_33 = arith.constant 0 : i32
      %dma_start3A_34 = tpu.memref_slice %arg8[%dma_start3A_32, %dma_start3A_33] : memref<10240x8xf32, #tpu.memory_space<vmem_shared>> -> memref<10240x8xf32, #tpu.memory_space<vmem_shared>>
      tpu.enqueue_indirect_dma source(%arg7 : memref<128x8xf32, #tpu.memory_space<vmem>>) target(%dma_start3A_34 : memref<10240x8xf32, #tpu.memory_space<vmem_shared>>) offsets(%dma_start3A_31 : memref<128xi32, #tpu.memory_space<vmem>>) semaphore(%arg9 : memref<!tpu.dma_semaphore, #tpu.memory_space<semaphore_mem>>) {add = true}
      %add3A_35 = arith.constant 3 : i32
      %add3A_36 = arith.addi %mul3A_11, %add3A_35 : i32
      %dma_start3A_37 = arith.constant 0 : i32
      %dma_start3A_38 = tpu.memref_slice %arg6[%add3A_36, %dma_start3A_37] : memref<80x128xi32, #tpu.memory_space<vmem>> -> memref<1x128xi32, #tpu.memory_space<vmem>>
      %dma_start3A_39 = tpu.memref_squeeze %dma_start3A_38 : memref<1x128xi32, #tpu.memory_space<vmem>> -> memref<128xi32, #tpu.memory_space<vmem>>
      %dma_start3A_40 = arith.constant 0 : i32
      %dma_start3A_41 = arith.constant 0 : i32
      %dma_start3A_42 = tpu.memref_slice %arg8[%dma_start3A_40, %dma_start3A_41] : memref<10240x8xf32, #tpu.memory_space<vmem_shared>> -> memref<10240x8xf32, #tpu.memory_space<vmem_shared>>
      tpu.enqueue_indirect_dma source(%arg7 : memref<128x8xf32, #tpu.memory_space<vmem>>) target(%dma_start3A_42 : memref<10240x8xf32, #tpu.memory_space<vmem_shared>>) offsets(%dma_start3A_39 : memref<128xi32, #tpu.memory_space<vmem>>) semaphore(%arg9 : memref<!tpu.dma_semaphore, #tpu.memory_space<semaphore_mem>>) {add = true}
      %add3A_43 = arith.constant 4 : i32
      %add3A_44 = arith.addi %mul3A_11, %add3A_43 : i32
      %dma_start3A_45 = arith.constant 0 : i32
      %dma_start3A_46 = tpu.memref_slice %arg6[%add3A_44, %dma_start3A_45] : memref<80x128xi32, #tpu.memory_space<vmem>> -> memref<1x128xi32, #tpu.memory_space<vmem>>
      %dma_start3A_47 = tpu.memref_squeeze %dma_start3A_46 : memref<1x128xi32, #tpu.memory_space<vmem>> -> memref<128xi32, #tpu.memory_space<vmem>>
      %dma_start3A_48 = arith.constant 0 : i32
      %dma_start3A_49 = arith.constant 0 : i32
      %dma_start3A_50 = tpu.memref_slice %arg8[%dma_start3A_48, %dma_start3A_49] : memref<10240x8xf32, #tpu.memory_space<vmem_shared>> -> memref<10240x8xf32, #tpu.memory_space<vmem_shared>>
      tpu.enqueue_indirect_dma source(%arg7 : memref<128x8xf32, #tpu.memory_space<vmem>>) target(%dma_start3A_50 : memref<10240x8xf32, #tpu.memory_space<vmem_shared>>) offsets(%dma_start3A_47 : memref<128xi32, #tpu.memory_space<vmem>>) semaphore(%arg9 : memref<!tpu.dma_semaphore, #tpu.memory_space<semaphore_mem>>) {add = true}
      %add3A_51 = arith.constant 5 : i32
      %add3A_52 = arith.addi %mul3A_11, %add3A_51 : i32
      %dma_start3A_53 = arith.constant 0 : i32
      %dma_start3A_54 = tpu.memref_slice %arg6[%add3A_52, %dma_start3A_53] : memref<80x128xi32, #tpu.memory_space<vmem>> -> memref<1x128xi32, #tpu.memory_space<vmem>>
      %dma_start3A_55 = tpu.memref_squeeze %dma_start3A_54 : memref<1x128xi32, #tpu.memory_space<vmem>> -> memref<128xi32, #tpu.memory_space<vmem>>
      %dma_start3A_56 = arith.constant 0 : i32
      %dma_start3A_57 = arith.constant 0 : i32
      %dma_start3A_58 = tpu.memref_slice %arg8[%dma_start3A_56, %dma_start3A_57] : memref<10240x8xf32, #tpu.memory_space<vmem_shared>> -> memref<10240x8xf32, #tpu.memory_space<vmem_shared>>
      tpu.enqueue_indirect_dma source(%arg7 : memref<128x8xf32, #tpu.memory_space<vmem>>) target(%dma_start3A_58 : memref<10240x8xf32, #tpu.memory_space<vmem_shared>>) offsets(%dma_start3A_55 : memref<128xi32, #tpu.memory_space<vmem>>) semaphore(%arg9 : memref<!tpu.dma_semaphore, #tpu.memory_space<semaphore_mem>>) {add = true}
      %add3A_59 = arith.constant 6 : i32
      %add3A_60 = arith.addi %mul3A_11, %add3A_59 : i32
      %dma_start3A_61 = arith.constant 0 : i32
      %dma_start3A_62 = tpu.memref_slice %arg6[%add3A_60, %dma_start3A_61] : memref<80x128xi32, #tpu.memory_space<vmem>> -> memref<1x128xi32, #tpu.memory_space<vmem>>
      %dma_start3A_63 = tpu.memref_squeeze %dma_start3A_62 : memref<1x128xi32, #tpu.memory_space<vmem>> -> memref<128xi32, #tpu.memory_space<vmem>>
      %dma_start3A_64 = arith.constant 0 : i32
      %dma_start3A_65 = arith.constant 0 : i32
      %dma_start3A_66 = tpu.memref_slice %arg8[%dma_start3A_64, %dma_start3A_65] : memref<10240x8xf32, #tpu.memory_space<vmem_shared>> -> memref<10240x8xf32, #tpu.memory_space<vmem_shared>>
      tpu.enqueue_indirect_dma source(%arg7 : memref<128x8xf32, #tpu.memory_space<vmem>>) target(%dma_start3A_66 : memref<10240x8xf32, #tpu.memory_space<vmem_shared>>) offsets(%dma_start3A_63 : memref<128xi32, #tpu.memory_space<vmem>>) semaphore(%arg9 : memref<!tpu.dma_semaphore, #tpu.memory_space<semaphore_mem>>) {add = true}
      %add3A_67 = arith.constant 7 : i32
      %add3A_68 = arith.addi %mul3A_11, %add3A_67 : i32
      %dma_start3A_69 = arith.constant 0 : i32
      %dma_start3A_70 = tpu.memref_slice %arg6[%add3A_68, %dma_start3A_69] : memref<80x128xi32, #tpu.memory_space<vmem>> -> memref<1x128xi32, #tpu.memory_space<vmem>>
      %dma_start3A_71 = tpu.memref_squeeze %dma_start3A_70 : memref<1x128xi32, #tpu.memory_space<vmem>> -> memref<128xi32, #tpu.memory_space<vmem>>
      %dma_start3A_72 = arith.constant 0 : i32
      %dma_start3A_73 = arith.constant 0 : i32
      %dma_start3A_74 = tpu.memref_slice %arg8[%dma_start3A_72, %dma_start3A_73] : memref<10240x8xf32, #tpu.memory_space<vmem_shared>> -> memref<10240x8xf32, #tpu.memory_space<vmem_shared>>
      tpu.enqueue_indirect_dma source(%arg7 : memref<128x8xf32, #tpu.memory_space<vmem>>) target(%dma_start3A_74 : memref<10240x8xf32, #tpu.memory_space<vmem_shared>>) offsets(%dma_start3A_71 : memref<128xi32, #tpu.memory_space<vmem>>) semaphore(%arg9 : memref<!tpu.dma_semaphore, #tpu.memory_space<semaphore_mem>>) {add = true}
      %add3A_75 = arith.constant 8 : i32
      %add3A_76 = arith.addi %mul3A_11, %add3A_75 : i32
      %dma_start3A_77 = arith.constant 0 : i32
      %dma_start3A_78 = tpu.memref_slice %arg6[%add3A_76, %dma_start3A_77] : memref<80x128xi32, #tpu.memory_space<vmem>> -> memref<1x128xi32, #tpu.memory_space<vmem>>
      %dma_start3A_79 = tpu.memref_squeeze %dma_start3A_78 : memref<1x128xi32, #tpu.memory_space<vmem>> -> memref<128xi32, #tpu.memory_space<vmem>>
      %dma_start3A_80 = arith.constant 0 : i32
      %dma_start3A_81 = arith.constant 0 : i32
      %dma_start3A_82 = tpu.memref_slice %arg8[%dma_start3A_80, %dma_start3A_81] : memref<10240x8xf32, #tpu.memory_space<vmem_shared>> -> memref<10240x8xf32, #tpu.memory_space<vmem_shared>>
      tpu.enqueue_indirect_dma source(%arg7 : memref<128x8xf32, #tpu.memory_space<vmem>>) target(%dma_start3A_82 : memref<10240x8xf32, #tpu.memory_space<vmem_shared>>) offsets(%dma_start3A_79 : memref<128xi32, #tpu.memory_space<vmem>>) semaphore(%arg9 : memref<!tpu.dma_semaphore, #tpu.memory_space<semaphore_mem>>) {add = true}
      %add3A_83 = arith.constant 9 : i32
      %add3A_84 = arith.addi %mul3A_11, %add3A_83 : i32
      %dma_start3A_85 = arith.constant 0 : i32
      %dma_start3A_86 = tpu.memref_slice %arg6[%add3A_84, %dma_start3A_85] : memref<80x128xi32, #tpu.memory_space<vmem>> -> memref<1x128xi32, #tpu.memory_space<vmem>>
      %dma_start3A_87 = tpu.memref_squeeze %dma_start3A_86 : memref<1x128xi32, #tpu.memory_space<vmem>> -> memref<128xi32, #tpu.memory_space<vmem>>
      %dma_start3A_88 = arith.constant 0 : i32
      %dma_start3A_89 = arith.constant 0 : i32
      %dma_start3A_90 = tpu.memref_slice %arg8[%dma_start3A_88, %dma_start3A_89] : memref<10240x8xf32, #tpu.memory_space<vmem_shared>> -> memref<10240x8xf32, #tpu.memory_space<vmem_shared>>
      tpu.enqueue_indirect_dma source(%arg7 : memref<128x8xf32, #tpu.memory_space<vmem>>) target(%dma_start3A_90 : memref<10240x8xf32, #tpu.memory_space<vmem_shared>>) offsets(%dma_start3A_87 : memref<128xi32, #tpu.memory_space<vmem>>) semaphore(%arg9 : memref<!tpu.dma_semaphore, #tpu.memory_space<semaphore_mem>>) {add = true}
      %add3A_91 = arith.constant 0 : i32
      %add3A_92 = arith.addi %mul3A_11, %add3A_91 : i32
      %dma_wait3A = arith.constant 0 : i32
      %dma_wait3A_93 = tpu.memref_slice %arg6[%add3A_92, %dma_wait3A] : memref<80x128xi32, #tpu.memory_space<vmem>> -> memref<1x128xi32, #tpu.memory_space<vmem>>
      %dma_wait3A_94 = tpu.memref_squeeze %dma_wait3A_93 : memref<1x128xi32, #tpu.memory_space<vmem>> -> memref<128xi32, #tpu.memory_space<vmem>>
      %dma_wait3A_95 = arith.constant 0 : i32
      %dma_wait3A_96 = arith.constant 0 : i32
      %dma_wait3A_97 = tpu.memref_slice %arg8[%dma_wait3A_95, %dma_wait3A_96] : memref<10240x8xf32, #tpu.memory_space<vmem_shared>> -> memref<10240x8xf32, #tpu.memory_space<vmem_shared>>
      tpu.wait_indirect_dma semaphore(%arg9 : memref<!tpu.dma_semaphore, #tpu.memory_space<semaphore_mem>>) src(%arg7 : memref<128x8xf32, #tpu.memory_space<vmem>>) dst(%dma_wait3A_97 : memref<10240x8xf32, #tpu.memory_space<vmem_shared>>)
      %add3A_98 = arith.constant 1 : i32
      %add3A_99 = arith.addi %mul3A_11, %add3A_98 : i32
      %dma_wait3A_100 = arith.constant 0 : i32
      %dma_wait3A_101 = tpu.memref_slice %arg6[%add3A_99, %dma_wait3A_100] : memref<80x128xi32, #tpu.memory_space<vmem>> -> memref<1x128xi32, #tpu.memory_space<vmem>>
      %dma_wait3A_102 = tpu.memref_squeeze %dma_wait3A_101 : memref<1x128xi32, #tpu.memory_space<vmem>> -> memref<128xi32, #tpu.memory_space<vmem>>
      %dma_wait3A_103 = arith.constant 0 : i32
      %dma_wait3A_104 = arith.constant 0 : i32
      %dma_wait3A_105 = tpu.memref_slice %arg8[%dma_wait3A_103, %dma_wait3A_104] : memref<10240x8xf32, #tpu.memory_space<vmem_shared>> -> memref<10240x8xf32, #tpu.memory_space<vmem_shared>>
      tpu.wait_indirect_dma semaphore(%arg9 : memref<!tpu.dma_semaphore, #tpu.memory_space<semaphore_mem>>) src(%arg7 : memref<128x8xf32, #tpu.memory_space<vmem>>) dst(%dma_wait3A_105 : memref<10240x8xf32, #tpu.memory_space<vmem_shared>>)
      %add3A_106 = arith.constant 2 : i32
      %add3A_107 = arith.addi %mul3A_11, %add3A_106 : i32
      %dma_wait3A_108 = arith.constant 0 : i32
      %dma_wait3A_109 = tpu.memref_slice %arg6[%add3A_107, %dma_wait3A_108] : memref<80x128xi32, #tpu.memory_space<vmem>> -> memref<1x128xi32, #tpu.memory_space<vmem>>
      %dma_wait3A_110 = tpu.memref_squeeze %dma_wait3A_109 : memref<1x128xi32, #tpu.memory_space<vmem>> -> memref<128xi32, #tpu.memory_space<vmem>>
      %dma_wait3A_111 = arith.constant 0 : i32
      %dma_wait3A_112 = arith.constant 0 : i32
      %dma_wait3A_113 = tpu.memref_slice %arg8[%dma_wait3A_111, %dma_wait3A_112] : memref<10240x8xf32, #tpu.memory_space<vmem_shared>> -> memref<10240x8xf32, #tpu.memory_space<vmem_shared>>
      tpu.wait_indirect_dma semaphore(%arg9 : memref<!tpu.dma_semaphore, #tpu.memory_space<semaphore_mem>>) src(%arg7 : memref<128x8xf32, #tpu.memory_space<vmem>>) dst(%dma_wait3A_113 : memref<10240x8xf32, #tpu.memory_space<vmem_shared>>)
      %add3A_114 = arith.constant 3 : i32
      %add3A_115 = arith.addi %mul3A_11, %add3A_114 : i32
      %dma_wait3A_116 = arith.constant 0 : i32
      %dma_wait3A_117 = tpu.memref_slice %arg6[%add3A_115, %dma_wait3A_116] : memref<80x128xi32, #tpu.memory_space<vmem>> -> memref<1x128xi32, #tpu.memory_space<vmem>>
      %dma_wait3A_118 = tpu.memref_squeeze %dma_wait3A_117 : memref<1x128xi32, #tpu.memory_space<vmem>> -> memref<128xi32, #tpu.memory_space<vmem>>
      %dma_wait3A_119 = arith.constant 0 : i32
      %dma_wait3A_120 = arith.constant 0 : i32
      %dma_wait3A_121 = tpu.memref_slice %arg8[%dma_wait3A_119, %dma_wait3A_120] : memref<10240x8xf32, #tpu.memory_space<vmem_shared>> -> memref<10240x8xf32, #tpu.memory_space<vmem_shared>>
      tpu.wait_indirect_dma semaphore(%arg9 : memref<!tpu.dma_semaphore, #tpu.memory_space<semaphore_mem>>) src(%arg7 : memref<128x8xf32, #tpu.memory_space<vmem>>) dst(%dma_wait3A_121 : memref<10240x8xf32, #tpu.memory_space<vmem_shared>>)
      %add3A_122 = arith.constant 4 : i32
      %add3A_123 = arith.addi %mul3A_11, %add3A_122 : i32
      %dma_wait3A_124 = arith.constant 0 : i32
      %dma_wait3A_125 = tpu.memref_slice %arg6[%add3A_123, %dma_wait3A_124] : memref<80x128xi32, #tpu.memory_space<vmem>> -> memref<1x128xi32, #tpu.memory_space<vmem>>
      %dma_wait3A_126 = tpu.memref_squeeze %dma_wait3A_125 : memref<1x128xi32, #tpu.memory_space<vmem>> -> memref<128xi32, #tpu.memory_space<vmem>>
      %dma_wait3A_127 = arith.constant 0 : i32
      %dma_wait3A_128 = arith.constant 0 : i32
      %dma_wait3A_129 = tpu.memref_slice %arg8[%dma_wait3A_127, %dma_wait3A_128] : memref<10240x8xf32, #tpu.memory_space<vmem_shared>> -> memref<10240x8xf32, #tpu.memory_space<vmem_shared>>
      tpu.wait_indirect_dma semaphore(%arg9 : memref<!tpu.dma_semaphore, #tpu.memory_space<semaphore_mem>>) src(%arg7 : memref<128x8xf32, #tpu.memory_space<vmem>>) dst(%dma_wait3A_129 : memref<10240x8xf32, #tpu.memory_space<vmem_shared>>)
      %add3A_130 = arith.constant 5 : i32
      %add3A_131 = arith.addi %mul3A_11, %add3A_130 : i32
      %dma_wait3A_132 = arith.constant 0 : i32
      %dma_wait3A_133 = tpu.memref_slice %arg6[%add3A_131, %dma_wait3A_132] : memref<80x128xi32, #tpu.memory_space<vmem>> -> memref<1x128xi32, #tpu.memory_space<vmem>>
      %dma_wait3A_134 = tpu.memref_squeeze %dma_wait3A_133 : memref<1x128xi32, #tpu.memory_space<vmem>> -> memref<128xi32, #tpu.memory_space<vmem>>
      %dma_wait3A_135 = arith.constant 0 : i32
      %dma_wait3A_136 = arith.constant 0 : i32
      %dma_wait3A_137 = tpu.memref_slice %arg8[%dma_wait3A_135, %dma_wait3A_136] : memref<10240x8xf32, #tpu.memory_space<vmem_shared>> -> memref<10240x8xf32, #tpu.memory_space<vmem_shared>>
      tpu.wait_indirect_dma semaphore(%arg9 : memref<!tpu.dma_semaphore, #tpu.memory_space<semaphore_mem>>) src(%arg7 : memref<128x8xf32, #tpu.memory_space<vmem>>) dst(%dma_wait3A_137 : memref<10240x8xf32, #tpu.memory_space<vmem_shared>>)
      %add3A_138 = arith.constant 6 : i32
      %add3A_139 = arith.addi %mul3A_11, %add3A_138 : i32
      %dma_wait3A_140 = arith.constant 0 : i32
      %dma_wait3A_141 = tpu.memref_slice %arg6[%add3A_139, %dma_wait3A_140] : memref<80x128xi32, #tpu.memory_space<vmem>> -> memref<1x128xi32, #tpu.memory_space<vmem>>
      %dma_wait3A_142 = tpu.memref_squeeze %dma_wait3A_141 : memref<1x128xi32, #tpu.memory_space<vmem>> -> memref<128xi32, #tpu.memory_space<vmem>>
      %dma_wait3A_143 = arith.constant 0 : i32
      %dma_wait3A_144 = arith.constant 0 : i32
      %dma_wait3A_145 = tpu.memref_slice %arg8[%dma_wait3A_143, %dma_wait3A_144] : memref<10240x8xf32, #tpu.memory_space<vmem_shared>> -> memref<10240x8xf32, #tpu.memory_space<vmem_shared>>
      tpu.wait_indirect_dma semaphore(%arg9 : memref<!tpu.dma_semaphore, #tpu.memory_space<semaphore_mem>>) src(%arg7 : memref<128x8xf32, #tpu.memory_space<vmem>>) dst(%dma_wait3A_145 : memref<10240x8xf32, #tpu.memory_space<vmem_shared>>)
      %add3A_146 = arith.constant 7 : i32
      %add3A_147 = arith.addi %mul3A_11, %add3A_146 : i32
      %dma_wait3A_148 = arith.constant 0 : i32
      %dma_wait3A_149 = tpu.memref_slice %arg6[%add3A_147, %dma_wait3A_148] : memref<80x128xi32, #tpu.memory_space<vmem>> -> memref<1x128xi32, #tpu.memory_space<vmem>>
      %dma_wait3A_150 = tpu.memref_squeeze %dma_wait3A_149 : memref<1x128xi32, #tpu.memory_space<vmem>> -> memref<128xi32, #tpu.memory_space<vmem>>
      %dma_wait3A_151 = arith.constant 0 : i32
      %dma_wait3A_152 = arith.constant 0 : i32
      %dma_wait3A_153 = tpu.memref_slice %arg8[%dma_wait3A_151, %dma_wait3A_152] : memref<10240x8xf32, #tpu.memory_space<vmem_shared>> -> memref<10240x8xf32, #tpu.memory_space<vmem_shared>>
      tpu.wait_indirect_dma semaphore(%arg9 : memref<!tpu.dma_semaphore, #tpu.memory_space<semaphore_mem>>) src(%arg7 : memref<128x8xf32, #tpu.memory_space<vmem>>) dst(%dma_wait3A_153 : memref<10240x8xf32, #tpu.memory_space<vmem_shared>>)
      %add3A_154 = arith.constant 8 : i32
      %add3A_155 = arith.addi %mul3A_11, %add3A_154 : i32
      %dma_wait3A_156 = arith.constant 0 : i32
      %dma_wait3A_157 = tpu.memref_slice %arg6[%add3A_155, %dma_wait3A_156] : memref<80x128xi32, #tpu.memory_space<vmem>> -> memref<1x128xi32, #tpu.memory_space<vmem>>
      %dma_wait3A_158 = tpu.memref_squeeze %dma_wait3A_157 : memref<1x128xi32, #tpu.memory_space<vmem>> -> memref<128xi32, #tpu.memory_space<vmem>>
      %dma_wait3A_159 = arith.constant 0 : i32
      %dma_wait3A_160 = arith.constant 0 : i32
      %dma_wait3A_161 = tpu.memref_slice %arg8[%dma_wait3A_159, %dma_wait3A_160] : memref<10240x8xf32, #tpu.memory_space<vmem_shared>> -> memref<10240x8xf32, #tpu.memory_space<vmem_shared>>
      tpu.wait_indirect_dma semaphore(%arg9 : memref<!tpu.dma_semaphore, #tpu.memory_space<semaphore_mem>>) src(%arg7 : memref<128x8xf32, #tpu.memory_space<vmem>>) dst(%dma_wait3A_161 : memref<10240x8xf32, #tpu.memory_space<vmem_shared>>)
      %add3A_162 = arith.constant 9 : i32
      %add3A_163 = arith.addi %mul3A_11, %add3A_162 : i32
      %dma_wait3A_164 = arith.constant 0 : i32
      %dma_wait3A_165 = tpu.memref_slice %arg6[%add3A_163, %dma_wait3A_164] : memref<80x128xi32, #tpu.memory_space<vmem>> -> memref<1x128xi32, #tpu.memory_space<vmem>>
      %dma_wait3A_166 = tpu.memref_squeeze %dma_wait3A_165 : memref<1x128xi32, #tpu.memory_space<vmem>> -> memref<128xi32, #tpu.memory_space<vmem>>
      %dma_wait3A_167 = arith.constant 0 : i32
      %dma_wait3A_168 = arith.constant 0 : i32
      %dma_wait3A_169 = tpu.memref_slice %arg8[%dma_wait3A_167, %dma_wait3A_168] : memref<10240x8xf32, #tpu.memory_space<vmem_shared>> -> memref<10240x8xf32, #tpu.memory_space<vmem_shared>>
      tpu.wait_indirect_dma semaphore(%arg9 : memref<!tpu.dma_semaphore, #tpu.memory_space<semaphore_mem>>) src(%arg7 : memref<128x8xf32, #tpu.memory_space<vmem>>) dst(%dma_wait3A_169 : memref<10240x8xf32, #tpu.memory_space<vmem_shared>>)
    }
    %scan3A_7 = arith.constant 8 : i32
    %barrier3A_8 = arith.constant 0 : index
    tpu.barrier barrier_id(%barrier3A_8)
    "tpu.region"() ({
      %run_scoped3A = tpu.sem_alloc : memref<!tpu.dma_semaphore, #tpu.memory_space<semaphore_mem>>
      %dma_start3A = arith.constant 0 : i32
      %dma_start3A_9 = tpu.memref_slice %arg5[%arg0, %mul3A_2, %dma_start3A] : memref<2x10240x8xf32, #tpu.memory_space<hbm>> -> memref<1x640x8xf32, #tpu.memory_space<hbm>>
      %dma_start3A_10 = tpu.memref_squeeze %dma_start3A_9 : memref<1x640x8xf32, #tpu.memory_space<hbm>> -> memref<640x8xf32, #tpu.memory_space<hbm>>
      %dma_start3A_11 = arith.constant 0 : i32
      %dma_start3A_12 = tpu.memref_slice %arg8[%mul3A_2, %dma_start3A_11] : memref<10240x8xf32, #tpu.memory_space<vmem_shared>> -> memref<640x8xf32, #tpu.memory_space<vmem_shared>>
      tpu.enqueue_dma source(%dma_start3A_12 : memref<640x8xf32, #tpu.memory_space<vmem_shared>>) target(%dma_start3A_10 : memref<640x8xf32, #tpu.memory_space<hbm>>) target_semaphore(%run_scoped3A : memref<!tpu.dma_semaphore, #tpu.memory_space<semaphore_mem>>)
      %dma_wait3A = arith.constant 0 : i32
      %dma_wait3A_13 = tpu.memref_slice %arg5[%arg0, %mul3A_2, %dma_wait3A] : memref<2x10240x8xf32, #tpu.memory_space<hbm>> -> memref<1x640x8xf32, #tpu.memory_space<hbm>>
      %dma_wait3A_14 = tpu.memref_squeeze %dma_wait3A_13 : memref<1x640x8xf32, #tpu.memory_space<hbm>> -> memref<640x8xf32, #tpu.memory_space<hbm>>
      %dma_wait3A_15 = arith.constant 0 : i32
      %dma_wait3A_16 = tpu.memref_slice %arg8[%mul3A_2, %dma_wait3A_15] : memref<10240x8xf32, #tpu.memory_space<vmem_shared>> -> memref<640x8xf32, #tpu.memory_space<vmem_shared>>
      tpu.wait_dma2 semaphore(%run_scoped3A : memref<!tpu.dma_semaphore, #tpu.memory_space<semaphore_mem>>) src(%dma_wait3A_16 : memref<640x8xf32, #tpu.memory_space<vmem_shared>>) dst(%dma_wait3A_14 : memref<640x8xf32, #tpu.memory_space<hbm>>)
      tpu.yield
    }) : () -> ()
    return
  }
}

#map = affine_map<(d0, d1) -> (0, 0)>
#map1 = affine_map<(d0, d1) -> (0, 0, 0)>
module attributes {stable_mosaic.version = 14 : i64} {
  func.func @body(%arg0: i32, %arg1: i32, %arg2: memref<10240x64xf32, #tpu.memory_space<hbm>>, %arg3: memref<16x160x128xi32, #tpu.memory_space<hbm>>, %arg4: memref<16x160x128xi32, #tpu.memory_space<hbm>>, %arg5: memref<10240x32xf32, #tpu.memory_space<hbm>>, %arg6: memref<10240x64xf32, #tpu.memory_space<hbm>>, %arg7: memref<160x128xi32, #tpu.memory_space<vmem>>, %arg8: memref<160x128xi32, #tpu.memory_space<vmem>>, %arg9: memref<2x4x128x32xf32, #tpu.memory_space<vmem>>, %arg10: memref<10240x32xf32, #tpu.memory_space<vmem_shared>>, %arg11: memref<10240x32xf32, #tpu.memory_space<vmem_shared>>, %arg12: memref<!tpu.dma_semaphore, #tpu.memory_space<semaphore_mem>>, %arg13: memref<!tpu.dma_semaphore, #tpu.memory_space<semaphore_mem>>) attributes {dimension_semantics = [#tpu.dimension_semantics<core_parallel>, #tpu.dimension_semantics<subcore_parallel>], iteration_bounds = array<i64: 2, 16>, scalar_prefetch = 0 : i64, scratch_operands = 7 : i64, tpu.core_type = #tpu.core_type<sc_vector_subcore>, window_params = [{transform_indices = #map}, {transform_indices = #map1}, {transform_indices = #map1}, {transform_indices = #map}, {transform_indices = #map}]} {
    "tpu.region"() ({
      %run_scoped3A = tpu.sem_alloc : memref<!tpu.dma_semaphore, #tpu.memory_space<semaphore_mem>>
      %dma_start3A_60 = arith.constant 0 : i32
      %dma_start3A_61 = arith.constant 0 : i32
      %dma_start3A_62 = tpu.memref_slice %arg3[%arg1, %dma_start3A_60, %dma_start3A_61] : memref<16x160x128xi32, #tpu.memory_space<hbm>> -> memref<1x160x128xi32, #tpu.memory_space<hbm>>
      %dma_start3A_63 = tpu.memref_squeeze %dma_start3A_62 : memref<1x160x128xi32, #tpu.memory_space<hbm>> -> memref<160x128xi32, #tpu.memory_space<hbm>>
      %dma_start3A_64 = arith.constant 0 : i32
      %dma_start3A_65 = arith.constant 0 : i32
      %dma_start3A_66 = tpu.memref_slice %arg3[%arg1, %dma_start3A_64, %dma_start3A_65] : memref<16x160x128xi32, #tpu.memory_space<hbm>> -> memref<1x160x128xi32, #tpu.memory_space<hbm>>
      %dma_start3A_67 = tpu.memref_squeeze %dma_start3A_66 : memref<1x160x128xi32, #tpu.memory_space<hbm>> -> memref<160x128xi32, #tpu.memory_space<hbm>>
      tpu.enqueue_dma source(%dma_start3A_67 : memref<160x128xi32, #tpu.memory_space<hbm>>) target(%arg7 : memref<160x128xi32, #tpu.memory_space<vmem>>) target_semaphore(%run_scoped3A : memref<!tpu.dma_semaphore, #tpu.memory_space<semaphore_mem>>)
      %dma_wait3A = arith.constant 0 : i32
      %dma_wait3A_68 = arith.constant 0 : i32
      %dma_wait3A_69 = tpu.memref_slice %arg3[%arg1, %dma_wait3A, %dma_wait3A_68] : memref<16x160x128xi32, #tpu.memory_space<hbm>> -> memref<1x160x128xi32, #tpu.memory_space<hbm>>
      %dma_wait3A_70 = tpu.memref_squeeze %dma_wait3A_69 : memref<1x160x128xi32, #tpu.memory_space<hbm>> -> memref<160x128xi32, #tpu.memory_space<hbm>>
      %dma_wait3A_71 = arith.constant 0 : i32
      %dma_wait3A_72 = arith.constant 0 : i32
      %dma_wait3A_73 = tpu.memref_slice %arg3[%arg1, %dma_wait3A_71, %dma_wait3A_72] : memref<16x160x128xi32, #tpu.memory_space<hbm>> -> memref<1x160x128xi32, #tpu.memory_space<hbm>>
      %dma_wait3A_74 = tpu.memref_squeeze %dma_wait3A_73 : memref<1x160x128xi32, #tpu.memory_space<hbm>> -> memref<160x128xi32, #tpu.memory_space<hbm>>
      tpu.wait_dma2 semaphore(%run_scoped3A : memref<!tpu.dma_semaphore, #tpu.memory_space<semaphore_mem>>) src(%dma_wait3A_74 : memref<160x128xi32, #tpu.memory_space<hbm>>) dst(%arg7 : memref<160x128xi32, #tpu.memory_space<vmem>>)
      tpu.yield
    }) : () -> ()
    "tpu.region"() ({
      %run_scoped3A = tpu.sem_alloc : memref<!tpu.dma_semaphore, #tpu.memory_space<semaphore_mem>>
      %dma_start3A_60 = arith.constant 0 : i32
      %dma_start3A_61 = arith.constant 0 : i32
      %dma_start3A_62 = tpu.memref_slice %arg4[%arg1, %dma_start3A_60, %dma_start3A_61] : memref<16x160x128xi32, #tpu.memory_space<hbm>> -> memref<1x160x128xi32, #tpu.memory_space<hbm>>
      %dma_start3A_63 = tpu.memref_squeeze %dma_start3A_62 : memref<1x160x128xi32, #tpu.memory_space<hbm>> -> memref<160x128xi32, #tpu.memory_space<hbm>>
      %dma_start3A_64 = arith.constant 0 : i32
      %dma_start3A_65 = arith.constant 0 : i32
      %dma_start3A_66 = tpu.memref_slice %arg4[%arg1, %dma_start3A_64, %dma_start3A_65] : memref<16x160x128xi32, #tpu.memory_space<hbm>> -> memref<1x160x128xi32, #tpu.memory_space<hbm>>
      %dma_start3A_67 = tpu.memref_squeeze %dma_start3A_66 : memref<1x160x128xi32, #tpu.memory_space<hbm>> -> memref<160x128xi32, #tpu.memory_space<hbm>>
      tpu.enqueue_dma source(%dma_start3A_67 : memref<160x128xi32, #tpu.memory_space<hbm>>) target(%arg8 : memref<160x128xi32, #tpu.memory_space<vmem>>) target_semaphore(%run_scoped3A : memref<!tpu.dma_semaphore, #tpu.memory_space<semaphore_mem>>)
      %dma_wait3A = arith.constant 0 : i32
      %dma_wait3A_68 = arith.constant 0 : i32
      %dma_wait3A_69 = tpu.memref_slice %arg4[%arg1, %dma_wait3A, %dma_wait3A_68] : memref<16x160x128xi32, #tpu.memory_space<hbm>> -> memref<1x160x128xi32, #tpu.memory_space<hbm>>
      %dma_wait3A_70 = tpu.memref_squeeze %dma_wait3A_69 : memref<1x160x128xi32, #tpu.memory_space<hbm>> -> memref<160x128xi32, #tpu.memory_space<hbm>>
      %dma_wait3A_71 = arith.constant 0 : i32
      %dma_wait3A_72 = arith.constant 0 : i32
      %dma_wait3A_73 = tpu.memref_slice %arg4[%arg1, %dma_wait3A_71, %dma_wait3A_72] : memref<16x160x128xi32, #tpu.memory_space<hbm>> -> memref<1x160x128xi32, #tpu.memory_space<hbm>>
      %dma_wait3A_74 = tpu.memref_squeeze %dma_wait3A_73 : memref<1x160x128xi32, #tpu.memory_space<hbm>> -> memref<160x128xi32, #tpu.memory_space<hbm>>
      tpu.wait_dma2 semaphore(%run_scoped3A : memref<!tpu.dma_semaphore, #tpu.memory_space<semaphore_mem>>) src(%dma_wait3A_74 : memref<160x128xi32, #tpu.memory_space<hbm>>) dst(%arg8 : memref<160x128xi32, #tpu.memory_space<vmem>>)
      tpu.yield
    }) : () -> ()
    %mul3A = arith.constant 640 : i32
    %mul3A_0 = arith.muli %arg1, %mul3A : i32
    %mul3A_1 = arith.constant 32 : i32
    %mul3A_2 = arith.muli %arg0, %mul3A_1 : i32
    "tpu.region"() ({
      %run_scoped3A = tpu.sem_alloc : memref<!tpu.dma_semaphore, #tpu.memory_space<semaphore_mem>>
      %dma_start3A_60 = arith.constant 0 : i32
      %dma_start3A_61 = tpu.memref_slice %arg11[%mul3A_0, %dma_start3A_60] : memref<10240x32xf32, #tpu.memory_space<vmem_shared>> -> memref<640x32xf32, #tpu.memory_space<vmem_shared>>
      %dma_start3A_62 = arith.constant 0 : i32
      %dma_start3A_63 = tpu.memref_slice %arg5[%mul3A_0, %dma_start3A_62] : memref<10240x32xf32, #tpu.memory_space<hbm>> -> memref<640x32xf32, #tpu.memory_space<hbm>>
      tpu.enqueue_dma source(%dma_start3A_63 : memref<640x32xf32, #tpu.memory_space<hbm>>) target(%dma_start3A_61 : memref<640x32xf32, #tpu.memory_space<vmem_shared>>) target_semaphore(%run_scoped3A : memref<!tpu.dma_semaphore, #tpu.memory_space<semaphore_mem>>)
      %dma_wait3A = arith.constant 0 : i32
      %dma_wait3A_64 = tpu.memref_slice %arg11[%mul3A_0, %dma_wait3A] : memref<10240x32xf32, #tpu.memory_space<vmem_shared>> -> memref<640x32xf32, #tpu.memory_space<vmem_shared>>
      %dma_wait3A_65 = arith.constant 0 : i32
      %dma_wait3A_66 = tpu.memref_slice %arg5[%mul3A_0, %dma_wait3A_65] : memref<10240x32xf32, #tpu.memory_space<hbm>> -> memref<640x32xf32, #tpu.memory_space<hbm>>
      tpu.wait_dma2 semaphore(%run_scoped3A : memref<!tpu.dma_semaphore, #tpu.memory_space<semaphore_mem>>) src(%dma_wait3A_66 : memref<640x32xf32, #tpu.memory_space<hbm>>) dst(%dma_wait3A_64 : memref<640x32xf32, #tpu.memory_space<vmem_shared>>)
      tpu.yield
    }) : () -> ()
    "tpu.region"() ({
      %run_scoped3A = tpu.sem_alloc : memref<!tpu.dma_semaphore, #tpu.memory_space<semaphore_mem>>
      %dma_start3A_60 = arith.constant 0 : i32
      %dma_start3A_61 = tpu.memref_slice %arg10[%mul3A_0, %dma_start3A_60] : memref<10240x32xf32, #tpu.memory_space<vmem_shared>> -> memref<640x32xf32, #tpu.memory_space<vmem_shared>>
      %dma_start3A_62 = tpu.memref_slice %arg2[%mul3A_0, %mul3A_2] : memref<10240x64xf32, #tpu.memory_space<hbm>> -> memref<640x32xf32, #tpu.memory_space<hbm>>
      tpu.enqueue_dma source(%dma_start3A_62 : memref<640x32xf32, #tpu.memory_space<hbm>>) target(%dma_start3A_61 : memref<640x32xf32, #tpu.memory_space<vmem_shared>>) target_semaphore(%run_scoped3A : memref<!tpu.dma_semaphore, #tpu.memory_space<semaphore_mem>>)
      %dma_wait3A = arith.constant 0 : i32
      %dma_wait3A_63 = tpu.memref_slice %arg10[%mul3A_0, %dma_wait3A] : memref<10240x32xf32, #tpu.memory_space<vmem_shared>> -> memref<640x32xf32, #tpu.memory_space<vmem_shared>>
      %dma_wait3A_64 = tpu.memref_slice %arg2[%mul3A_0, %mul3A_2] : memref<10240x64xf32, #tpu.memory_space<hbm>> -> memref<640x32xf32, #tpu.memory_space<hbm>>
      tpu.wait_dma2 semaphore(%run_scoped3A : memref<!tpu.dma_semaphore, #tpu.memory_space<semaphore_mem>>) src(%dma_wait3A_64 : memref<640x32xf32, #tpu.memory_space<hbm>>) dst(%dma_wait3A_63 : memref<640x32xf32, #tpu.memory_space<vmem_shared>>)
      tpu.yield
    }) : () -> ()
    %barrier3A = arith.constant 0 : index
    tpu.barrier barrier_id(%barrier3A)
    %dma_start3A = arith.constant 0 : i32
    %dma_start3A_3 = arith.constant 0 : i32
    %dma_start3A_4 = arith.constant 0 : i32
    %dma_start3A_5 = arith.constant 0 : i32
    %dma_start3A_6 = arith.constant 0 : i32
    %dma_start3A_7 = tpu.memref_slice %arg9[%dma_start3A_3, %dma_start3A_4, %dma_start3A_5, %dma_start3A_6] : memref<2x4x128x32xf32, #tpu.memory_space<vmem>> -> memref<1x1x128x32xf32, #tpu.memory_space<vmem>>
    %dma_start3A_8 = tpu.memref_squeeze %dma_start3A_7 : memref<1x1x128x32xf32, #tpu.memory_space<vmem>> -> memref<128x32xf32, #tpu.memory_space<vmem>>
    %dma_start3A_9 = arith.constant 0 : i32
    %dma_start3A_10 = tpu.memref_slice %arg7[%dma_start3A, %dma_start3A_9] : memref<160x128xi32, #tpu.memory_space<vmem>> -> memref<1x128xi32, #tpu.memory_space<vmem>>
    %dma_start3A_11 = tpu.memref_squeeze %dma_start3A_10 : memref<1x128xi32, #tpu.memory_space<vmem>> -> memref<128xi32, #tpu.memory_space<vmem>>
    %dma_start3A_12 = arith.constant 0 : i32
    %dma_start3A_13 = arith.constant 0 : i32
    %dma_start3A_14 = tpu.memref_slice %arg10[%dma_start3A_12, %dma_start3A_13] : memref<10240x32xf32, #tpu.memory_space<vmem_shared>> -> memref<10240x32xf32, #tpu.memory_space<vmem_shared>>
    tpu.enqueue_indirect_dma source(%dma_start3A_14 : memref<10240x32xf32, #tpu.memory_space<vmem_shared>>) target(%dma_start3A_8 : memref<128x32xf32, #tpu.memory_space<vmem>>) offsets(%dma_start3A_11 : memref<128xi32, #tpu.memory_space<vmem>>) semaphore(%arg12 : memref<!tpu.dma_semaphore, #tpu.memory_space<semaphore_mem>>)
    %dma_start3A_15 = arith.constant 1 : i32
    %dma_start3A_16 = arith.constant 0 : i32
    %dma_start3A_17 = arith.constant 1 : i32
    %dma_start3A_18 = arith.constant 0 : i32
    %dma_start3A_19 = arith.constant 0 : i32
    %dma_start3A_20 = tpu.memref_slice %arg9[%dma_start3A_16, %dma_start3A_17, %dma_start3A_18, %dma_start3A_19] : memref<2x4x128x32xf32, #tpu.memory_space<vmem>> -> memref<1x1x128x32xf32, #tpu.memory_space<vmem>>
    %dma_start3A_21 = tpu.memref_squeeze %dma_start3A_20 : memref<1x1x128x32xf32, #tpu.memory_space<vmem>> -> memref<128x32xf32, #tpu.memory_space<vmem>>
    %dma_start3A_22 = arith.constant 0 : i32
    %dma_start3A_23 = tpu.memref_slice %arg7[%dma_start3A_15, %dma_start3A_22] : memref<160x128xi32, #tpu.memory_space<vmem>> -> memref<1x128xi32, #tpu.memory_space<vmem>>
    %dma_start3A_24 = tpu.memref_squeeze %dma_start3A_23 : memref<1x128xi32, #tpu.memory_space<vmem>> -> memref<128xi32, #tpu.memory_space<vmem>>
    %dma_start3A_25 = arith.constant 0 : i32
    %dma_start3A_26 = arith.constant 0 : i32
    %dma_start3A_27 = tpu.memref_slice %arg10[%dma_start3A_25, %dma_start3A_26] : memref<10240x32xf32, #tpu.memory_space<vmem_shared>> -> memref<10240x32xf32, #tpu.memory_space<vmem_shared>>
    tpu.enqueue_indirect_dma source(%dma_start3A_27 : memref<10240x32xf32, #tpu.memory_space<vmem_shared>>) target(%dma_start3A_21 : memref<128x32xf32, #tpu.memory_space<vmem>>) offsets(%dma_start3A_24 : memref<128xi32, #tpu.memory_space<vmem>>) semaphore(%arg12 : memref<!tpu.dma_semaphore, #tpu.memory_space<semaphore_mem>>)
    %dma_start3A_28 = arith.constant 2 : i32
    %dma_start3A_29 = arith.constant 0 : i32
    %dma_start3A_30 = arith.constant 2 : i32
    %dma_start3A_31 = arith.constant 0 : i32
    %dma_start3A_32 = arith.constant 0 : i32
    %dma_start3A_33 = tpu.memref_slice %arg9[%dma_start3A_29, %dma_start3A_30, %dma_start3A_31, %dma_start3A_32] : memref<2x4x128x32xf32, #tpu.memory_space<vmem>> -> memref<1x1x128x32xf32, #tpu.memory_space<vmem>>
    %dma_start3A_34 = tpu.memref_squeeze %dma_start3A_33 : memref<1x1x128x32xf32, #tpu.memory_space<vmem>> -> memref<128x32xf32, #tpu.memory_space<vmem>>
    %dma_start3A_35 = arith.constant 0 : i32
    %dma_start3A_36 = tpu.memref_slice %arg7[%dma_start3A_28, %dma_start3A_35] : memref<160x128xi32, #tpu.memory_space<vmem>> -> memref<1x128xi32, #tpu.memory_space<vmem>>
    %dma_start3A_37 = tpu.memref_squeeze %dma_start3A_36 : memref<1x128xi32, #tpu.memory_space<vmem>> -> memref<128xi32, #tpu.memory_space<vmem>>
    %dma_start3A_38 = arith.constant 0 : i32
    %dma_start3A_39 = arith.constant 0 : i32
    %dma_start3A_40 = tpu.memref_slice %arg10[%dma_start3A_38, %dma_start3A_39] : memref<10240x32xf32, #tpu.memory_space<vmem_shared>> -> memref<10240x32xf32, #tpu.memory_space<vmem_shared>>
    tpu.enqueue_indirect_dma source(%dma_start3A_40 : memref<10240x32xf32, #tpu.memory_space<vmem_shared>>) target(%dma_start3A_34 : memref<128x32xf32, #tpu.memory_space<vmem>>) offsets(%dma_start3A_37 : memref<128xi32, #tpu.memory_space<vmem>>) semaphore(%arg12 : memref<!tpu.dma_semaphore, #tpu.memory_space<semaphore_mem>>)
    %dma_start3A_41 = arith.constant 3 : i32
    %dma_start3A_42 = arith.constant 0 : i32
    %dma_start3A_43 = arith.constant 3 : i32
    %dma_start3A_44 = arith.constant 0 : i32
    %dma_start3A_45 = arith.constant 0 : i32
    %dma_start3A_46 = tpu.memref_slice %arg9[%dma_start3A_42, %dma_start3A_43, %dma_start3A_44, %dma_start3A_45] : memref<2x4x128x32xf32, #tpu.memory_space<vmem>> -> memref<1x1x128x32xf32, #tpu.memory_space<vmem>>
    %dma_start3A_47 = tpu.memref_squeeze %dma_start3A_46 : memref<1x1x128x32xf32, #tpu.memory_space<vmem>> -> memref<128x32xf32, #tpu.memory_space<vmem>>
    %dma_start3A_48 = arith.constant 0 : i32
    %dma_start3A_49 = tpu.memref_slice %arg7[%dma_start3A_41, %dma_start3A_48] : memref<160x128xi32, #tpu.memory_space<vmem>> -> memref<1x128xi32, #tpu.memory_space<vmem>>
    %dma_start3A_50 = tpu.memref_squeeze %dma_start3A_49 : memref<1x128xi32, #tpu.memory_space<vmem>> -> memref<128xi32, #tpu.memory_space<vmem>>
    %dma_start3A_51 = arith.constant 0 : i32
    %dma_start3A_52 = arith.constant 0 : i32
    %dma_start3A_53 = tpu.memref_slice %arg10[%dma_start3A_51, %dma_start3A_52] : memref<10240x32xf32, #tpu.memory_space<vmem_shared>> -> memref<10240x32xf32, #tpu.memory_space<vmem_shared>>
    tpu.enqueue_indirect_dma source(%dma_start3A_53 : memref<10240x32xf32, #tpu.memory_space<vmem_shared>>) target(%dma_start3A_47 : memref<128x32xf32, #tpu.memory_space<vmem>>) offsets(%dma_start3A_50 : memref<128xi32, #tpu.memory_space<vmem>>) semaphore(%arg12 : memref<!tpu.dma_semaphore, #tpu.memory_space<semaphore_mem>>)
    %scan3A = arith.constant 0 : i32
    %scan3A_54 = arith.constant 0 : i32
    %scan3A_55 = arith.constant 40 : i32
    %scan3A_56 = arith.addi %scan3A_54, %scan3A_55 : i32
    %scan3A_57 = arith.constant 1 : i32
    scf.for %scan3A_60 = %scan3A_54 to %scan3A_56 step %scan3A_57  : i32 {
      %rem3A = arith.constant 2 : i32
      %rem3A_61 = arith.remsi %scan3A_60, %rem3A : i32
      %sub3A = arith.constant 1 : i32
      %sub3A_62 = arith.subi %sub3A, %rem3A_61 : i32
      %mul3A_63 = arith.constant 4 : i32
      %mul3A_64 = arith.muli %scan3A_60, %mul3A_63 : i32
      %add3A = arith.constant 4 : i32
      %add3A_65 = arith.addi %mul3A_64, %add3A : i32
      %add3A_66 = arith.constant 1 : i32
      %add3A_67 = arith.addi %scan3A_60, %add3A_66 : i32
      %lt3A = arith.constant 40 : i32
      %lt3A_68 = arith.cmpi slt, %add3A_67, %lt3A : i32
      %convert_element_type3A = arith.extui %lt3A_68 : i1 to i32
      %cond3A = arith.constant 0 : i32
      %cond3A_69 = arith.cmpi ne, %convert_element_type3A, %cond3A : i32
      scf.if %cond3A_69 {
        %add3A_225 = arith.constant 0 : i32
        %add3A_226 = arith.addi %add3A_65, %add3A_225 : i32
        %dma_start3A_227 = arith.constant 0 : i32
        %dma_start3A_228 = arith.constant 0 : i32
        %dma_start3A_229 = arith.constant 0 : i32
        %dma_start3A_230 = tpu.memref_slice %arg9[%sub3A_62, %dma_start3A_227, %dma_start3A_228, %dma_start3A_229] : memref<2x4x128x32xf32, #tpu.memory_space<vmem>> -> memref<1x1x128x32xf32, #tpu.memory_space<vmem>>
        %dma_start3A_231 = tpu.memref_squeeze %dma_start3A_230 : memref<1x1x128x32xf32, #tpu.memory_space<vmem>> -> memref<128x32xf32, #tpu.memory_space<vmem>>
        %dma_start3A_232 = arith.constant 0 : i32
        %dma_start3A_233 = tpu.memref_slice %arg7[%add3A_226, %dma_start3A_232] : memref<160x128xi32, #tpu.memory_space<vmem>> -> memref<1x128xi32, #tpu.memory_space<vmem>>
        %dma_start3A_234 = tpu.memref_squeeze %dma_start3A_233 : memref<1x128xi32, #tpu.memory_space<vmem>> -> memref<128xi32, #tpu.memory_space<vmem>>
        %dma_start3A_235 = arith.constant 0 : i32
        %dma_start3A_236 = arith.constant 0 : i32
        %dma_start3A_237 = tpu.memref_slice %arg10[%dma_start3A_235, %dma_start3A_236] : memref<10240x32xf32, #tpu.memory_space<vmem_shared>> -> memref<10240x32xf32, #tpu.memory_space<vmem_shared>>
        tpu.enqueue_indirect_dma source(%dma_start3A_237 : memref<10240x32xf32, #tpu.memory_space<vmem_shared>>) target(%dma_start3A_231 : memref<128x32xf32, #tpu.memory_space<vmem>>) offsets(%dma_start3A_234 : memref<128xi32, #tpu.memory_space<vmem>>) semaphore(%arg12 : memref<!tpu.dma_semaphore, #tpu.memory_space<semaphore_mem>>)
        %add3A_238 = arith.constant 1 : i32
        %add3A_239 = arith.addi %add3A_65, %add3A_238 : i32
        %dma_start3A_240 = arith.constant 1 : i32
        %dma_start3A_241 = arith.constant 0 : i32
        %dma_start3A_242 = arith.constant 0 : i32
        %dma_start3A_243 = tpu.memref_slice %arg9[%sub3A_62, %dma_start3A_240, %dma_start3A_241, %dma_start3A_242] : memref<2x4x128x32xf32, #tpu.memory_space<vmem>> -> memref<1x1x128x32xf32, #tpu.memory_space<vmem>>
        %dma_start3A_244 = tpu.memref_squeeze %dma_start3A_243 : memref<1x1x128x32xf32, #tpu.memory_space<vmem>> -> memref<128x32xf32, #tpu.memory_space<vmem>>
        %dma_start3A_245 = arith.constant 0 : i32
        %dma_start3A_246 = tpu.memref_slice %arg7[%add3A_239, %dma_start3A_245] : memref<160x128xi32, #tpu.memory_space<vmem>> -> memref<1x128xi32, #tpu.memory_space<vmem>>
        %dma_start3A_247 = tpu.memref_squeeze %dma_start3A_246 : memref<1x128xi32, #tpu.memory_space<vmem>> -> memref<128xi32, #tpu.memory_space<vmem>>
        %dma_start3A_248 = arith.constant 0 : i32
        %dma_start3A_249 = arith.constant 0 : i32
        %dma_start3A_250 = tpu.memref_slice %arg10[%dma_start3A_248, %dma_start3A_249] : memref<10240x32xf32, #tpu.memory_space<vmem_shared>> -> memref<10240x32xf32, #tpu.memory_space<vmem_shared>>
        tpu.enqueue_indirect_dma source(%dma_start3A_250 : memref<10240x32xf32, #tpu.memory_space<vmem_shared>>) target(%dma_start3A_244 : memref<128x32xf32, #tpu.memory_space<vmem>>) offsets(%dma_start3A_247 : memref<128xi32, #tpu.memory_space<vmem>>) semaphore(%arg12 : memref<!tpu.dma_semaphore, #tpu.memory_space<semaphore_mem>>)
        %add3A_251 = arith.constant 2 : i32
        %add3A_252 = arith.addi %add3A_65, %add3A_251 : i32
        %dma_start3A_253 = arith.constant 2 : i32
        %dma_start3A_254 = arith.constant 0 : i32
        %dma_start3A_255 = arith.constant 0 : i32
        %dma_start3A_256 = tpu.memref_slice %arg9[%sub3A_62, %dma_start3A_253, %dma_start3A_254, %dma_start3A_255] : memref<2x4x128x32xf32, #tpu.memory_space<vmem>> -> memref<1x1x128x32xf32, #tpu.memory_space<vmem>>
        %dma_start3A_257 = tpu.memref_squeeze %dma_start3A_256 : memref<1x1x128x32xf32, #tpu.memory_space<vmem>> -> memref<128x32xf32, #tpu.memory_space<vmem>>
        %dma_start3A_258 = arith.constant 0 : i32
        %dma_start3A_259 = tpu.memref_slice %arg7[%add3A_252, %dma_start3A_258] : memref<160x128xi32, #tpu.memory_space<vmem>> -> memref<1x128xi32, #tpu.memory_space<vmem>>
        %dma_start3A_260 = tpu.memref_squeeze %dma_start3A_259 : memref<1x128xi32, #tpu.memory_space<vmem>> -> memref<128xi32, #tpu.memory_space<vmem>>
        %dma_start3A_261 = arith.constant 0 : i32
        %dma_start3A_262 = arith.constant 0 : i32
        %dma_start3A_263 = tpu.memref_slice %arg10[%dma_start3A_261, %dma_start3A_262] : memref<10240x32xf32, #tpu.memory_space<vmem_shared>> -> memref<10240x32xf32, #tpu.memory_space<vmem_shared>>
        tpu.enqueue_indirect_dma source(%dma_start3A_263 : memref<10240x32xf32, #tpu.memory_space<vmem_shared>>) target(%dma_start3A_257 : memref<128x32xf32, #tpu.memory_space<vmem>>) offsets(%dma_start3A_260 : memref<128xi32, #tpu.memory_space<vmem>>) semaphore(%arg12 : memref<!tpu.dma_semaphore, #tpu.memory_space<semaphore_mem>>)
        %add3A_264 = arith.constant 3 : i32
        %add3A_265 = arith.addi %add3A_65, %add3A_264 : i32
        %dma_start3A_266 = arith.constant 3 : i32
        %dma_start3A_267 = arith.constant 0 : i32
        %dma_start3A_268 = arith.constant 0 : i32
        %dma_start3A_269 = tpu.memref_slice %arg9[%sub3A_62, %dma_start3A_266, %dma_start3A_267, %dma_start3A_268] : memref<2x4x128x32xf32, #tpu.memory_space<vmem>> -> memref<1x1x128x32xf32, #tpu.memory_space<vmem>>
        %dma_start3A_270 = tpu.memref_squeeze %dma_start3A_269 : memref<1x1x128x32xf32, #tpu.memory_space<vmem>> -> memref<128x32xf32, #tpu.memory_space<vmem>>
        %dma_start3A_271 = arith.constant 0 : i32
        %dma_start3A_272 = tpu.memref_slice %arg7[%add3A_265, %dma_start3A_271] : memref<160x128xi32, #tpu.memory_space<vmem>> -> memref<1x128xi32, #tpu.memory_space<vmem>>
        %dma_start3A_273 = tpu.memref_squeeze %dma_start3A_272 : memref<1x128xi32, #tpu.memory_space<vmem>> -> memref<128xi32, #tpu.memory_space<vmem>>
        %dma_start3A_274 = arith.constant 0 : i32
        %dma_start3A_275 = arith.constant 0 : i32
        %dma_start3A_276 = tpu.memref_slice %arg10[%dma_start3A_274, %dma_start3A_275] : memref<10240x32xf32, #tpu.memory_space<vmem_shared>> -> memref<10240x32xf32, #tpu.memory_space<vmem_shared>>
        tpu.enqueue_indirect_dma source(%dma_start3A_276 : memref<10240x32xf32, #tpu.memory_space<vmem_shared>>) target(%dma_start3A_270 : memref<128x32xf32, #tpu.memory_space<vmem>>) offsets(%dma_start3A_273 : memref<128xi32, #tpu.memory_space<vmem>>) semaphore(%arg12 : memref<!tpu.dma_semaphore, #tpu.memory_space<semaphore_mem>>)
      } else {
      }
      %add3A_70 = arith.constant 0 : i32
      %add3A_71 = arith.addi %mul3A_64, %add3A_70 : i32
      %dma_wait3A = arith.constant 0 : i32
      %dma_wait3A_72 = arith.constant 0 : i32
      %dma_wait3A_73 = arith.constant 0 : i32
      %dma_wait3A_74 = tpu.memref_slice %arg9[%rem3A_61, %dma_wait3A, %dma_wait3A_72, %dma_wait3A_73] : memref<2x4x128x32xf32, #tpu.memory_space<vmem>> -> memref<1x1x128x32xf32, #tpu.memory_space<vmem>>
      %dma_wait3A_75 = tpu.memref_squeeze %dma_wait3A_74 : memref<1x1x128x32xf32, #tpu.memory_space<vmem>> -> memref<128x32xf32, #tpu.memory_space<vmem>>
      %dma_wait3A_76 = arith.constant 0 : i32
      %dma_wait3A_77 = tpu.memref_slice %arg7[%add3A_71, %dma_wait3A_76] : memref<160x128xi32, #tpu.memory_space<vmem>> -> memref<1x128xi32, #tpu.memory_space<vmem>>
      %dma_wait3A_78 = tpu.memref_squeeze %dma_wait3A_77 : memref<1x128xi32, #tpu.memory_space<vmem>> -> memref<128xi32, #tpu.memory_space<vmem>>
      %dma_wait3A_79 = arith.constant 0 : i32
      %dma_wait3A_80 = arith.constant 0 : i32
      %dma_wait3A_81 = tpu.memref_slice %arg10[%dma_wait3A_79, %dma_wait3A_80] : memref<10240x32xf32, #tpu.memory_space<vmem_shared>> -> memref<10240x32xf32, #tpu.memory_space<vmem_shared>>
      tpu.wait_indirect_dma semaphore(%arg12 : memref<!tpu.dma_semaphore, #tpu.memory_space<semaphore_mem>>) src(%dma_wait3A_81 : memref<10240x32xf32, #tpu.memory_space<vmem_shared>>) dst(%dma_wait3A_75 : memref<128x32xf32, #tpu.memory_space<vmem>>)
      %add3A_82 = arith.constant 0 : i32
      %add3A_83 = arith.addi %mul3A_64, %add3A_82 : i32
      %dma_start3A_84 = arith.constant 0 : i32
      %dma_start3A_85 = arith.constant 0 : i32
      %dma_start3A_86 = arith.constant 0 : i32
      %dma_start3A_87 = tpu.memref_slice %arg9[%rem3A_61, %dma_start3A_84, %dma_start3A_85, %dma_start3A_86] : memref<2x4x128x32xf32, #tpu.memory_space<vmem>> -> memref<1x1x128x32xf32, #tpu.memory_space<vmem>>
      %dma_start3A_88 = tpu.memref_squeeze %dma_start3A_87 : memref<1x1x128x32xf32, #tpu.memory_space<vmem>> -> memref<128x32xf32, #tpu.memory_space<vmem>>
      %dma_start3A_89 = arith.constant 0 : i32
      %dma_start3A_90 = tpu.memref_slice %arg8[%add3A_83, %dma_start3A_89] : memref<160x128xi32, #tpu.memory_space<vmem>> -> memref<1x128xi32, #tpu.memory_space<vmem>>
      %dma_start3A_91 = tpu.memref_squeeze %dma_start3A_90 : memref<1x128xi32, #tpu.memory_space<vmem>> -> memref<128xi32, #tpu.memory_space<vmem>>
      %dma_start3A_92 = arith.constant 0 : i32
      %dma_start3A_93 = arith.constant 0 : i32
      %dma_start3A_94 = tpu.memref_slice %arg11[%dma_start3A_92, %dma_start3A_93] : memref<10240x32xf32, #tpu.memory_space<vmem_shared>> -> memref<10240x32xf32, #tpu.memory_space<vmem_shared>>
      tpu.enqueue_indirect_dma source(%dma_start3A_88 : memref<128x32xf32, #tpu.memory_space<vmem>>) target(%dma_start3A_94 : memref<10240x32xf32, #tpu.memory_space<vmem_shared>>) offsets(%dma_start3A_91 : memref<128xi32, #tpu.memory_space<vmem>>) semaphore(%arg13 : memref<!tpu.dma_semaphore, #tpu.memory_space<semaphore_mem>>) {add = true}
      %add3A_95 = arith.constant 1 : i32
      %add3A_96 = arith.addi %mul3A_64, %add3A_95 : i32
      %dma_wait3A_97 = arith.constant 1 : i32
      %dma_wait3A_98 = arith.constant 0 : i32
      %dma_wait3A_99 = arith.constant 0 : i32
      %dma_wait3A_100 = tpu.memref_slice %arg9[%rem3A_61, %dma_wait3A_97, %dma_wait3A_98, %dma_wait3A_99] : memref<2x4x128x32xf32, #tpu.memory_space<vmem>> -> memref<1x1x128x32xf32, #tpu.memory_space<vmem>>
      %dma_wait3A_101 = tpu.memref_squeeze %dma_wait3A_100 : memref<1x1x128x32xf32, #tpu.memory_space<vmem>> -> memref<128x32xf32, #tpu.memory_space<vmem>>
      %dma_wait3A_102 = arith.constant 0 : i32
      %dma_wait3A_103 = tpu.memref_slice %arg7[%add3A_96, %dma_wait3A_102] : memref<160x128xi32, #tpu.memory_space<vmem>> -> memref<1x128xi32, #tpu.memory_space<vmem>>
      %dma_wait3A_104 = tpu.memref_squeeze %dma_wait3A_103 : memref<1x128xi32, #tpu.memory_space<vmem>> -> memref<128xi32, #tpu.memory_space<vmem>>
      %dma_wait3A_105 = arith.constant 0 : i32
      %dma_wait3A_106 = arith.constant 0 : i32
      %dma_wait3A_107 = tpu.memref_slice %arg10[%dma_wait3A_105, %dma_wait3A_106] : memref<10240x32xf32, #tpu.memory_space<vmem_shared>> -> memref<10240x32xf32, #tpu.memory_space<vmem_shared>>
      tpu.wait_indirect_dma semaphore(%arg12 : memref<!tpu.dma_semaphore, #tpu.memory_space<semaphore_mem>>) src(%dma_wait3A_107 : memref<10240x32xf32, #tpu.memory_space<vmem_shared>>) dst(%dma_wait3A_101 : memref<128x32xf32, #tpu.memory_space<vmem>>)
      %add3A_108 = arith.constant 1 : i32
      %add3A_109 = arith.addi %mul3A_64, %add3A_108 : i32
      %dma_start3A_110 = arith.constant 1 : i32
      %dma_start3A_111 = arith.constant 0 : i32
      %dma_start3A_112 = arith.constant 0 : i32
      %dma_start3A_113 = tpu.memref_slice %arg9[%rem3A_61, %dma_start3A_110, %dma_start3A_111, %dma_start3A_112] : memref<2x4x128x32xf32, #tpu.memory_space<vmem>> -> memref<1x1x128x32xf32, #tpu.memory_space<vmem>>
      %dma_start3A_114 = tpu.memref_squeeze %dma_start3A_113 : memref<1x1x128x32xf32, #tpu.memory_space<vmem>> -> memref<128x32xf32, #tpu.memory_space<vmem>>
      %dma_start3A_115 = arith.constant 0 : i32
      %dma_start3A_116 = tpu.memref_slice %arg8[%add3A_109, %dma_start3A_115] : memref<160x128xi32, #tpu.memory_space<vmem>> -> memref<1x128xi32, #tpu.memory_space<vmem>>
      %dma_start3A_117 = tpu.memref_squeeze %dma_start3A_116 : memref<1x128xi32, #tpu.memory_space<vmem>> -> memref<128xi32, #tpu.memory_space<vmem>>
      %dma_start3A_118 = arith.constant 0 : i32
      %dma_start3A_119 = arith.constant 0 : i32
      %dma_start3A_120 = tpu.memref_slice %arg11[%dma_start3A_118, %dma_start3A_119] : memref<10240x32xf32, #tpu.memory_space<vmem_shared>> -> memref<10240x32xf32, #tpu.memory_space<vmem_shared>>
      tpu.enqueue_indirect_dma source(%dma_start3A_114 : memref<128x32xf32, #tpu.memory_space<vmem>>) target(%dma_start3A_120 : memref<10240x32xf32, #tpu.memory_space<vmem_shared>>) offsets(%dma_start3A_117 : memref<128xi32, #tpu.memory_space<vmem>>) semaphore(%arg13 : memref<!tpu.dma_semaphore, #tpu.memory_space<semaphore_mem>>) {add = true}
      %add3A_121 = arith.constant 2 : i32
      %add3A_122 = arith.addi %mul3A_64, %add3A_121 : i32
      %dma_wait3A_123 = arith.constant 2 : i32
      %dma_wait3A_124 = arith.constant 0 : i32
      %dma_wait3A_125 = arith.constant 0 : i32
      %dma_wait3A_126 = tpu.memref_slice %arg9[%rem3A_61, %dma_wait3A_123, %dma_wait3A_124, %dma_wait3A_125] : memref<2x4x128x32xf32, #tpu.memory_space<vmem>> -> memref<1x1x128x32xf32, #tpu.memory_space<vmem>>
      %dma_wait3A_127 = tpu.memref_squeeze %dma_wait3A_126 : memref<1x1x128x32xf32, #tpu.memory_space<vmem>> -> memref<128x32xf32, #tpu.memory_space<vmem>>
      %dma_wait3A_128 = arith.constant 0 : i32
      %dma_wait3A_129 = tpu.memref_slice %arg7[%add3A_122, %dma_wait3A_128] : memref<160x128xi32, #tpu.memory_space<vmem>> -> memref<1x128xi32, #tpu.memory_space<vmem>>
      %dma_wait3A_130 = tpu.memref_squeeze %dma_wait3A_129 : memref<1x128xi32, #tpu.memory_space<vmem>> -> memref<128xi32, #tpu.memory_space<vmem>>
      %dma_wait3A_131 = arith.constant 0 : i32
      %dma_wait3A_132 = arith.constant 0 : i32
      %dma_wait3A_133 = tpu.memref_slice %arg10[%dma_wait3A_131, %dma_wait3A_132] : memref<10240x32xf32, #tpu.memory_space<vmem_shared>> -> memref<10240x32xf32, #tpu.memory_space<vmem_shared>>
      tpu.wait_indirect_dma semaphore(%arg12 : memref<!tpu.dma_semaphore, #tpu.memory_space<semaphore_mem>>) src(%dma_wait3A_133 : memref<10240x32xf32, #tpu.memory_space<vmem_shared>>) dst(%dma_wait3A_127 : memref<128x32xf32, #tpu.memory_space<vmem>>)
      %add3A_134 = arith.constant 2 : i32
      %add3A_135 = arith.addi %mul3A_64, %add3A_134 : i32
      %dma_start3A_136 = arith.constant 2 : i32
      %dma_start3A_137 = arith.constant 0 : i32
      %dma_start3A_138 = arith.constant 0 : i32
      %dma_start3A_139 = tpu.memref_slice %arg9[%rem3A_61, %dma_start3A_136, %dma_start3A_137, %dma_start3A_138] : memref<2x4x128x32xf32, #tpu.memory_space<vmem>> -> memref<1x1x128x32xf32, #tpu.memory_space<vmem>>
      %dma_start3A_140 = tpu.memref_squeeze %dma_start3A_139 : memref<1x1x128x32xf32, #tpu.memory_space<vmem>> -> memref<128x32xf32, #tpu.memory_space<vmem>>
      %dma_start3A_141 = arith.constant 0 : i32
      %dma_start3A_142 = tpu.memref_slice %arg8[%add3A_135, %dma_start3A_141] : memref<160x128xi32, #tpu.memory_space<vmem>> -> memref<1x128xi32, #tpu.memory_space<vmem>>
      %dma_start3A_143 = tpu.memref_squeeze %dma_start3A_142 : memref<1x128xi32, #tpu.memory_space<vmem>> -> memref<128xi32, #tpu.memory_space<vmem>>
      %dma_start3A_144 = arith.constant 0 : i32
      %dma_start3A_145 = arith.constant 0 : i32
      %dma_start3A_146 = tpu.memref_slice %arg11[%dma_start3A_144, %dma_start3A_145] : memref<10240x32xf32, #tpu.memory_space<vmem_shared>> -> memref<10240x32xf32, #tpu.memory_space<vmem_shared>>
      tpu.enqueue_indirect_dma source(%dma_start3A_140 : memref<128x32xf32, #tpu.memory_space<vmem>>) target(%dma_start3A_146 : memref<10240x32xf32, #tpu.memory_space<vmem_shared>>) offsets(%dma_start3A_143 : memref<128xi32, #tpu.memory_space<vmem>>) semaphore(%arg13 : memref<!tpu.dma_semaphore, #tpu.memory_space<semaphore_mem>>) {add = true}
      %add3A_147 = arith.constant 3 : i32
      %add3A_148 = arith.addi %mul3A_64, %add3A_147 : i32
      %dma_wait3A_149 = arith.constant 3 : i32
      %dma_wait3A_150 = arith.constant 0 : i32
      %dma_wait3A_151 = arith.constant 0 : i32
      %dma_wait3A_152 = tpu.memref_slice %arg9[%rem3A_61, %dma_wait3A_149, %dma_wait3A_150, %dma_wait3A_151] : memref<2x4x128x32xf32, #tpu.memory_space<vmem>> -> memref<1x1x128x32xf32, #tpu.memory_space<vmem>>
      %dma_wait3A_153 = tpu.memref_squeeze %dma_wait3A_152 : memref<1x1x128x32xf32, #tpu.memory_space<vmem>> -> memref<128x32xf32, #tpu.memory_space<vmem>>
      %dma_wait3A_154 = arith.constant 0 : i32
      %dma_wait3A_155 = tpu.memref_slice %arg7[%add3A_148, %dma_wait3A_154] : memref<160x128xi32, #tpu.memory_space<vmem>> -> memref<1x128xi32, #tpu.memory_space<vmem>>
      %dma_wait3A_156 = tpu.memref_squeeze %dma_wait3A_155 : memref<1x128xi32, #tpu.memory_space<vmem>> -> memref<128xi32, #tpu.memory_space<vmem>>
      %dma_wait3A_157 = arith.constant 0 : i32
      %dma_wait3A_158 = arith.constant 0 : i32
      %dma_wait3A_159 = tpu.memref_slice %arg10[%dma_wait3A_157, %dma_wait3A_158] : memref<10240x32xf32, #tpu.memory_space<vmem_shared>> -> memref<10240x32xf32, #tpu.memory_space<vmem_shared>>
      tpu.wait_indirect_dma semaphore(%arg12 : memref<!tpu.dma_semaphore, #tpu.memory_space<semaphore_mem>>) src(%dma_wait3A_159 : memref<10240x32xf32, #tpu.memory_space<vmem_shared>>) dst(%dma_wait3A_153 : memref<128x32xf32, #tpu.memory_space<vmem>>)
      %add3A_160 = arith.constant 3 : i32
      %add3A_161 = arith.addi %mul3A_64, %add3A_160 : i32
      %dma_start3A_162 = arith.constant 3 : i32
      %dma_start3A_163 = arith.constant 0 : i32
      %dma_start3A_164 = arith.constant 0 : i32
      %dma_start3A_165 = tpu.memref_slice %arg9[%rem3A_61, %dma_start3A_162, %dma_start3A_163, %dma_start3A_164] : memref<2x4x128x32xf32, #tpu.memory_space<vmem>> -> memref<1x1x128x32xf32, #tpu.memory_space<vmem>>
      %dma_start3A_166 = tpu.memref_squeeze %dma_start3A_165 : memref<1x1x128x32xf32, #tpu.memory_space<vmem>> -> memref<128x32xf32, #tpu.memory_space<vmem>>
      %dma_start3A_167 = arith.constant 0 : i32
      %dma_start3A_168 = tpu.memref_slice %arg8[%add3A_161, %dma_start3A_167] : memref<160x128xi32, #tpu.memory_space<vmem>> -> memref<1x128xi32, #tpu.memory_space<vmem>>
      %dma_start3A_169 = tpu.memref_squeeze %dma_start3A_168 : memref<1x128xi32, #tpu.memory_space<vmem>> -> memref<128xi32, #tpu.memory_space<vmem>>
      %dma_start3A_170 = arith.constant 0 : i32
      %dma_start3A_171 = arith.constant 0 : i32
      %dma_start3A_172 = tpu.memref_slice %arg11[%dma_start3A_170, %dma_start3A_171] : memref<10240x32xf32, #tpu.memory_space<vmem_shared>> -> memref<10240x32xf32, #tpu.memory_space<vmem_shared>>
      tpu.enqueue_indirect_dma source(%dma_start3A_166 : memref<128x32xf32, #tpu.memory_space<vmem>>) target(%dma_start3A_172 : memref<10240x32xf32, #tpu.memory_space<vmem_shared>>) offsets(%dma_start3A_169 : memref<128xi32, #tpu.memory_space<vmem>>) semaphore(%arg13 : memref<!tpu.dma_semaphore, #tpu.memory_space<semaphore_mem>>) {add = true}
      %add3A_173 = arith.constant 0 : i32
      %add3A_174 = arith.addi %mul3A_64, %add3A_173 : i32
      %dma_wait3A_175 = arith.constant 0 : i32
      %dma_wait3A_176 = arith.constant 0 : i32
      %dma_wait3A_177 = arith.constant 0 : i32
      %dma_wait3A_178 = tpu.memref_slice %arg9[%rem3A_61, %dma_wait3A_175, %dma_wait3A_176, %dma_wait3A_177] : memref<2x4x128x32xf32, #tpu.memory_space<vmem>> -> memref<1x1x128x32xf32, #tpu.memory_space<vmem>>
      %dma_wait3A_179 = tpu.memref_squeeze %dma_wait3A_178 : memref<1x1x128x32xf32, #tpu.memory_space<vmem>> -> memref<128x32xf32, #tpu.memory_space<vmem>>
      %dma_wait3A_180 = arith.constant 0 : i32
      %dma_wait3A_181 = tpu.memref_slice %arg8[%add3A_174, %dma_wait3A_180] : memref<160x128xi32, #tpu.memory_space<vmem>> -> memref<1x128xi32, #tpu.memory_space<vmem>>
      %dma_wait3A_182 = tpu.memref_squeeze %dma_wait3A_181 : memref<1x128xi32, #tpu.memory_space<vmem>> -> memref<128xi32, #tpu.memory_space<vmem>>
      %dma_wait3A_183 = arith.constant 0 : i32
      %dma_wait3A_184 = arith.constant 0 : i32
      %dma_wait3A_185 = tpu.memref_slice %arg11[%dma_wait3A_183, %dma_wait3A_184] : memref<10240x32xf32, #tpu.memory_space<vmem_shared>> -> memref<10240x32xf32, #tpu.memory_space<vmem_shared>>
      tpu.wait_indirect_dma semaphore(%arg13 : memref<!tpu.dma_semaphore, #tpu.memory_space<semaphore_mem>>) src(%dma_wait3A_179 : memref<128x32xf32, #tpu.memory_space<vmem>>) dst(%dma_wait3A_185 : memref<10240x32xf32, #tpu.memory_space<vmem_shared>>)
      %add3A_186 = arith.constant 1 : i32
      %add3A_187 = arith.addi %mul3A_64, %add3A_186 : i32
      %dma_wait3A_188 = arith.constant 1 : i32
      %dma_wait3A_189 = arith.constant 0 : i32
      %dma_wait3A_190 = arith.constant 0 : i32
      %dma_wait3A_191 = tpu.memref_slice %arg9[%rem3A_61, %dma_wait3A_188, %dma_wait3A_189, %dma_wait3A_190] : memref<2x4x128x32xf32, #tpu.memory_space<vmem>> -> memref<1x1x128x32xf32, #tpu.memory_space<vmem>>
      %dma_wait3A_192 = tpu.memref_squeeze %dma_wait3A_191 : memref<1x1x128x32xf32, #tpu.memory_space<vmem>> -> memref<128x32xf32, #tpu.memory_space<vmem>>
      %dma_wait3A_193 = arith.constant 0 : i32
      %dma_wait3A_194 = tpu.memref_slice %arg8[%add3A_187, %dma_wait3A_193] : memref<160x128xi32, #tpu.memory_space<vmem>> -> memref<1x128xi32, #tpu.memory_space<vmem>>
      %dma_wait3A_195 = tpu.memref_squeeze %dma_wait3A_194 : memref<1x128xi32, #tpu.memory_space<vmem>> -> memref<128xi32, #tpu.memory_space<vmem>>
      %dma_wait3A_196 = arith.constant 0 : i32
      %dma_wait3A_197 = arith.constant 0 : i32
      %dma_wait3A_198 = tpu.memref_slice %arg11[%dma_wait3A_196, %dma_wait3A_197] : memref<10240x32xf32, #tpu.memory_space<vmem_shared>> -> memref<10240x32xf32, #tpu.memory_space<vmem_shared>>
      tpu.wait_indirect_dma semaphore(%arg13 : memref<!tpu.dma_semaphore, #tpu.memory_space<semaphore_mem>>) src(%dma_wait3A_192 : memref<128x32xf32, #tpu.memory_space<vmem>>) dst(%dma_wait3A_198 : memref<10240x32xf32, #tpu.memory_space<vmem_shared>>)
      %add3A_199 = arith.constant 2 : i32
      %add3A_200 = arith.addi %mul3A_64, %add3A_199 : i32
      %dma_wait3A_201 = arith.constant 2 : i32
      %dma_wait3A_202 = arith.constant 0 : i32
      %dma_wait3A_203 = arith.constant 0 : i32
      %dma_wait3A_204 = tpu.memref_slice %arg9[%rem3A_61, %dma_wait3A_201, %dma_wait3A_202, %dma_wait3A_203] : memref<2x4x128x32xf32, #tpu.memory_space<vmem>> -> memref<1x1x128x32xf32, #tpu.memory_space<vmem>>
      %dma_wait3A_205 = tpu.memref_squeeze %dma_wait3A_204 : memref<1x1x128x32xf32, #tpu.memory_space<vmem>> -> memref<128x32xf32, #tpu.memory_space<vmem>>
      %dma_wait3A_206 = arith.constant 0 : i32
      %dma_wait3A_207 = tpu.memref_slice %arg8[%add3A_200, %dma_wait3A_206] : memref<160x128xi32, #tpu.memory_space<vmem>> -> memref<1x128xi32, #tpu.memory_space<vmem>>
      %dma_wait3A_208 = tpu.memref_squeeze %dma_wait3A_207 : memref<1x128xi32, #tpu.memory_space<vmem>> -> memref<128xi32, #tpu.memory_space<vmem>>
      %dma_wait3A_209 = arith.constant 0 : i32
      %dma_wait3A_210 = arith.constant 0 : i32
      %dma_wait3A_211 = tpu.memref_slice %arg11[%dma_wait3A_209, %dma_wait3A_210] : memref<10240x32xf32, #tpu.memory_space<vmem_shared>> -> memref<10240x32xf32, #tpu.memory_space<vmem_shared>>
      tpu.wait_indirect_dma semaphore(%arg13 : memref<!tpu.dma_semaphore, #tpu.memory_space<semaphore_mem>>) src(%dma_wait3A_205 : memref<128x32xf32, #tpu.memory_space<vmem>>) dst(%dma_wait3A_211 : memref<10240x32xf32, #tpu.memory_space<vmem_shared>>)
      %add3A_212 = arith.constant 3 : i32
      %add3A_213 = arith.addi %mul3A_64, %add3A_212 : i32
      %dma_wait3A_214 = arith.constant 3 : i32
      %dma_wait3A_215 = arith.constant 0 : i32
      %dma_wait3A_216 = arith.constant 0 : i32
      %dma_wait3A_217 = tpu.memref_slice %arg9[%rem3A_61, %dma_wait3A_214, %dma_wait3A_215, %dma_wait3A_216] : memref<2x4x128x32xf32, #tpu.memory_space<vmem>> -> memref<1x1x128x32xf32, #tpu.memory_space<vmem>>
      %dma_wait3A_218 = tpu.memref_squeeze %dma_wait3A_217 : memref<1x1x128x32xf32, #tpu.memory_space<vmem>> -> memref<128x32xf32, #tpu.memory_space<vmem>>
      %dma_wait3A_219 = arith.constant 0 : i32
      %dma_wait3A_220 = tpu.memref_slice %arg8[%add3A_213, %dma_wait3A_219] : memref<160x128xi32, #tpu.memory_space<vmem>> -> memref<1x128xi32, #tpu.memory_space<vmem>>
      %dma_wait3A_221 = tpu.memref_squeeze %dma_wait3A_220 : memref<1x128xi32, #tpu.memory_space<vmem>> -> memref<128xi32, #tpu.memory_space<vmem>>
      %dma_wait3A_222 = arith.constant 0 : i32
      %dma_wait3A_223 = arith.constant 0 : i32
      %dma_wait3A_224 = tpu.memref_slice %arg11[%dma_wait3A_222, %dma_wait3A_223] : memref<10240x32xf32, #tpu.memory_space<vmem_shared>> -> memref<10240x32xf32, #tpu.memory_space<vmem_shared>>
      tpu.wait_indirect_dma semaphore(%arg13 : memref<!tpu.dma_semaphore, #tpu.memory_space<semaphore_mem>>) src(%dma_wait3A_218 : memref<128x32xf32, #tpu.memory_space<vmem>>) dst(%dma_wait3A_224 : memref<10240x32xf32, #tpu.memory_space<vmem_shared>>)
    }
    %scan3A_58 = arith.constant 40 : i32
    %barrier3A_59 = arith.constant 0 : index
    tpu.barrier barrier_id(%barrier3A_59)
    "tpu.region"() ({
      %run_scoped3A = tpu.sem_alloc : memref<!tpu.dma_semaphore, #tpu.memory_space<semaphore_mem>>
      %dma_start3A_60 = tpu.memref_slice %arg6[%mul3A_0, %mul3A_2] : memref<10240x64xf32, #tpu.memory_space<hbm>> -> memref<640x32xf32, #tpu.memory_space<hbm>>
      %dma_start3A_61 = arith.constant 0 : i32
      %dma_start3A_62 = tpu.memref_slice %arg11[%mul3A_0, %dma_start3A_61] : memref<10240x32xf32, #tpu.memory_space<vmem_shared>> -> memref<640x32xf32, #tpu.memory_space<vmem_shared>>
      tpu.enqueue_dma source(%dma_start3A_62 : memref<640x32xf32, #tpu.memory_space<vmem_shared>>) target(%dma_start3A_60 : memref<640x32xf32, #tpu.memory_space<hbm>>) target_semaphore(%run_scoped3A : memref<!tpu.dma_semaphore, #tpu.memory_space<semaphore_mem>>)
      %dma_wait3A = tpu.memref_slice %arg6[%mul3A_0, %mul3A_2] : memref<10240x64xf32, #tpu.memory_space<hbm>> -> memref<640x32xf32, #tpu.memory_space<hbm>>
      %dma_wait3A_63 = arith.constant 0 : i32
      %dma_wait3A_64 = tpu.memref_slice %arg11[%mul3A_0, %dma_wait3A_63] : memref<10240x32xf32, #tpu.memory_space<vmem_shared>> -> memref<640x32xf32, #tpu.memory_space<vmem_shared>>
      tpu.wait_dma2 semaphore(%run_scoped3A : memref<!tpu.dma_semaphore, #tpu.memory_space<semaphore_mem>>) src(%dma_wait3A_64 : memref<640x32xf32, #tpu.memory_space<vmem_shared>>) dst(%dma_wait3A : memref<640x32xf32, #tpu.memory_space<hbm>>)
      tpu.yield
    }) : () -> ()
    return
  }
}

#map = affine_map<(d0, d1) -> (0, 0)>
#map1 = affine_map<(d0, d1) -> (0, 0, 0)>
module attributes {stable_mosaic.version = 14 : i64} {
  func.func @body(%arg0: i32, %arg1: i32, %arg2: memref<10240x16xf32, #tpu.memory_space<hbm>>, %arg3: memref<32x80x128xi32, #tpu.memory_space<hbm>>, %arg4: memref<32x80x128xi32, #tpu.memory_space<hbm>>, %arg5: memref<10240x16xf32, #tpu.memory_space<hbm>>, %arg6: memref<2x10240x16xf32, #tpu.memory_space<hbm>>, %arg7: memref<80x128xi32, #tpu.memory_space<vmem>>, %arg8: memref<80x128xi32, #tpu.memory_space<vmem>>, %arg9: memref<2x4x128x16xf32, #tpu.memory_space<vmem>>, %arg10: memref<10240x16xf32, #tpu.memory_space<vmem_shared>>, %arg11: memref<10240x16xf32, #tpu.memory_space<vmem_shared>>, %arg12: memref<!tpu.dma_semaphore, #tpu.memory_space<semaphore_mem>>, %arg13: memref<!tpu.dma_semaphore, #tpu.memory_space<semaphore_mem>>) attributes {dimension_semantics = [#tpu.dimension_semantics<core_parallel>, #tpu.dimension_semantics<subcore_parallel>], iteration_bounds = array<i64: 2, 16>, scalar_prefetch = 0 : i64, scratch_operands = 7 : i64, tpu.core_type = #tpu.core_type<sc_vector_subcore>, window_params = [{transform_indices = #map}, {transform_indices = #map1}, {transform_indices = #map1}, {transform_indices = #map}, {transform_indices = #map1}]} {
    %mul3A = arith.constant 16 : i32
    %mul3A_0 = arith.muli %arg0, %mul3A : i32
    %add3A = arith.addi %mul3A_0, %arg1 : i32
    "tpu.region"() ({
      %run_scoped3A = tpu.sem_alloc : memref<!tpu.dma_semaphore, #tpu.memory_space<semaphore_mem>>
      %dma_start3A_60 = arith.constant 0 : i32
      %dma_start3A_61 = arith.constant 0 : i32
      %dma_start3A_62 = tpu.memref_slice %arg3[%add3A, %dma_start3A_60, %dma_start3A_61] : memref<32x80x128xi32, #tpu.memory_space<hbm>> -> memref<1x80x128xi32, #tpu.memory_space<hbm>>
      %dma_start3A_63 = tpu.memref_squeeze %dma_start3A_62 : memref<1x80x128xi32, #tpu.memory_space<hbm>> -> memref<80x128xi32, #tpu.memory_space<hbm>>
      %dma_start3A_64 = arith.constant 0 : i32
      %dma_start3A_65 = arith.constant 0 : i32
      %dma_start3A_66 = tpu.memref_slice %arg3[%add3A, %dma_start3A_64, %dma_start3A_65] : memref<32x80x128xi32, #tpu.memory_space<hbm>> -> memref<1x80x128xi32, #tpu.memory_space<hbm>>
      %dma_start3A_67 = tpu.memref_squeeze %dma_start3A_66 : memref<1x80x128xi32, #tpu.memory_space<hbm>> -> memref<80x128xi32, #tpu.memory_space<hbm>>
      tpu.enqueue_dma source(%dma_start3A_67 : memref<80x128xi32, #tpu.memory_space<hbm>>) target(%arg7 : memref<80x128xi32, #tpu.memory_space<vmem>>) target_semaphore(%run_scoped3A : memref<!tpu.dma_semaphore, #tpu.memory_space<semaphore_mem>>)
      %dma_wait3A = arith.constant 0 : i32
      %dma_wait3A_68 = arith.constant 0 : i32
      %dma_wait3A_69 = tpu.memref_slice %arg3[%add3A, %dma_wait3A, %dma_wait3A_68] : memref<32x80x128xi32, #tpu.memory_space<hbm>> -> memref<1x80x128xi32, #tpu.memory_space<hbm>>
      %dma_wait3A_70 = tpu.memref_squeeze %dma_wait3A_69 : memref<1x80x128xi32, #tpu.memory_space<hbm>> -> memref<80x128xi32, #tpu.memory_space<hbm>>
      %dma_wait3A_71 = arith.constant 0 : i32
      %dma_wait3A_72 = arith.constant 0 : i32
      %dma_wait3A_73 = tpu.memref_slice %arg3[%add3A, %dma_wait3A_71, %dma_wait3A_72] : memref<32x80x128xi32, #tpu.memory_space<hbm>> -> memref<1x80x128xi32, #tpu.memory_space<hbm>>
      %dma_wait3A_74 = tpu.memref_squeeze %dma_wait3A_73 : memref<1x80x128xi32, #tpu.memory_space<hbm>> -> memref<80x128xi32, #tpu.memory_space<hbm>>
      tpu.wait_dma2 semaphore(%run_scoped3A : memref<!tpu.dma_semaphore, #tpu.memory_space<semaphore_mem>>) src(%dma_wait3A_74 : memref<80x128xi32, #tpu.memory_space<hbm>>) dst(%arg7 : memref<80x128xi32, #tpu.memory_space<vmem>>)
      tpu.yield
    }) : () -> ()
    "tpu.region"() ({
      %run_scoped3A = tpu.sem_alloc : memref<!tpu.dma_semaphore, #tpu.memory_space<semaphore_mem>>
      %dma_start3A_60 = arith.constant 0 : i32
      %dma_start3A_61 = arith.constant 0 : i32
      %dma_start3A_62 = tpu.memref_slice %arg4[%add3A, %dma_start3A_60, %dma_start3A_61] : memref<32x80x128xi32, #tpu.memory_space<hbm>> -> memref<1x80x128xi32, #tpu.memory_space<hbm>>
      %dma_start3A_63 = tpu.memref_squeeze %dma_start3A_62 : memref<1x80x128xi32, #tpu.memory_space<hbm>> -> memref<80x128xi32, #tpu.memory_space<hbm>>
      %dma_start3A_64 = arith.constant 0 : i32
      %dma_start3A_65 = arith.constant 0 : i32
      %dma_start3A_66 = tpu.memref_slice %arg4[%add3A, %dma_start3A_64, %dma_start3A_65] : memref<32x80x128xi32, #tpu.memory_space<hbm>> -> memref<1x80x128xi32, #tpu.memory_space<hbm>>
      %dma_start3A_67 = tpu.memref_squeeze %dma_start3A_66 : memref<1x80x128xi32, #tpu.memory_space<hbm>> -> memref<80x128xi32, #tpu.memory_space<hbm>>
      tpu.enqueue_dma source(%dma_start3A_67 : memref<80x128xi32, #tpu.memory_space<hbm>>) target(%arg8 : memref<80x128xi32, #tpu.memory_space<vmem>>) target_semaphore(%run_scoped3A : memref<!tpu.dma_semaphore, #tpu.memory_space<semaphore_mem>>)
      %dma_wait3A = arith.constant 0 : i32
      %dma_wait3A_68 = arith.constant 0 : i32
      %dma_wait3A_69 = tpu.memref_slice %arg4[%add3A, %dma_wait3A, %dma_wait3A_68] : memref<32x80x128xi32, #tpu.memory_space<hbm>> -> memref<1x80x128xi32, #tpu.memory_space<hbm>>
      %dma_wait3A_70 = tpu.memref_squeeze %dma_wait3A_69 : memref<1x80x128xi32, #tpu.memory_space<hbm>> -> memref<80x128xi32, #tpu.memory_space<hbm>>
      %dma_wait3A_71 = arith.constant 0 : i32
      %dma_wait3A_72 = arith.constant 0 : i32
      %dma_wait3A_73 = tpu.memref_slice %arg4[%add3A, %dma_wait3A_71, %dma_wait3A_72] : memref<32x80x128xi32, #tpu.memory_space<hbm>> -> memref<1x80x128xi32, #tpu.memory_space<hbm>>
      %dma_wait3A_74 = tpu.memref_squeeze %dma_wait3A_73 : memref<1x80x128xi32, #tpu.memory_space<hbm>> -> memref<80x128xi32, #tpu.memory_space<hbm>>
      tpu.wait_dma2 semaphore(%run_scoped3A : memref<!tpu.dma_semaphore, #tpu.memory_space<semaphore_mem>>) src(%dma_wait3A_74 : memref<80x128xi32, #tpu.memory_space<hbm>>) dst(%arg8 : memref<80x128xi32, #tpu.memory_space<vmem>>)
      tpu.yield
    }) : () -> ()
    %mul3A_1 = arith.constant 640 : i32
    %mul3A_2 = arith.muli %arg1, %mul3A_1 : i32
    "tpu.region"() ({
      %run_scoped3A = tpu.sem_alloc : memref<!tpu.dma_semaphore, #tpu.memory_space<semaphore_mem>>
      %dma_start3A_60 = arith.constant 0 : i32
      %dma_start3A_61 = tpu.memref_slice %arg11[%mul3A_2, %dma_start3A_60] : memref<10240x16xf32, #tpu.memory_space<vmem_shared>> -> memref<640x16xf32, #tpu.memory_space<vmem_shared>>
      %dma_start3A_62 = arith.constant 0 : i32
      %dma_start3A_63 = tpu.memref_slice %arg5[%mul3A_2, %dma_start3A_62] : memref<10240x16xf32, #tpu.memory_space<hbm>> -> memref<640x16xf32, #tpu.memory_space<hbm>>
      tpu.enqueue_dma source(%dma_start3A_63 : memref<640x16xf32, #tpu.memory_space<hbm>>) target(%dma_start3A_61 : memref<640x16xf32, #tpu.memory_space<vmem_shared>>) target_semaphore(%run_scoped3A : memref<!tpu.dma_semaphore, #tpu.memory_space<semaphore_mem>>)
      %dma_wait3A = arith.constant 0 : i32
      %dma_wait3A_64 = tpu.memref_slice %arg11[%mul3A_2, %dma_wait3A] : memref<10240x16xf32, #tpu.memory_space<vmem_shared>> -> memref<640x16xf32, #tpu.memory_space<vmem_shared>>
      %dma_wait3A_65 = arith.constant 0 : i32
      %dma_wait3A_66 = tpu.memref_slice %arg5[%mul3A_2, %dma_wait3A_65] : memref<10240x16xf32, #tpu.memory_space<hbm>> -> memref<640x16xf32, #tpu.memory_space<hbm>>
      tpu.wait_dma2 semaphore(%run_scoped3A : memref<!tpu.dma_semaphore, #tpu.memory_space<semaphore_mem>>) src(%dma_wait3A_66 : memref<640x16xf32, #tpu.memory_space<hbm>>) dst(%dma_wait3A_64 : memref<640x16xf32, #tpu.memory_space<vmem_shared>>)
      tpu.yield
    }) : () -> ()
    "tpu.region"() ({
      %run_scoped3A = tpu.sem_alloc : memref<!tpu.dma_semaphore, #tpu.memory_space<semaphore_mem>>
      %dma_start3A_60 = arith.constant 0 : i32
      %dma_start3A_61 = tpu.memref_slice %arg10[%mul3A_2, %dma_start3A_60] : memref<10240x16xf32, #tpu.memory_space<vmem_shared>> -> memref<640x16xf32, #tpu.memory_space<vmem_shared>>
      %dma_start3A_62 = arith.constant 0 : i32
      %dma_start3A_63 = tpu.memref_slice %arg2[%mul3A_2, %dma_start3A_62] : memref<10240x16xf32, #tpu.memory_space<hbm>> -> memref<640x16xf32, #tpu.memory_space<hbm>>
      tpu.enqueue_dma source(%dma_start3A_63 : memref<640x16xf32, #tpu.memory_space<hbm>>) target(%dma_start3A_61 : memref<640x16xf32, #tpu.memory_space<vmem_shared>>) target_semaphore(%run_scoped3A : memref<!tpu.dma_semaphore, #tpu.memory_space<semaphore_mem>>)
      %dma_wait3A = arith.constant 0 : i32
      %dma_wait3A_64 = tpu.memref_slice %arg10[%mul3A_2, %dma_wait3A] : memref<10240x16xf32, #tpu.memory_space<vmem_shared>> -> memref<640x16xf32, #tpu.memory_space<vmem_shared>>
      %dma_wait3A_65 = arith.constant 0 : i32
      %dma_wait3A_66 = tpu.memref_slice %arg2[%mul3A_2, %dma_wait3A_65] : memref<10240x16xf32, #tpu.memory_space<hbm>> -> memref<640x16xf32, #tpu.memory_space<hbm>>
      tpu.wait_dma2 semaphore(%run_scoped3A : memref<!tpu.dma_semaphore, #tpu.memory_space<semaphore_mem>>) src(%dma_wait3A_66 : memref<640x16xf32, #tpu.memory_space<hbm>>) dst(%dma_wait3A_64 : memref<640x16xf32, #tpu.memory_space<vmem_shared>>)
      tpu.yield
    }) : () -> ()
    %barrier3A = arith.constant 0 : index
    tpu.barrier barrier_id(%barrier3A)
    %dma_start3A = arith.constant 0 : i32
    %dma_start3A_3 = arith.constant 0 : i32
    %dma_start3A_4 = arith.constant 0 : i32
    %dma_start3A_5 = arith.constant 0 : i32
    %dma_start3A_6 = arith.constant 0 : i32
    %dma_start3A_7 = tpu.memref_slice %arg9[%dma_start3A_3, %dma_start3A_4, %dma_start3A_5, %dma_start3A_6] : memref<2x4x128x16xf32, #tpu.memory_space<vmem>> -> memref<1x1x128x16xf32, #tpu.memory_space<vmem>>
    %dma_start3A_8 = tpu.memref_squeeze %dma_start3A_7 : memref<1x1x128x16xf32, #tpu.memory_space<vmem>> -> memref<128x16xf32, #tpu.memory_space<vmem>>
    %dma_start3A_9 = arith.constant 0 : i32
    %dma_start3A_10 = tpu.memref_slice %arg7[%dma_start3A, %dma_start3A_9] : memref<80x128xi32, #tpu.memory_space<vmem>> -> memref<1x128xi32, #tpu.memory_space<vmem>>
    %dma_start3A_11 = tpu.memref_squeeze %dma_start3A_10 : memref<1x128xi32, #tpu.memory_space<vmem>> -> memref<128xi32, #tpu.memory_space<vmem>>
    %dma_start3A_12 = arith.constant 0 : i32
    %dma_start3A_13 = arith.constant 0 : i32
    %dma_start3A_14 = tpu.memref_slice %arg10[%dma_start3A_12, %dma_start3A_13] : memref<10240x16xf32, #tpu.memory_space<vmem_shared>> -> memref<10240x16xf32, #tpu.memory_space<vmem_shared>>
    tpu.enqueue_indirect_dma source(%dma_start3A_14 : memref<10240x16xf32, #tpu.memory_space<vmem_shared>>) target(%dma_start3A_8 : memref<128x16xf32, #tpu.memory_space<vmem>>) offsets(%dma_start3A_11 : memref<128xi32, #tpu.memory_space<vmem>>) semaphore(%arg12 : memref<!tpu.dma_semaphore, #tpu.memory_space<semaphore_mem>>)
    %dma_start3A_15 = arith.constant 1 : i32
    %dma_start3A_16 = arith.constant 0 : i32
    %dma_start3A_17 = arith.constant 1 : i32
    %dma_start3A_18 = arith.constant 0 : i32
    %dma_start3A_19 = arith.constant 0 : i32
    %dma_start3A_20 = tpu.memref_slice %arg9[%dma_start3A_16, %dma_start3A_17, %dma_start3A_18, %dma_start3A_19] : memref<2x4x128x16xf32, #tpu.memory_space<vmem>> -> memref<1x1x128x16xf32, #tpu.memory_space<vmem>>
    %dma_start3A_21 = tpu.memref_squeeze %dma_start3A_20 : memref<1x1x128x16xf32, #tpu.memory_space<vmem>> -> memref<128x16xf32, #tpu.memory_space<vmem>>
    %dma_start3A_22 = arith.constant 0 : i32
    %dma_start3A_23 = tpu.memref_slice %arg7[%dma_start3A_15, %dma_start3A_22] : memref<80x128xi32, #tpu.memory_space<vmem>> -> memref<1x128xi32, #tpu.memory_space<vmem>>
    %dma_start3A_24 = tpu.memref_squeeze %dma_start3A_23 : memref<1x128xi32, #tpu.memory_space<vmem>> -> memref<128xi32, #tpu.memory_space<vmem>>
    %dma_start3A_25 = arith.constant 0 : i32
    %dma_start3A_26 = arith.constant 0 : i32
    %dma_start3A_27 = tpu.memref_slice %arg10[%dma_start3A_25, %dma_start3A_26] : memref<10240x16xf32, #tpu.memory_space<vmem_shared>> -> memref<10240x16xf32, #tpu.memory_space<vmem_shared>>
    tpu.enqueue_indirect_dma source(%dma_start3A_27 : memref<10240x16xf32, #tpu.memory_space<vmem_shared>>) target(%dma_start3A_21 : memref<128x16xf32, #tpu.memory_space<vmem>>) offsets(%dma_start3A_24 : memref<128xi32, #tpu.memory_space<vmem>>) semaphore(%arg12 : memref<!tpu.dma_semaphore, #tpu.memory_space<semaphore_mem>>)
    %dma_start3A_28 = arith.constant 2 : i32
    %dma_start3A_29 = arith.constant 0 : i32
    %dma_start3A_30 = arith.constant 2 : i32
    %dma_start3A_31 = arith.constant 0 : i32
    %dma_start3A_32 = arith.constant 0 : i32
    %dma_start3A_33 = tpu.memref_slice %arg9[%dma_start3A_29, %dma_start3A_30, %dma_start3A_31, %dma_start3A_32] : memref<2x4x128x16xf32, #tpu.memory_space<vmem>> -> memref<1x1x128x16xf32, #tpu.memory_space<vmem>>
    %dma_start3A_34 = tpu.memref_squeeze %dma_start3A_33 : memref<1x1x128x16xf32, #tpu.memory_space<vmem>> -> memref<128x16xf32, #tpu.memory_space<vmem>>
    %dma_start3A_35 = arith.constant 0 : i32
    %dma_start3A_36 = tpu.memref_slice %arg7[%dma_start3A_28, %dma_start3A_35] : memref<80x128xi32, #tpu.memory_space<vmem>> -> memref<1x128xi32, #tpu.memory_space<vmem>>
    %dma_start3A_37 = tpu.memref_squeeze %dma_start3A_36 : memref<1x128xi32, #tpu.memory_space<vmem>> -> memref<128xi32, #tpu.memory_space<vmem>>
    %dma_start3A_38 = arith.constant 0 : i32
    %dma_start3A_39 = arith.constant 0 : i32
    %dma_start3A_40 = tpu.memref_slice %arg10[%dma_start3A_38, %dma_start3A_39] : memref<10240x16xf32, #tpu.memory_space<vmem_shared>> -> memref<10240x16xf32, #tpu.memory_space<vmem_shared>>
    tpu.enqueue_indirect_dma source(%dma_start3A_40 : memref<10240x16xf32, #tpu.memory_space<vmem_shared>>) target(%dma_start3A_34 : memref<128x16xf32, #tpu.memory_space<vmem>>) offsets(%dma_start3A_37 : memref<128xi32, #tpu.memory_space<vmem>>) semaphore(%arg12 : memref<!tpu.dma_semaphore, #tpu.memory_space<semaphore_mem>>)
    %dma_start3A_41 = arith.constant 3 : i32
    %dma_start3A_42 = arith.constant 0 : i32
    %dma_start3A_43 = arith.constant 3 : i32
    %dma_start3A_44 = arith.constant 0 : i32
    %dma_start3A_45 = arith.constant 0 : i32
    %dma_start3A_46 = tpu.memref_slice %arg9[%dma_start3A_42, %dma_start3A_43, %dma_start3A_44, %dma_start3A_45] : memref<2x4x128x16xf32, #tpu.memory_space<vmem>> -> memref<1x1x128x16xf32, #tpu.memory_space<vmem>>
    %dma_start3A_47 = tpu.memref_squeeze %dma_start3A_46 : memref<1x1x128x16xf32, #tpu.memory_space<vmem>> -> memref<128x16xf32, #tpu.memory_space<vmem>>
    %dma_start3A_48 = arith.constant 0 : i32
    %dma_start3A_49 = tpu.memref_slice %arg7[%dma_start3A_41, %dma_start3A_48] : memref<80x128xi32, #tpu.memory_space<vmem>> -> memref<1x128xi32, #tpu.memory_space<vmem>>
    %dma_start3A_50 = tpu.memref_squeeze %dma_start3A_49 : memref<1x128xi32, #tpu.memory_space<vmem>> -> memref<128xi32, #tpu.memory_space<vmem>>
    %dma_start3A_51 = arith.constant 0 : i32
    %dma_start3A_52 = arith.constant 0 : i32
    %dma_start3A_53 = tpu.memref_slice %arg10[%dma_start3A_51, %dma_start3A_52] : memref<10240x16xf32, #tpu.memory_space<vmem_shared>> -> memref<10240x16xf32, #tpu.memory_space<vmem_shared>>
    tpu.enqueue_indirect_dma source(%dma_start3A_53 : memref<10240x16xf32, #tpu.memory_space<vmem_shared>>) target(%dma_start3A_47 : memref<128x16xf32, #tpu.memory_space<vmem>>) offsets(%dma_start3A_50 : memref<128xi32, #tpu.memory_space<vmem>>) semaphore(%arg12 : memref<!tpu.dma_semaphore, #tpu.memory_space<semaphore_mem>>)
    %scan3A = arith.constant 0 : i32
    %scan3A_54 = arith.constant 0 : i32
    %scan3A_55 = arith.constant 20 : i32
    %scan3A_56 = arith.addi %scan3A_54, %scan3A_55 : i32
    %scan3A_57 = arith.constant 1 : i32
    scf.for %scan3A_60 = %scan3A_54 to %scan3A_56 step %scan3A_57  : i32 {
      %rem3A = arith.constant 2 : i32
      %rem3A_61 = arith.remsi %scan3A_60, %rem3A : i32
      %sub3A = arith.constant 1 : i32
      %sub3A_62 = arith.subi %sub3A, %rem3A_61 : i32
      %mul3A_63 = arith.constant 4 : i32
      %mul3A_64 = arith.muli %scan3A_60, %mul3A_63 : i32
      %add3A_65 = arith.constant 4 : i32
      %add3A_66 = arith.addi %mul3A_64, %add3A_65 : i32
      %add3A_67 = arith.constant 1 : i32
      %add3A_68 = arith.addi %scan3A_60, %add3A_67 : i32
      %lt3A = arith.constant 20 : i32
      %lt3A_69 = arith.cmpi slt, %add3A_68, %lt3A : i32
      %convert_element_type3A = arith.extui %lt3A_69 : i1 to i32
      %cond3A = arith.constant 0 : i32
      %cond3A_70 = arith.cmpi ne, %convert_element_type3A, %cond3A : i32
      scf.if %cond3A_70 {
        %add3A_226 = arith.constant 0 : i32
        %add3A_227 = arith.addi %add3A_66, %add3A_226 : i32
        %dma_start3A_228 = arith.constant 0 : i32
        %dma_start3A_229 = arith.constant 0 : i32
        %dma_start3A_230 = arith.constant 0 : i32
        %dma_start3A_231 = tpu.memref_slice %arg9[%sub3A_62, %dma_start3A_228, %dma_start3A_229, %dma_start3A_230] : memref<2x4x128x16xf32, #tpu.memory_space<vmem>> -> memref<1x1x128x16xf32, #tpu.memory_space<vmem>>
        %dma_start3A_232 = tpu.memref_squeeze %dma_start3A_231 : memref<1x1x128x16xf32, #tpu.memory_space<vmem>> -> memref<128x16xf32, #tpu.memory_space<vmem>>
        %dma_start3A_233 = arith.constant 0 : i32
        %dma_start3A_234 = tpu.memref_slice %arg7[%add3A_227, %dma_start3A_233] : memref<80x128xi32, #tpu.memory_space<vmem>> -> memref<1x128xi32, #tpu.memory_space<vmem>>
        %dma_start3A_235 = tpu.memref_squeeze %dma_start3A_234 : memref<1x128xi32, #tpu.memory_space<vmem>> -> memref<128xi32, #tpu.memory_space<vmem>>
        %dma_start3A_236 = arith.constant 0 : i32
        %dma_start3A_237 = arith.constant 0 : i32
        %dma_start3A_238 = tpu.memref_slice %arg10[%dma_start3A_236, %dma_start3A_237] : memref<10240x16xf32, #tpu.memory_space<vmem_shared>> -> memref<10240x16xf32, #tpu.memory_space<vmem_shared>>
        tpu.enqueue_indirect_dma source(%dma_start3A_238 : memref<10240x16xf32, #tpu.memory_space<vmem_shared>>) target(%dma_start3A_232 : memref<128x16xf32, #tpu.memory_space<vmem>>) offsets(%dma_start3A_235 : memref<128xi32, #tpu.memory_space<vmem>>) semaphore(%arg12 : memref<!tpu.dma_semaphore, #tpu.memory_space<semaphore_mem>>)
        %add3A_239 = arith.constant 1 : i32
        %add3A_240 = arith.addi %add3A_66, %add3A_239 : i32
        %dma_start3A_241 = arith.constant 1 : i32
        %dma_start3A_242 = arith.constant 0 : i32
        %dma_start3A_243 = arith.constant 0 : i32
        %dma_start3A_244 = tpu.memref_slice %arg9[%sub3A_62, %dma_start3A_241, %dma_start3A_242, %dma_start3A_243] : memref<2x4x128x16xf32, #tpu.memory_space<vmem>> -> memref<1x1x128x16xf32, #tpu.memory_space<vmem>>
        %dma_start3A_245 = tpu.memref_squeeze %dma_start3A_244 : memref<1x1x128x16xf32, #tpu.memory_space<vmem>> -> memref<128x16xf32, #tpu.memory_space<vmem>>
        %dma_start3A_246 = arith.constant 0 : i32
        %dma_start3A_247 = tpu.memref_slice %arg7[%add3A_240, %dma_start3A_246] : memref<80x128xi32, #tpu.memory_space<vmem>> -> memref<1x128xi32, #tpu.memory_space<vmem>>
        %dma_start3A_248 = tpu.memref_squeeze %dma_start3A_247 : memref<1x128xi32, #tpu.memory_space<vmem>> -> memref<128xi32, #tpu.memory_space<vmem>>
        %dma_start3A_249 = arith.constant 0 : i32
        %dma_start3A_250 = arith.constant 0 : i32
        %dma_start3A_251 = tpu.memref_slice %arg10[%dma_start3A_249, %dma_start3A_250] : memref<10240x16xf32, #tpu.memory_space<vmem_shared>> -> memref<10240x16xf32, #tpu.memory_space<vmem_shared>>
        tpu.enqueue_indirect_dma source(%dma_start3A_251 : memref<10240x16xf32, #tpu.memory_space<vmem_shared>>) target(%dma_start3A_245 : memref<128x16xf32, #tpu.memory_space<vmem>>) offsets(%dma_start3A_248 : memref<128xi32, #tpu.memory_space<vmem>>) semaphore(%arg12 : memref<!tpu.dma_semaphore, #tpu.memory_space<semaphore_mem>>)
        %add3A_252 = arith.constant 2 : i32
        %add3A_253 = arith.addi %add3A_66, %add3A_252 : i32
        %dma_start3A_254 = arith.constant 2 : i32
        %dma_start3A_255 = arith.constant 0 : i32
        %dma_start3A_256 = arith.constant 0 : i32
        %dma_start3A_257 = tpu.memref_slice %arg9[%sub3A_62, %dma_start3A_254, %dma_start3A_255, %dma_start3A_256] : memref<2x4x128x16xf32, #tpu.memory_space<vmem>> -> memref<1x1x128x16xf32, #tpu.memory_space<vmem>>
        %dma_start3A_258 = tpu.memref_squeeze %dma_start3A_257 : memref<1x1x128x16xf32, #tpu.memory_space<vmem>> -> memref<128x16xf32, #tpu.memory_space<vmem>>
        %dma_start3A_259 = arith.constant 0 : i32
        %dma_start3A_260 = tpu.memref_slice %arg7[%add3A_253, %dma_start3A_259] : memref<80x128xi32, #tpu.memory_space<vmem>> -> memref<1x128xi32, #tpu.memory_space<vmem>>
        %dma_start3A_261 = tpu.memref_squeeze %dma_start3A_260 : memref<1x128xi32, #tpu.memory_space<vmem>> -> memref<128xi32, #tpu.memory_space<vmem>>
        %dma_start3A_262 = arith.constant 0 : i32
        %dma_start3A_263 = arith.constant 0 : i32
        %dma_start3A_264 = tpu.memref_slice %arg10[%dma_start3A_262, %dma_start3A_263] : memref<10240x16xf32, #tpu.memory_space<vmem_shared>> -> memref<10240x16xf32, #tpu.memory_space<vmem_shared>>
        tpu.enqueue_indirect_dma source(%dma_start3A_264 : memref<10240x16xf32, #tpu.memory_space<vmem_shared>>) target(%dma_start3A_258 : memref<128x16xf32, #tpu.memory_space<vmem>>) offsets(%dma_start3A_261 : memref<128xi32, #tpu.memory_space<vmem>>) semaphore(%arg12 : memref<!tpu.dma_semaphore, #tpu.memory_space<semaphore_mem>>)
        %add3A_265 = arith.constant 3 : i32
        %add3A_266 = arith.addi %add3A_66, %add3A_265 : i32
        %dma_start3A_267 = arith.constant 3 : i32
        %dma_start3A_268 = arith.constant 0 : i32
        %dma_start3A_269 = arith.constant 0 : i32
        %dma_start3A_270 = tpu.memref_slice %arg9[%sub3A_62, %dma_start3A_267, %dma_start3A_268, %dma_start3A_269] : memref<2x4x128x16xf32, #tpu.memory_space<vmem>> -> memref<1x1x128x16xf32, #tpu.memory_space<vmem>>
        %dma_start3A_271 = tpu.memref_squeeze %dma_start3A_270 : memref<1x1x128x16xf32, #tpu.memory_space<vmem>> -> memref<128x16xf32, #tpu.memory_space<vmem>>
        %dma_start3A_272 = arith.constant 0 : i32
        %dma_start3A_273 = tpu.memref_slice %arg7[%add3A_266, %dma_start3A_272] : memref<80x128xi32, #tpu.memory_space<vmem>> -> memref<1x128xi32, #tpu.memory_space<vmem>>
        %dma_start3A_274 = tpu.memref_squeeze %dma_start3A_273 : memref<1x128xi32, #tpu.memory_space<vmem>> -> memref<128xi32, #tpu.memory_space<vmem>>
        %dma_start3A_275 = arith.constant 0 : i32
        %dma_start3A_276 = arith.constant 0 : i32
        %dma_start3A_277 = tpu.memref_slice %arg10[%dma_start3A_275, %dma_start3A_276] : memref<10240x16xf32, #tpu.memory_space<vmem_shared>> -> memref<10240x16xf32, #tpu.memory_space<vmem_shared>>
        tpu.enqueue_indirect_dma source(%dma_start3A_277 : memref<10240x16xf32, #tpu.memory_space<vmem_shared>>) target(%dma_start3A_271 : memref<128x16xf32, #tpu.memory_space<vmem>>) offsets(%dma_start3A_274 : memref<128xi32, #tpu.memory_space<vmem>>) semaphore(%arg12 : memref<!tpu.dma_semaphore, #tpu.memory_space<semaphore_mem>>)
      } else {
      }
      %add3A_71 = arith.constant 0 : i32
      %add3A_72 = arith.addi %mul3A_64, %add3A_71 : i32
      %dma_wait3A = arith.constant 0 : i32
      %dma_wait3A_73 = arith.constant 0 : i32
      %dma_wait3A_74 = arith.constant 0 : i32
      %dma_wait3A_75 = tpu.memref_slice %arg9[%rem3A_61, %dma_wait3A, %dma_wait3A_73, %dma_wait3A_74] : memref<2x4x128x16xf32, #tpu.memory_space<vmem>> -> memref<1x1x128x16xf32, #tpu.memory_space<vmem>>
      %dma_wait3A_76 = tpu.memref_squeeze %dma_wait3A_75 : memref<1x1x128x16xf32, #tpu.memory_space<vmem>> -> memref<128x16xf32, #tpu.memory_space<vmem>>
      %dma_wait3A_77 = arith.constant 0 : i32
      %dma_wait3A_78 = tpu.memref_slice %arg7[%add3A_72, %dma_wait3A_77] : memref<80x128xi32, #tpu.memory_space<vmem>> -> memref<1x128xi32, #tpu.memory_space<vmem>>
      %dma_wait3A_79 = tpu.memref_squeeze %dma_wait3A_78 : memref<1x128xi32, #tpu.memory_space<vmem>> -> memref<128xi32, #tpu.memory_space<vmem>>
      %dma_wait3A_80 = arith.constant 0 : i32
      %dma_wait3A_81 = arith.constant 0 : i32
      %dma_wait3A_82 = tpu.memref_slice %arg10[%dma_wait3A_80, %dma_wait3A_81] : memref<10240x16xf32, #tpu.memory_space<vmem_shared>> -> memref<10240x16xf32, #tpu.memory_space<vmem_shared>>
      tpu.wait_indirect_dma semaphore(%arg12 : memref<!tpu.dma_semaphore, #tpu.memory_space<semaphore_mem>>) src(%dma_wait3A_82 : memref<10240x16xf32, #tpu.memory_space<vmem_shared>>) dst(%dma_wait3A_76 : memref<128x16xf32, #tpu.memory_space<vmem>>)
      %add3A_83 = arith.constant 0 : i32
      %add3A_84 = arith.addi %mul3A_64, %add3A_83 : i32
      %dma_start3A_85 = arith.constant 0 : i32
      %dma_start3A_86 = arith.constant 0 : i32
      %dma_start3A_87 = arith.constant 0 : i32
      %dma_start3A_88 = tpu.memref_slice %arg9[%rem3A_61, %dma_start3A_85, %dma_start3A_86, %dma_start3A_87] : memref<2x4x128x16xf32, #tpu.memory_space<vmem>> -> memref<1x1x128x16xf32, #tpu.memory_space<vmem>>
      %dma_start3A_89 = tpu.memref_squeeze %dma_start3A_88 : memref<1x1x128x16xf32, #tpu.memory_space<vmem>> -> memref<128x16xf32, #tpu.memory_space<vmem>>
      %dma_start3A_90 = arith.constant 0 : i32
      %dma_start3A_91 = tpu.memref_slice %arg8[%add3A_84, %dma_start3A_90] : memref<80x128xi32, #tpu.memory_space<vmem>> -> memref<1x128xi32, #tpu.memory_space<vmem>>
      %dma_start3A_92 = tpu.memref_squeeze %dma_start3A_91 : memref<1x128xi32, #tpu.memory_space<vmem>> -> memref<128xi32, #tpu.memory_space<vmem>>
      %dma_start3A_93 = arith.constant 0 : i32
      %dma_start3A_94 = arith.constant 0 : i32
      %dma_start3A_95 = tpu.memref_slice %arg11[%dma_start3A_93, %dma_start3A_94] : memref<10240x16xf32, #tpu.memory_space<vmem_shared>> -> memref<10240x16xf32, #tpu.memory_space<vmem_shared>>
      tpu.enqueue_indirect_dma source(%dma_start3A_89 : memref<128x16xf32, #tpu.memory_space<vmem>>) target(%dma_start3A_95 : memref<10240x16xf32, #tpu.memory_space<vmem_shared>>) offsets(%dma_start3A_92 : memref<128xi32, #tpu.memory_space<vmem>>) semaphore(%arg13 : memref<!tpu.dma_semaphore, #tpu.memory_space<semaphore_mem>>) {add = true}
      %add3A_96 = arith.constant 1 : i32
      %add3A_97 = arith.addi %mul3A_64, %add3A_96 : i32
      %dma_wait3A_98 = arith.constant 1 : i32
      %dma_wait3A_99 = arith.constant 0 : i32
      %dma_wait3A_100 = arith.constant 0 : i32
      %dma_wait3A_101 = tpu.memref_slice %arg9[%rem3A_61, %dma_wait3A_98, %dma_wait3A_99, %dma_wait3A_100] : memref<2x4x128x16xf32, #tpu.memory_space<vmem>> -> memref<1x1x128x16xf32, #tpu.memory_space<vmem>>
      %dma_wait3A_102 = tpu.memref_squeeze %dma_wait3A_101 : memref<1x1x128x16xf32, #tpu.memory_space<vmem>> -> memref<128x16xf32, #tpu.memory_space<vmem>>
      %dma_wait3A_103 = arith.constant 0 : i32
      %dma_wait3A_104 = tpu.memref_slice %arg7[%add3A_97, %dma_wait3A_103] : memref<80x128xi32, #tpu.memory_space<vmem>> -> memref<1x128xi32, #tpu.memory_space<vmem>>
      %dma_wait3A_105 = tpu.memref_squeeze %dma_wait3A_104 : memref<1x128xi32, #tpu.memory_space<vmem>> -> memref<128xi32, #tpu.memory_space<vmem>>
      %dma_wait3A_106 = arith.constant 0 : i32
      %dma_wait3A_107 = arith.constant 0 : i32
      %dma_wait3A_108 = tpu.memref_slice %arg10[%dma_wait3A_106, %dma_wait3A_107] : memref<10240x16xf32, #tpu.memory_space<vmem_shared>> -> memref<10240x16xf32, #tpu.memory_space<vmem_shared>>
      tpu.wait_indirect_dma semaphore(%arg12 : memref<!tpu.dma_semaphore, #tpu.memory_space<semaphore_mem>>) src(%dma_wait3A_108 : memref<10240x16xf32, #tpu.memory_space<vmem_shared>>) dst(%dma_wait3A_102 : memref<128x16xf32, #tpu.memory_space<vmem>>)
      %add3A_109 = arith.constant 1 : i32
      %add3A_110 = arith.addi %mul3A_64, %add3A_109 : i32
      %dma_start3A_111 = arith.constant 1 : i32
      %dma_start3A_112 = arith.constant 0 : i32
      %dma_start3A_113 = arith.constant 0 : i32
      %dma_start3A_114 = tpu.memref_slice %arg9[%rem3A_61, %dma_start3A_111, %dma_start3A_112, %dma_start3A_113] : memref<2x4x128x16xf32, #tpu.memory_space<vmem>> -> memref<1x1x128x16xf32, #tpu.memory_space<vmem>>
      %dma_start3A_115 = tpu.memref_squeeze %dma_start3A_114 : memref<1x1x128x16xf32, #tpu.memory_space<vmem>> -> memref<128x16xf32, #tpu.memory_space<vmem>>
      %dma_start3A_116 = arith.constant 0 : i32
      %dma_start3A_117 = tpu.memref_slice %arg8[%add3A_110, %dma_start3A_116] : memref<80x128xi32, #tpu.memory_space<vmem>> -> memref<1x128xi32, #tpu.memory_space<vmem>>
      %dma_start3A_118 = tpu.memref_squeeze %dma_start3A_117 : memref<1x128xi32, #tpu.memory_space<vmem>> -> memref<128xi32, #tpu.memory_space<vmem>>
      %dma_start3A_119 = arith.constant 0 : i32
      %dma_start3A_120 = arith.constant 0 : i32
      %dma_start3A_121 = tpu.memref_slice %arg11[%dma_start3A_119, %dma_start3A_120] : memref<10240x16xf32, #tpu.memory_space<vmem_shared>> -> memref<10240x16xf32, #tpu.memory_space<vmem_shared>>
      tpu.enqueue_indirect_dma source(%dma_start3A_115 : memref<128x16xf32, #tpu.memory_space<vmem>>) target(%dma_start3A_121 : memref<10240x16xf32, #tpu.memory_space<vmem_shared>>) offsets(%dma_start3A_118 : memref<128xi32, #tpu.memory_space<vmem>>) semaphore(%arg13 : memref<!tpu.dma_semaphore, #tpu.memory_space<semaphore_mem>>) {add = true}
      %add3A_122 = arith.constant 2 : i32
      %add3A_123 = arith.addi %mul3A_64, %add3A_122 : i32
      %dma_wait3A_124 = arith.constant 2 : i32
      %dma_wait3A_125 = arith.constant 0 : i32
      %dma_wait3A_126 = arith.constant 0 : i32
      %dma_wait3A_127 = tpu.memref_slice %arg9[%rem3A_61, %dma_wait3A_124, %dma_wait3A_125, %dma_wait3A_126] : memref<2x4x128x16xf32, #tpu.memory_space<vmem>> -> memref<1x1x128x16xf32, #tpu.memory_space<vmem>>
      %dma_wait3A_128 = tpu.memref_squeeze %dma_wait3A_127 : memref<1x1x128x16xf32, #tpu.memory_space<vmem>> -> memref<128x16xf32, #tpu.memory_space<vmem>>
      %dma_wait3A_129 = arith.constant 0 : i32
      %dma_wait3A_130 = tpu.memref_slice %arg7[%add3A_123, %dma_wait3A_129] : memref<80x128xi32, #tpu.memory_space<vmem>> -> memref<1x128xi32, #tpu.memory_space<vmem>>
      %dma_wait3A_131 = tpu.memref_squeeze %dma_wait3A_130 : memref<1x128xi32, #tpu.memory_space<vmem>> -> memref<128xi32, #tpu.memory_space<vmem>>
      %dma_wait3A_132 = arith.constant 0 : i32
      %dma_wait3A_133 = arith.constant 0 : i32
      %dma_wait3A_134 = tpu.memref_slice %arg10[%dma_wait3A_132, %dma_wait3A_133] : memref<10240x16xf32, #tpu.memory_space<vmem_shared>> -> memref<10240x16xf32, #tpu.memory_space<vmem_shared>>
      tpu.wait_indirect_dma semaphore(%arg12 : memref<!tpu.dma_semaphore, #tpu.memory_space<semaphore_mem>>) src(%dma_wait3A_134 : memref<10240x16xf32, #tpu.memory_space<vmem_shared>>) dst(%dma_wait3A_128 : memref<128x16xf32, #tpu.memory_space<vmem>>)
      %add3A_135 = arith.constant 2 : i32
      %add3A_136 = arith.addi %mul3A_64, %add3A_135 : i32
      %dma_start3A_137 = arith.constant 2 : i32
      %dma_start3A_138 = arith.constant 0 : i32
      %dma_start3A_139 = arith.constant 0 : i32
      %dma_start3A_140 = tpu.memref_slice %arg9[%rem3A_61, %dma_start3A_137, %dma_start3A_138, %dma_start3A_139] : memref<2x4x128x16xf32, #tpu.memory_space<vmem>> -> memref<1x1x128x16xf32, #tpu.memory_space<vmem>>
      %dma_start3A_141 = tpu.memref_squeeze %dma_start3A_140 : memref<1x1x128x16xf32, #tpu.memory_space<vmem>> -> memref<128x16xf32, #tpu.memory_space<vmem>>
      %dma_start3A_142 = arith.constant 0 : i32
      %dma_start3A_143 = tpu.memref_slice %arg8[%add3A_136, %dma_start3A_142] : memref<80x128xi32, #tpu.memory_space<vmem>> -> memref<1x128xi32, #tpu.memory_space<vmem>>
      %dma_start3A_144 = tpu.memref_squeeze %dma_start3A_143 : memref<1x128xi32, #tpu.memory_space<vmem>> -> memref<128xi32, #tpu.memory_space<vmem>>
      %dma_start3A_145 = arith.constant 0 : i32
      %dma_start3A_146 = arith.constant 0 : i32
      %dma_start3A_147 = tpu.memref_slice %arg11[%dma_start3A_145, %dma_start3A_146] : memref<10240x16xf32, #tpu.memory_space<vmem_shared>> -> memref<10240x16xf32, #tpu.memory_space<vmem_shared>>
      tpu.enqueue_indirect_dma source(%dma_start3A_141 : memref<128x16xf32, #tpu.memory_space<vmem>>) target(%dma_start3A_147 : memref<10240x16xf32, #tpu.memory_space<vmem_shared>>) offsets(%dma_start3A_144 : memref<128xi32, #tpu.memory_space<vmem>>) semaphore(%arg13 : memref<!tpu.dma_semaphore, #tpu.memory_space<semaphore_mem>>) {add = true}
      %add3A_148 = arith.constant 3 : i32
      %add3A_149 = arith.addi %mul3A_64, %add3A_148 : i32
      %dma_wait3A_150 = arith.constant 3 : i32
      %dma_wait3A_151 = arith.constant 0 : i32
      %dma_wait3A_152 = arith.constant 0 : i32
      %dma_wait3A_153 = tpu.memref_slice %arg9[%rem3A_61, %dma_wait3A_150, %dma_wait3A_151, %dma_wait3A_152] : memref<2x4x128x16xf32, #tpu.memory_space<vmem>> -> memref<1x1x128x16xf32, #tpu.memory_space<vmem>>
      %dma_wait3A_154 = tpu.memref_squeeze %dma_wait3A_153 : memref<1x1x128x16xf32, #tpu.memory_space<vmem>> -> memref<128x16xf32, #tpu.memory_space<vmem>>
      %dma_wait3A_155 = arith.constant 0 : i32
      %dma_wait3A_156 = tpu.memref_slice %arg7[%add3A_149, %dma_wait3A_155] : memref<80x128xi32, #tpu.memory_space<vmem>> -> memref<1x128xi32, #tpu.memory_space<vmem>>
      %dma_wait3A_157 = tpu.memref_squeeze %dma_wait3A_156 : memref<1x128xi32, #tpu.memory_space<vmem>> -> memref<128xi32, #tpu.memory_space<vmem>>
      %dma_wait3A_158 = arith.constant 0 : i32
      %dma_wait3A_159 = arith.constant 0 : i32
      %dma_wait3A_160 = tpu.memref_slice %arg10[%dma_wait3A_158, %dma_wait3A_159] : memref<10240x16xf32, #tpu.memory_space<vmem_shared>> -> memref<10240x16xf32, #tpu.memory_space<vmem_shared>>
      tpu.wait_indirect_dma semaphore(%arg12 : memref<!tpu.dma_semaphore, #tpu.memory_space<semaphore_mem>>) src(%dma_wait3A_160 : memref<10240x16xf32, #tpu.memory_space<vmem_shared>>) dst(%dma_wait3A_154 : memref<128x16xf32, #tpu.memory_space<vmem>>)
      %add3A_161 = arith.constant 3 : i32
      %add3A_162 = arith.addi %mul3A_64, %add3A_161 : i32
      %dma_start3A_163 = arith.constant 3 : i32
      %dma_start3A_164 = arith.constant 0 : i32
      %dma_start3A_165 = arith.constant 0 : i32
      %dma_start3A_166 = tpu.memref_slice %arg9[%rem3A_61, %dma_start3A_163, %dma_start3A_164, %dma_start3A_165] : memref<2x4x128x16xf32, #tpu.memory_space<vmem>> -> memref<1x1x128x16xf32, #tpu.memory_space<vmem>>
      %dma_start3A_167 = tpu.memref_squeeze %dma_start3A_166 : memref<1x1x128x16xf32, #tpu.memory_space<vmem>> -> memref<128x16xf32, #tpu.memory_space<vmem>>
      %dma_start3A_168 = arith.constant 0 : i32
      %dma_start3A_169 = tpu.memref_slice %arg8[%add3A_162, %dma_start3A_168] : memref<80x128xi32, #tpu.memory_space<vmem>> -> memref<1x128xi32, #tpu.memory_space<vmem>>
      %dma_start3A_170 = tpu.memref_squeeze %dma_start3A_169 : memref<1x128xi32, #tpu.memory_space<vmem>> -> memref<128xi32, #tpu.memory_space<vmem>>
      %dma_start3A_171 = arith.constant 0 : i32
      %dma_start3A_172 = arith.constant 0 : i32
      %dma_start3A_173 = tpu.memref_slice %arg11[%dma_start3A_171, %dma_start3A_172] : memref<10240x16xf32, #tpu.memory_space<vmem_shared>> -> memref<10240x16xf32, #tpu.memory_space<vmem_shared>>
      tpu.enqueue_indirect_dma source(%dma_start3A_167 : memref<128x16xf32, #tpu.memory_space<vmem>>) target(%dma_start3A_173 : memref<10240x16xf32, #tpu.memory_space<vmem_shared>>) offsets(%dma_start3A_170 : memref<128xi32, #tpu.memory_space<vmem>>) semaphore(%arg13 : memref<!tpu.dma_semaphore, #tpu.memory_space<semaphore_mem>>) {add = true}
      %add3A_174 = arith.constant 0 : i32
      %add3A_175 = arith.addi %mul3A_64, %add3A_174 : i32
      %dma_wait3A_176 = arith.constant 0 : i32
      %dma_wait3A_177 = arith.constant 0 : i32
      %dma_wait3A_178 = arith.constant 0 : i32
      %dma_wait3A_179 = tpu.memref_slice %arg9[%rem3A_61, %dma_wait3A_176, %dma_wait3A_177, %dma_wait3A_178] : memref<2x4x128x16xf32, #tpu.memory_space<vmem>> -> memref<1x1x128x16xf32, #tpu.memory_space<vmem>>
      %dma_wait3A_180 = tpu.memref_squeeze %dma_wait3A_179 : memref<1x1x128x16xf32, #tpu.memory_space<vmem>> -> memref<128x16xf32, #tpu.memory_space<vmem>>
      %dma_wait3A_181 = arith.constant 0 : i32
      %dma_wait3A_182 = tpu.memref_slice %arg8[%add3A_175, %dma_wait3A_181] : memref<80x128xi32, #tpu.memory_space<vmem>> -> memref<1x128xi32, #tpu.memory_space<vmem>>
      %dma_wait3A_183 = tpu.memref_squeeze %dma_wait3A_182 : memref<1x128xi32, #tpu.memory_space<vmem>> -> memref<128xi32, #tpu.memory_space<vmem>>
      %dma_wait3A_184 = arith.constant 0 : i32
      %dma_wait3A_185 = arith.constant 0 : i32
      %dma_wait3A_186 = tpu.memref_slice %arg11[%dma_wait3A_184, %dma_wait3A_185] : memref<10240x16xf32, #tpu.memory_space<vmem_shared>> -> memref<10240x16xf32, #tpu.memory_space<vmem_shared>>
      tpu.wait_indirect_dma semaphore(%arg13 : memref<!tpu.dma_semaphore, #tpu.memory_space<semaphore_mem>>) src(%dma_wait3A_180 : memref<128x16xf32, #tpu.memory_space<vmem>>) dst(%dma_wait3A_186 : memref<10240x16xf32, #tpu.memory_space<vmem_shared>>)
      %add3A_187 = arith.constant 1 : i32
      %add3A_188 = arith.addi %mul3A_64, %add3A_187 : i32
      %dma_wait3A_189 = arith.constant 1 : i32
      %dma_wait3A_190 = arith.constant 0 : i32
      %dma_wait3A_191 = arith.constant 0 : i32
      %dma_wait3A_192 = tpu.memref_slice %arg9[%rem3A_61, %dma_wait3A_189, %dma_wait3A_190, %dma_wait3A_191] : memref<2x4x128x16xf32, #tpu.memory_space<vmem>> -> memref<1x1x128x16xf32, #tpu.memory_space<vmem>>
      %dma_wait3A_193 = tpu.memref_squeeze %dma_wait3A_192 : memref<1x1x128x16xf32, #tpu.memory_space<vmem>> -> memref<128x16xf32, #tpu.memory_space<vmem>>
      %dma_wait3A_194 = arith.constant 0 : i32
      %dma_wait3A_195 = tpu.memref_slice %arg8[%add3A_188, %dma_wait3A_194] : memref<80x128xi32, #tpu.memory_space<vmem>> -> memref<1x128xi32, #tpu.memory_space<vmem>>
      %dma_wait3A_196 = tpu.memref_squeeze %dma_wait3A_195 : memref<1x128xi32, #tpu.memory_space<vmem>> -> memref<128xi32, #tpu.memory_space<vmem>>
      %dma_wait3A_197 = arith.constant 0 : i32
      %dma_wait3A_198 = arith.constant 0 : i32
      %dma_wait3A_199 = tpu.memref_slice %arg11[%dma_wait3A_197, %dma_wait3A_198] : memref<10240x16xf32, #tpu.memory_space<vmem_shared>> -> memref<10240x16xf32, #tpu.memory_space<vmem_shared>>
      tpu.wait_indirect_dma semaphore(%arg13 : memref<!tpu.dma_semaphore, #tpu.memory_space<semaphore_mem>>) src(%dma_wait3A_193 : memref<128x16xf32, #tpu.memory_space<vmem>>) dst(%dma_wait3A_199 : memref<10240x16xf32, #tpu.memory_space<vmem_shared>>)
      %add3A_200 = arith.constant 2 : i32
      %add3A_201 = arith.addi %mul3A_64, %add3A_200 : i32
      %dma_wait3A_202 = arith.constant 2 : i32
      %dma_wait3A_203 = arith.constant 0 : i32
      %dma_wait3A_204 = arith.constant 0 : i32
      %dma_wait3A_205 = tpu.memref_slice %arg9[%rem3A_61, %dma_wait3A_202, %dma_wait3A_203, %dma_wait3A_204] : memref<2x4x128x16xf32, #tpu.memory_space<vmem>> -> memref<1x1x128x16xf32, #tpu.memory_space<vmem>>
      %dma_wait3A_206 = tpu.memref_squeeze %dma_wait3A_205 : memref<1x1x128x16xf32, #tpu.memory_space<vmem>> -> memref<128x16xf32, #tpu.memory_space<vmem>>
      %dma_wait3A_207 = arith.constant 0 : i32
      %dma_wait3A_208 = tpu.memref_slice %arg8[%add3A_201, %dma_wait3A_207] : memref<80x128xi32, #tpu.memory_space<vmem>> -> memref<1x128xi32, #tpu.memory_space<vmem>>
      %dma_wait3A_209 = tpu.memref_squeeze %dma_wait3A_208 : memref<1x128xi32, #tpu.memory_space<vmem>> -> memref<128xi32, #tpu.memory_space<vmem>>
      %dma_wait3A_210 = arith.constant 0 : i32
      %dma_wait3A_211 = arith.constant 0 : i32
      %dma_wait3A_212 = tpu.memref_slice %arg11[%dma_wait3A_210, %dma_wait3A_211] : memref<10240x16xf32, #tpu.memory_space<vmem_shared>> -> memref<10240x16xf32, #tpu.memory_space<vmem_shared>>
      tpu.wait_indirect_dma semaphore(%arg13 : memref<!tpu.dma_semaphore, #tpu.memory_space<semaphore_mem>>) src(%dma_wait3A_206 : memref<128x16xf32, #tpu.memory_space<vmem>>) dst(%dma_wait3A_212 : memref<10240x16xf32, #tpu.memory_space<vmem_shared>>)
      %add3A_213 = arith.constant 3 : i32
      %add3A_214 = arith.addi %mul3A_64, %add3A_213 : i32
      %dma_wait3A_215 = arith.constant 3 : i32
      %dma_wait3A_216 = arith.constant 0 : i32
      %dma_wait3A_217 = arith.constant 0 : i32
      %dma_wait3A_218 = tpu.memref_slice %arg9[%rem3A_61, %dma_wait3A_215, %dma_wait3A_216, %dma_wait3A_217] : memref<2x4x128x16xf32, #tpu.memory_space<vmem>> -> memref<1x1x128x16xf32, #tpu.memory_space<vmem>>
      %dma_wait3A_219 = tpu.memref_squeeze %dma_wait3A_218 : memref<1x1x128x16xf32, #tpu.memory_space<vmem>> -> memref<128x16xf32, #tpu.memory_space<vmem>>
      %dma_wait3A_220 = arith.constant 0 : i32
      %dma_wait3A_221 = tpu.memref_slice %arg8[%add3A_214, %dma_wait3A_220] : memref<80x128xi32, #tpu.memory_space<vmem>> -> memref<1x128xi32, #tpu.memory_space<vmem>>
      %dma_wait3A_222 = tpu.memref_squeeze %dma_wait3A_221 : memref<1x128xi32, #tpu.memory_space<vmem>> -> memref<128xi32, #tpu.memory_space<vmem>>
      %dma_wait3A_223 = arith.constant 0 : i32
      %dma_wait3A_224 = arith.constant 0 : i32
      %dma_wait3A_225 = tpu.memref_slice %arg11[%dma_wait3A_223, %dma_wait3A_224] : memref<10240x16xf32, #tpu.memory_space<vmem_shared>> -> memref<10240x16xf32, #tpu.memory_space<vmem_shared>>
      tpu.wait_indirect_dma semaphore(%arg13 : memref<!tpu.dma_semaphore, #tpu.memory_space<semaphore_mem>>) src(%dma_wait3A_219 : memref<128x16xf32, #tpu.memory_space<vmem>>) dst(%dma_wait3A_225 : memref<10240x16xf32, #tpu.memory_space<vmem_shared>>)
    }
    %scan3A_58 = arith.constant 20 : i32
    %barrier3A_59 = arith.constant 0 : index
    tpu.barrier barrier_id(%barrier3A_59)
    "tpu.region"() ({
      %run_scoped3A = tpu.sem_alloc : memref<!tpu.dma_semaphore, #tpu.memory_space<semaphore_mem>>
      %dma_start3A_60 = arith.constant 0 : i32
      %dma_start3A_61 = tpu.memref_slice %arg6[%arg0, %mul3A_2, %dma_start3A_60] : memref<2x10240x16xf32, #tpu.memory_space<hbm>> -> memref<1x640x16xf32, #tpu.memory_space<hbm>>
      %dma_start3A_62 = tpu.memref_squeeze %dma_start3A_61 : memref<1x640x16xf32, #tpu.memory_space<hbm>> -> memref<640x16xf32, #tpu.memory_space<hbm>>
      %dma_start3A_63 = arith.constant 0 : i32
      %dma_start3A_64 = tpu.memref_slice %arg11[%mul3A_2, %dma_start3A_63] : memref<10240x16xf32, #tpu.memory_space<vmem_shared>> -> memref<640x16xf32, #tpu.memory_space<vmem_shared>>
      tpu.enqueue_dma source(%dma_start3A_64 : memref<640x16xf32, #tpu.memory_space<vmem_shared>>) target(%dma_start3A_62 : memref<640x16xf32, #tpu.memory_space<hbm>>) target_semaphore(%run_scoped3A : memref<!tpu.dma_semaphore, #tpu.memory_space<semaphore_mem>>)
      %dma_wait3A = arith.constant 0 : i32
      %dma_wait3A_65 = tpu.memref_slice %arg6[%arg0, %mul3A_2, %dma_wait3A] : memref<2x10240x16xf32, #tpu.memory_space<hbm>> -> memref<1x640x16xf32, #tpu.memory_space<hbm>>
      %dma_wait3A_66 = tpu.memref_squeeze %dma_wait3A_65 : memref<1x640x16xf32, #tpu.memory_space<hbm>> -> memref<640x16xf32, #tpu.memory_space<hbm>>
      %dma_wait3A_67 = arith.constant 0 : i32
      %dma_wait3A_68 = tpu.memref_slice %arg11[%mul3A_2, %dma_wait3A_67] : memref<10240x16xf32, #tpu.memory_space<vmem_shared>> -> memref<640x16xf32, #tpu.memory_space<vmem_shared>>
      tpu.wait_dma2 semaphore(%run_scoped3A : memref<!tpu.dma_semaphore, #tpu.memory_space<semaphore_mem>>) src(%dma_wait3A_68 : memref<640x16xf32, #tpu.memory_space<vmem_shared>>) dst(%dma_wait3A_66 : memref<640x16xf32, #tpu.memory_space<hbm>>)
      tpu.yield
    }) : () -> ()
    return
  }
}

module attributes {stable_mosaic.version = 14 : i64} {
  func.func @_tc_a1_body(%arg0: i32, %arg1: memref<2048x128xf32, #tpu.memory_space<vmem>>, %arg2: memref<128x64xf32, #tpu.memory_space<vmem>>, %arg3: memref<2048x64xf32, #tpu.memory_space<vmem>>) attributes {dimension_semantics = [#tpu.dimension_semantics<arbitrary>], iteration_bounds = array<i64: 5>, scalar_prefetch = 0 : i64, scratch_operands = 0 : i64, tpu.core_type = #tpu.core_type<tc>, window_params = [{transform_indices = @transform_0, window_bounds = array<i64: 2048, 128>}, {pipeline_mode = #tpu.pipeline_mode<synchronous>, transform_indices = @transform_1, window_bounds = array<i64: 128, 64>}, {transform_indices = @transform_2, window_bounds = array<i64: 2048, 64>}]} {
    %get3A = arith.constant 0 : index
    %get3A_0 = arith.constant 0 : index
    %get3A_1 = vector.load %arg1[%get3A, %get3A_0] : memref<2048x128xf32, #tpu.memory_space<vmem>>, vector<2048x128xf32>
    %get3A_2 = arith.constant 0 : index
    %get3A_3 = arith.constant 0 : index
    %get3A_4 = vector.load %arg2[%get3A_2, %get3A_3] : memref<128x64xf32, #tpu.memory_space<vmem>>, vector<128x64xf32>
    %dot_general3A = arith.constant dense<0.000000e+00> : vector<2048x64xf32>
    %dot_general3A_5 = tpu.matmul %get3A_1, %get3A_4, %dot_general3A {dimension_numbers = #tpu.dot_dimension_numbers<[1], [0], [0], [1], [0, 0, 1, 1], [], []>, transpose_lhs_hint = false} : vector<2048x128xf32>, vector<128x64xf32>, vector<2048x64xf32> -> vector<2048x64xf32>
    %swap3A = arith.constant 0 : index
    %swap3A_6 = arith.constant 0 : index
    %swap3A_7 = vector.load %arg3[%swap3A, %swap3A_6] : memref<2048x64xf32, #tpu.memory_space<vmem>>, vector<2048x64xf32>
    tpu.vector_store %arg3[%swap3A, %swap3A_6], %dot_general3A_5 {strides = array<i32>} : memref<2048x64xf32, #tpu.memory_space<vmem>>, vector<2048x64xf32>,
    return
  }
  func.func @transform_0(%arg0: i32) -> (i32, i32) {
    %c0_i32 = arith.constant 0 : i32
    %c0_i32_0 = arith.constant 0 : i32
    return %arg0, %c0_i32 : i32, i32
  }
  func.func @transform_1(%arg0: i32) -> (i32, i32) {
    %c0_i32 = arith.constant 0 : i32
    %c0_i32_0 = arith.constant 0 : i32
    %c0_i32_1 = arith.constant 0 : i32
    return %c0_i32, %c0_i32_0 : i32, i32
  }
  func.func @transform_2(%arg0: i32) -> (i32, i32) {
    %c0_i32 = arith.constant 0 : i32
    %c0_i32_0 = arith.constant 0 : i32
    return %arg0, %c0_i32 : i32, i32
  }
}

module attributes {stable_mosaic.version = 14 : i64} {
  func.func @_tc_a2_body(%arg0: i32, %arg1: memref<2048x64xf32, #tpu.memory_space<vmem>>, %arg2: memref<2x2048x8xf32, #tpu.memory_space<vmem>>, %arg3: memref<2048x64xf32, #tpu.memory_space<vmem>>, %arg4: memref<2048x1xf32, #tpu.memory_space<vmem>>) attributes {dimension_semantics = [#tpu.dimension_semantics<arbitrary>], iteration_bounds = array<i64: 5>, scalar_prefetch = 0 : i64, scratch_operands = 0 : i64, tpu.core_type = #tpu.core_type<tc>, window_params = [{transform_indices = @transform_0, window_bounds = array<i64: 2048, 64>}, {transform_indices = @transform_1, window_bounds = array<i64: 2, 2048, 8>}, {transform_indices = @transform_2, window_bounds = array<i64: 2048, 64>}, {transform_indices = @transform_3, window_bounds = array<i64: 2048, 1>}]} {
    %get3A = arith.constant 0 : index
    %get3A_0 = arith.constant 0 : index
    %get3A_1 = arith.constant 0 : index
    %get3A_2 = vector.load %arg2[%get3A, %get3A_0, %get3A_1] : memref<2x2048x8xf32, #tpu.memory_space<vmem>>, vector<1x2048x1xf32>
    %get3A_3 = vector.shape_cast %get3A_2 : vector<1x2048x1xf32> to vector<2048x1xf32>
    %get3A_4 = arith.constant 1 : index
    %get3A_5 = arith.constant 0 : index
    %get3A_6 = arith.constant 0 : index
    %get3A_7 = vector.load %arg2[%get3A_4, %get3A_5, %get3A_6] : memref<2x2048x8xf32, #tpu.memory_space<vmem>>, vector<1x2048x1xf32>
    %get3A_8 = vector.shape_cast %get3A_7 : vector<1x2048x1xf32> to vector<2048x1xf32>
    %add3A = arith.addf %get3A_3, %get3A_8 : vector<2048x1xf32>
    %add3A_9 = arith.constant 1.000000e+00 : f32
    %add3A_10 = vector.broadcast %add3A_9 : f32 to vector<2048x1xf32>
    %add3A_11 = arith.addf %add3A, %add3A_10 : vector<2048x1xf32>
    %rsqrt3A = math.rsqrt %add3A_11 : vector<2048x1xf32>
    %get3A_12 = arith.constant 0 : index
    %get3A_13 = arith.constant 0 : index
    %get3A_14 = vector.load %arg1[%get3A_12, %get3A_13] : memref<2048x64xf32, #tpu.memory_space<vmem>>, vector<2048x64xf32>
    %mul3A = vector.broadcast %rsqrt3A : vector<2048x1xf32> to vector<2048x64xf32>
    %mul3A_15 = arith.mulf %get3A_14, %mul3A : vector<2048x64xf32>
    %swap3A = arith.constant 0 : index
    %swap3A_16 = arith.constant 0 : index
    %swap3A_17 = vector.load %arg3[%swap3A, %swap3A_16] : memref<2048x64xf32, #tpu.memory_space<vmem>>, vector<2048x64xf32>
    tpu.vector_store %arg3[%swap3A, %swap3A_16], %mul3A_15 {strides = array<i32>} : memref<2048x64xf32, #tpu.memory_space<vmem>>, vector<2048x64xf32>,
    %swap3A_18 = arith.constant 0 : index
    %swap3A_19 = arith.constant 0 : index
    %swap3A_20 = vector.load %arg4[%swap3A_18, %swap3A_19] : memref<2048x1xf32, #tpu.memory_space<vmem>>, vector<2048x1xf32>
    tpu.vector_store %arg4[%swap3A_18, %swap3A_19], %rsqrt3A {strides = array<i32>} : memref<2048x1xf32, #tpu.memory_space<vmem>>, vector<2048x1xf32>,
    return
  }
  func.func @transform_0(%arg0: i32) -> (i32, i32) {
    %c0_i32 = arith.constant 0 : i32
    %c0_i32_0 = arith.constant 0 : i32
    return %arg0, %c0_i32 : i32, i32
  }
  func.func @transform_1(%arg0: i32) -> (i32, i32, i32) {
    %c0_i32 = arith.constant 0 : i32
    %c0_i32_0 = arith.constant 0 : i32
    %c0_i32_1 = arith.constant 0 : i32
    return %c0_i32, %arg0, %c0_i32_0 : i32, i32, i32
  }
  func.func @transform_2(%arg0: i32) -> (i32, i32) {
    %c0_i32 = arith.constant 0 : i32
    %c0_i32_0 = arith.constant 0 : i32
    return %arg0, %c0_i32 : i32, i32
  }
  func.func @transform_3(%arg0: i32) -> (i32, i32) {
    %c0_i32 = arith.constant 0 : i32
    %c0_i32_0 = arith.constant 0 : i32
    return %arg0, %c0_i32 : i32, i32
  }
}

module attributes {stable_mosaic.version = 14 : i64} {
  func.func @_tc_b_body(%arg0: i32, %arg1: memref<2048x64xf32, #tpu.memory_space<vmem>>, %arg2: memref<2048x64xf32, #tpu.memory_space<vmem>>, %arg3: memref<2048x1xf32, #tpu.memory_space<vmem>>, %arg4: memref<1x64xf32, #tpu.memory_space<vmem>>, %arg5: memref<64x16xf32, #tpu.memory_space<vmem>>, %arg6: memref<2048x16xf32, #tpu.memory_space<vmem>>) attributes {dimension_semantics = [#tpu.dimension_semantics<arbitrary>], iteration_bounds = array<i64: 5>, scalar_prefetch = 0 : i64, scratch_operands = 0 : i64, tpu.core_type = #tpu.core_type<tc>, window_params = [{transform_indices = @transform_0, window_bounds = array<i64: 2048, 64>}, {transform_indices = @transform_1, window_bounds = array<i64: 2048, 64>}, {transform_indices = @transform_2, window_bounds = array<i64: 2048, 1>}, {pipeline_mode = #tpu.pipeline_mode<synchronous>, transform_indices = @transform_3, window_bounds = array<i64: 1, 64>}, {pipeline_mode = #tpu.pipeline_mode<synchronous>, transform_indices = @transform_4, window_bounds = array<i64: 64, 16>}, {transform_indices = @transform_5, window_bounds = array<i64: 2048, 16>}]} {
    %get3A = arith.constant 0 : index
    %get3A_0 = arith.constant 0 : index
    %get3A_1 = vector.load %arg3[%get3A, %get3A_0] : memref<2048x1xf32, #tpu.memory_space<vmem>>, vector<2048x1xf32>
    %get3A_2 = arith.constant 0 : index
    %get3A_3 = arith.constant 0 : index
    %get3A_4 = vector.load %arg1[%get3A_2, %get3A_3] : memref<2048x64xf32, #tpu.memory_space<vmem>>, vector<2048x64xf32>
    %get3A_5 = arith.constant 0 : index
    %get3A_6 = arith.constant 0 : index
    %get3A_7 = vector.load %arg2[%get3A_5, %get3A_6] : memref<2048x64xf32, #tpu.memory_space<vmem>>, vector<2048x64xf32>
    %add3A = arith.addf %get3A_4, %get3A_7 : vector<2048x64xf32>
    %mul3A = vector.broadcast %get3A_1 : vector<2048x1xf32> to vector<2048x64xf32>
    %mul3A_8 = arith.mulf %add3A, %mul3A : vector<2048x64xf32>
    %get3A_9 = arith.constant 0 : index
    %get3A_10 = arith.constant 0 : index
    %get3A_11 = vector.load %arg4[%get3A_9, %get3A_10] : memref<1x64xf32, #tpu.memory_space<vmem>>, vector<1x64xf32>
    %add3A_12 = vector.broadcast %get3A_11 : vector<1x64xf32> to vector<2048x64xf32>
    %add3A_13 = arith.addf %mul3A_8, %add3A_12 : vector<2048x64xf32>
    %max3A = arith.constant 0.000000e+00 : f32
    %max3A_14 = vector.broadcast %max3A : f32 to vector<2048x64xf32>
    %max3A_15 = arith.maximumf %add3A_13, %max3A_14 : vector<2048x64xf32>
    %get3A_16 = arith.constant 0 : index
    %get3A_17 = arith.constant 0 : index
    %get3A_18 = vector.load %arg5[%get3A_16, %get3A_17] : memref<64x16xf32, #tpu.memory_space<vmem>>, vector<64x16xf32>
    %dot_general3A = arith.constant dense<0.000000e+00> : vector<2048x16xf32>
    %dot_general3A_19 = tpu.matmul %max3A_15, %get3A_18, %dot_general3A {dimension_numbers = #tpu.dot_dimension_numbers<[1], [0], [0], [1], [0, 0, 1, 1], [], []>, transpose_lhs_hint = false} : vector<2048x64xf32>, vector<64x16xf32>, vector<2048x16xf32> -> vector<2048x16xf32>
    %mul3A_20 = vector.broadcast %get3A_1 : vector<2048x1xf32> to vector<2048x16xf32>
    %mul3A_21 = arith.mulf %dot_general3A_19, %mul3A_20 : vector<2048x16xf32>
    %swap3A = arith.constant 0 : index
    %swap3A_22 = arith.constant 0 : index
    %swap3A_23 = vector.load %arg6[%swap3A, %swap3A_22] : memref<2048x16xf32, #tpu.memory_space<vmem>>, vector<2048x16xf32>
    tpu.vector_store %arg6[%swap3A, %swap3A_22], %mul3A_21 {strides = array<i32>} : memref<2048x16xf32, #tpu.memory_space<vmem>>, vector<2048x16xf32>,
    return
  }
  func.func @transform_0(%arg0: i32) -> (i32, i32) {
    %c0_i32 = arith.constant 0 : i32
    %c0_i32_0 = arith.constant 0 : i32
    return %arg0, %c0_i32 : i32, i32
  }
  func.func @transform_1(%arg0: i32) -> (i32, i32) {
    %c0_i32 = arith.constant 0 : i32
    %c0_i32_0 = arith.constant 0 : i32
    return %arg0, %c0_i32 : i32, i32
  }
  func.func @transform_2(%arg0: i32) -> (i32, i32) {
    %c0_i32 = arith.constant 0 : i32
    %c0_i32_0 = arith.constant 0 : i32
    return %arg0, %c0_i32 : i32, i32
  }
  func.func @transform_3(%arg0: i32) -> (i32, i32) {
    %c0_i32 = arith.constant 0 : i32
    %c0_i32_0 = arith.constant 0 : i32
    %c0_i32_1 = arith.constant 0 : i32
    return %c0_i32, %c0_i32_0 : i32, i32
  }
  func.func @transform_4(%arg0: i32) -> (i32, i32) {
    %c0_i32 = arith.constant 0 : i32
    %c0_i32_0 = arith.constant 0 : i32
    %c0_i32_1 = arith.constant 0 : i32
    return %c0_i32, %c0_i32_0 : i32, i32
  }
  func.func @transform_5(%arg0: i32) -> (i32, i32) {
    %c0_i32 = arith.constant 0 : i32
    %c0_i32_0 = arith.constant 0 : i32
    return %arg0, %c0_i32 : i32, i32
  }
}

module attributes {stable_mosaic.version = 14 : i64} {
  func.func @_tc_c_body(%arg0: i32, %arg1: memref<2x2048x16xf32, #tpu.memory_space<vmem>>, %arg2: memref<2048x16xf32, #tpu.memory_space<vmem>>, %arg3: memref<2048x1xf32, #tpu.memory_space<vmem>>, %arg4: memref<1x16xf32, #tpu.memory_space<vmem>>, %arg5: memref<2048x16xf32, #tpu.memory_space<vmem>>) attributes {dimension_semantics = [#tpu.dimension_semantics<arbitrary>], iteration_bounds = array<i64: 5>, scalar_prefetch = 0 : i64, scratch_operands = 0 : i64, tpu.core_type = #tpu.core_type<tc>, window_params = [{transform_indices = @transform_0, window_bounds = array<i64: 2, 2048, 16>}, {transform_indices = @transform_1, window_bounds = array<i64: 2048, 16>}, {transform_indices = @transform_2, window_bounds = array<i64: 2048, 1>}, {pipeline_mode = #tpu.pipeline_mode<synchronous>, transform_indices = @transform_3, window_bounds = array<i64: 1, 16>}, {transform_indices = @transform_4, window_bounds = array<i64: 2048, 16>}]} {
    %get3A = arith.constant 0 : index
    %get3A_0 = arith.constant 0 : index
    %get3A_1 = arith.constant 0 : index
    %get3A_2 = vector.load %arg1[%get3A, %get3A_0, %get3A_1] : memref<2x2048x16xf32, #tpu.memory_space<vmem>>, vector<1x2048x16xf32>
    %get3A_3 = vector.shape_cast %get3A_2 : vector<1x2048x16xf32> to vector<2048x16xf32>
    %get3A_4 = arith.constant 1 : index
    %get3A_5 = arith.constant 0 : index
    %get3A_6 = arith.constant 0 : index
    %get3A_7 = vector.load %arg1[%get3A_4, %get3A_5, %get3A_6] : memref<2x2048x16xf32, #tpu.memory_space<vmem>>, vector<1x2048x16xf32>
    %get3A_8 = vector.shape_cast %get3A_7 : vector<1x2048x16xf32> to vector<2048x16xf32>
    %add3A = arith.addf %get3A_3, %get3A_8 : vector<2048x16xf32>
    %get3A_9 = arith.constant 0 : index
    %get3A_10 = arith.constant 0 : index
    %get3A_11 = vector.load %arg2[%get3A_9, %get3A_10] : memref<2048x16xf32, #tpu.memory_space<vmem>>, vector<2048x16xf32>
    %add3A_12 = arith.addf %add3A, %get3A_11 : vector<2048x16xf32>
    %get3A_13 = arith.constant 0 : index
    %get3A_14 = arith.constant 0 : index
    %get3A_15 = vector.load %arg3[%get3A_13, %get3A_14] : memref<2048x1xf32, #tpu.memory_space<vmem>>, vector<2048x1xf32>
    %mul3A = vector.broadcast %get3A_15 : vector<2048x1xf32> to vector<2048x16xf32>
    %mul3A_16 = arith.mulf %add3A_12, %mul3A : vector<2048x16xf32>
    %get3A_17 = arith.constant 0 : index
    %get3A_18 = arith.constant 0 : index
    %get3A_19 = vector.load %arg4[%get3A_17, %get3A_18] : memref<1x16xf32, #tpu.memory_space<vmem>>, vector<1x16xf32>
    %add3A_20 = vector.broadcast %get3A_19 : vector<1x16xf32> to vector<2048x16xf32>
    %add3A_21 = arith.addf %mul3A_16, %add3A_20 : vector<2048x16xf32>
    %swap3A = arith.constant 0 : index
    %swap3A_22 = arith.constant 0 : index
    %swap3A_23 = vector.load %arg5[%swap3A, %swap3A_22] : memref<2048x16xf32, #tpu.memory_space<vmem>>, vector<2048x16xf32>
    tpu.vector_store %arg5[%swap3A, %swap3A_22], %add3A_21 {strides = array<i32>} : memref<2048x16xf32, #tpu.memory_space<vmem>>, vector<2048x16xf32>,
    return
  }
  func.func @transform_0(%arg0: i32) -> (i32, i32, i32) {
    %c0_i32 = arith.constant 0 : i32
    %c0_i32_0 = arith.constant 0 : i32
    %c0_i32_1 = arith.constant 0 : i32
    return %c0_i32, %arg0, %c0_i32_0 : i32, i32, i32
  }
  func.func @transform_1(%arg0: i32) -> (i32, i32) {
    %c0_i32 = arith.constant 0 : i32
    %c0_i32_0 = arith.constant 0 : i32
    return %arg0, %c0_i32 : i32, i32
  }
  func.func @transform_2(%arg0: i32) -> (i32, i32) {
    %c0_i32 = arith.constant 0 : i32
    %c0_i32_0 = arith.constant 0 : i32
    return %arg0, %c0_i32 : i32, i32
  }
  func.func @transform_3(%arg0: i32) -> (i32, i32) {
    %c0_i32 = arith.constant 0 : i32
    %c0_i32_0 = arith.constant 0 : i32
    %c0_i32_1 = arith.constant 0 : i32
    return %c0_i32, %c0_i32_0 : i32, i32
  }
  func.func @transform_4(%arg0: i32) -> (i32, i32) {
    %c0_i32 = arith.constant 0 : i32
    %c0_i32_0 = arith.constant 0 : i32
    return %arg0, %c0_i32 : i32, i32
  }
}

</mosaic_0001>

<sc_bundles>
// kernel: kernel.12.cloned.1.call-start
scs
__scs_entry_jumppad:
0x0: {  	(pc) =	sbr.rel $0x88, $3  }
0x1: {  	(tag) =	ssettag $0x0;
	lr =	simm.s32 $0x1  }
0x2: {  	[smem:$0x3F9B] =	sst lr;
	_ =	strace $0xD0000000  }
0x3: {  	_ = 	snop  }
0x4: {  	_ = 	snop  }
0x5: {  	_ = 	snop  }
0x6: {  	_ = 	snop  }
0x7: {  	_ = 	snop  }
__scs_overlays_trampoline_lowered:
0x8: {  	[smem:$0x3FAA] =	sst s0  }
0x9: {  	[smem:$0x3FAB] =	sst s1  }
0xa: {  	[smem:$0x3FAC] =	sst s2  }
0xb: {  	[smem:$0x3FAD] =	sst s3  }
0xc: {  	[smem:$0x3FAE] =	sst s4  }
0xd: {  	[smem:$0x3FAF] =	sst s5  }
0xe: {  	[smem:$0x3FB0] =	sst s6  }
0xf: {  	[smem:$0x3FB1] =	sst s7  }
0x10: {  	[smem:$0x3FB2] =	sst s8  }
0x11: {  	[smem:$0x3FB3] =	sst s9;
	s0 =	simm.s32 @!p0 $0x0  }
0x12: {  	s1 =	sld [smem:$0x3F99];
	s0 =	simm.s32 @p0 $0x1  }
0x13: {  	[smem:$0x3FB4] =	sst s0;
	s0 =	simm.s32 @!p1 $0x0  }
0x14: {  	s2 =	sld [smem:$0x3F98];
	s0 =	simm.s32 @p1 $0x1  }
0x15: {  	[smem:$0x3FB5] =	sst s0;
	s0 =	simm.s32 @!p2 $0x0  }
0x16: {  	s3 =	sld [smem:$0x3FDB];
	s0 =	simm.s32 @p2 $0x1  }
0x17: {  	s4 =	simm.s32 $0x1BF5;
	[smem:$0x3FB7] =	sst s0  }
0x18: {  	s0 =	sld [smem:$0x3F9A];
	_ =	swait.ge [sflag:s4], $0x0  }
0x19: {  	s7 =	sld [smem:$0x3F9B]  }
0x1a: {  	s8 =	sadd.s32 $0xFFFFE003, lr  }
0x1b: {  	s9 =	sadd.s32 $0xFFFFFEF7, lr;
	s5 =	simm.s32 $0xFFFFFFFF;
	p2 =	slt.u32 s8, $0xFFFFF086  }
0x1c: {  	p1 =	slt.u32 s9, $0xF7A;
	s5 =	simm.s32 @!p2 $0x0  }
0x1d: {  	s5 =	simm.s32 @p1 $0x1;
	p0 =	seq.s32 s7, s2  }
0x1e: {  	s7 =	smul.u32 @!p0 $0xF7A, s2;
	p2 =	seq.s32 @!p0 s5, $0x0  }
0x1f: {  	s9 =	smul.u32 $0xF7A, s1;
	s8 =	simm.s32 @!p0 $0x1BF5;
	p2 =	por !p2, p0  }
0x20: {  	[sflag:s8] =	ssyncset.s32 @!p0 $0xFFFFF086;
	s6 =	sadd.s32 @!p0 s3, s7;
	s7 =	simm.s32 @!p0 $0x108  }
0x21: {  	s3 =	sadd.s32 s3, s9;
	s6 =	sadd.s32 @!p0 $0x88, s6;
	s7 =	simm.s32 @p2 $0x1082  }
0x22: {  	[simem:s7], [sflag:s8] =	dma.local @!p0 [hbm:s6], $0xF7A  }
0x23: {  	s9 =	sor.u32 $0xD0000000, s2;
	s6 =	simm.s32 $0x108;
	_ =	swait.ge @!p0 [sflag:s8], $0x0  }
0x24: {  	s3 =	sadd.s32 $0x88, s3;
	s6 =	simm.s32 @!p1 $0x1082;
	[sflag:s4] =	ssyncset.s32 $0xFFFFF086  }
0x25: {  	[simem:s6], [sflag:s4] =	dma.local [hbm:s3], $0xF7A  }
0x26: {  	[smem:$0x3F9B] =	sst s1;
	(tag) =	ssettag s2;
	_ =	strace s9  }
0x27: {  	s1 =	sld [smem:$0x3FAB]  }
0x28: {  	s2 =	sld [smem:$0x3FAC]  }
0x29: {  	s4 =	sld [smem:$0x3FAE]  }
0x2a: {  	p0 =	seq.s32 s5, $0x0;
	s5 =	sld [smem:$0x3FAF]  }
0x2b: {  	s6 =	sld [smem:$0x3FB0]  }
0x2c: {  	s7 =	sld [smem:$0x3FB1]  }
0x2d: {  	s3 =	simm.s32 $0x108;
	s8 =	sld [smem:$0x3FB2]  }
0x2e: {  	s3 =	simm.s32 @!p0 $0x1082;
	s9 =	sld [smem:$0x3FB3]  }
0x2f: {  	lr =	sadd.s32 s0, s3;
	s0 =	sld [smem:$0x3FAA]  }
0x30: {  	s3 =	sld [smem:$0x3FAD]  }
0x31: {  	[smem:$0x3FB6] =	sst s10  }
0x32: {  	s10 =	sld [smem:$0x3FB4];
	_ =	sdelay $0x3  }
0x33: {  	p0 =	seq.s32 s10, $0x1;
	s10 =	sld [smem:$0x3FB6];
	_ =	sdelay $0x3  }
0x34: {  	[smem:$0x3FB6] =	sst s10  }
0x35: {  	s10 =	sld [smem:$0x3FB5];
	_ =	sdelay $0x3  }
0x36: {  	p1 =	seq.s32 s10, $0x1;
	s10 =	sld [smem:$0x3FB6];
	_ =	sdelay $0x3  }
0x37: {  	[smem:$0x3FB6] =	sst s10  }
0x38: {  	s10 =	sld [smem:$0x3FB7]  }
0x39: {  	_ = 	snop;
	(pc) =	sbr.ind lr, $3  }
0x3a: {  	_ = 	snop  }
0x3b: {  	_ = 	snop  }
0x3c: {  	p2 =	seq.s32 s10, $0x1;
	s10 =	sld [smem:$0x3FB6]  }
0x3d: {  	_ =	shalt  }
0x3e: {  	_ =	shalt  }
0x3f: {  	_ =	shalt  }
0x40: {  	_ =	shalt  }
0x41: {  	_ =	shalt  }
0x42: {  	_ =	shalt  }
0x43: {  	_ =	shalt  }
0x44: {  	_ =	shalt  }
0x45: {  	_ =	shalt  }
0x46: {  	_ =	shalt  }
0x47: {  	_ =	shalt  }
0x48: {  	_ =	shalt  }
0x49: {  	_ =	shalt  }
0x4a: {  	_ =	shalt  }
0x4b: {  	_ =	shalt  }
0x4c: {  	_ =	shalt  }
0x4d: {  	_ =	shalt  }
0x4e: {  	_ =	shalt  }
0x4f: {  	_ =	shalt  }
0x50: {  	_ =	shalt  }
0x51: {  	_ =	shalt  }
0x52: {  	_ =	shalt  }
0x53: {  	_ =	shalt  }
0x54: {  	_ =	shalt  }
0x55: {  	_ =	shalt  }
0x56: {  	_ =	shalt  }
0x57: {  	_ =	shalt  }
0x58: {  	_ =	shalt  }
0x59: {  	_ =	shalt  }
0x5a: {  	_ =	shalt  }
0x5b: {  	_ =	shalt  }
0x5c: {  	_ =	shalt  }
0x5d: {  	_ =	shalt  }
0x5e: {  	_ =	shalt  }
0x5f: {  	_ =	shalt  }
0x60: {  	_ =	shalt  }
0x61: {  	_ =	shalt  }
0x62: {  	_ =	shalt  }
0x63: {  	_ =	shalt  }
0x64: {  	_ =	shalt  }
0x65: {  	_ =	shalt  }
0x66: {  	_ =	shalt  }
0x67: {  	_ =	shalt  }
0x68: {  	_ =	shalt  }
0x69: {  	_ =	shalt  }
0x6a: {  	_ =	shalt  }
0x6b: {  	_ =	shalt  }
0x6c: {  	_ =	shalt  }
0x6d: {  	_ =	shalt  }
0x6e: {  	_ =	shalt  }
0x6f: {  	_ =	shalt  }
0x70: {  	_ =	shalt  }
0x71: {  	_ =	shalt  }
0x72: {  	_ =	shalt  }
0x73: {  	_ =	shalt  }
0x74: {  	_ =	shalt  }
0x75: {  	_ =	shalt  }
0x76: {  	_ =	shalt  }
0x77: {  	_ =	shalt  }
0x78: {  	_ =	shalt  }
0x79: {  	_ =	shalt  }
0x7a: {  	_ =	shalt  }
0x7b: {  	_ =	shalt  }
0x7c: {  	_ =	shalt  }
0x7d: {  	_ =	shalt  }
0x7e: {  	_ =	shalt  }
0x7f: {  	_ =	shalt  }
0x80: {  	_ =	shalt  }
0x81: {  	_ =	shalt  }
0x82: {  	_ =	shalt  }
0x83: {  	_ =	shalt  }
0x84: {  	_ =	shalt  }
0x85: {  	_ =	shalt  }
0x86: {  	_ =	shalt  }
0x87: {  	_ =	shalt  }
.Lfunc_end0:
.L_simem_size_0:
called_computation.1_lowered:
.L_overlay_start_0:
0x88: {  	s2 =	sld [smem:$0x3FD9]  }
0x89: {  	s3 =	sld [smem:$0x3FFE];
	_ =	sdelay $0x1  }
0x8a: {  	s1 =	srdreg.scid  }
0x8b: {  	s0 =	sand.u32 $0x1, s1  }
0x8c: {  	s16 =	sshll.u32 s0, $0xA;
	s2 =	sadd.s32 s3, s2  }
0x8d: {  	s2 =	sadd.s32 s2, s16  }
0x8e: {  	[smem:$0x3FC2] =	sst s2  }
0x8f: {  	_ = 	snop  }
0x90: {  	(tm) =	ssettm $0x1  }
0x91: {  	s17 =	sld [smem:$0x3FFB];
	_ =	sdelay $0x3  }
0x92: {  	_ =	strace s17  }
0x93: {  	s2 =	sld [smem:$0x3FFC];
	_ =	sdelay $0x3  }
0x94: {  	_ =	strace s2  }
0x95: {  	s2 =	sld [smem:$0x3FFD];
	_ =	sdelay $0x3  }
0x96: {  	_ =	strace s2  }
0x97: {  	_ =	strace $0x8FFFFFFF  }
0x98: {  	s18 =	sld [smem:$0x3FDB];
	_ =	sdelay $0x1  }
0x99: {  	s19 =	simm.s32 $_scs_section_size  }
0x9a: {  	s4 =	simm.s32 $_size__tile_overlayer_lowered;
	s5 =	simm.s32 $_tile_overlayer_lowered  }
0x9b: {  	s22 =	simm.s32 $0x1BFF;
	s21 =	sshll.u32 s5, $0x1;
	s2 =	sadd.s32 s19, s18  }
0x9c: {  	s6 =	simm.s32 $0x0;
	s20 =	sshll.u32 s4, $0x1;
	s4 =	sadd.s32 s21, s2  }
0x9d: {  	[timem:s6], [sflag:s22] =	dma.local [hbm:s4], s20  }
0x9e: {  	_ =	swait.ge [sflag:s22], s20  }
0x9f: {  	s3 =	ssub.s32 $0x0, s20;
	[sflag:s22] =	ssyncset.done $0x0  }
0xa0: {  	[sflag:s22] =	ssyncadd.s32 s3;
	_ =	sdelay $0x1  }
0xa1: {  	s23 =	simm.s32 $0x1B8B  }
0xa2: {  	_ =	swait.ge [sflag:s23], $0x1  }
0xa3: {  	[sflag:s23] =	ssyncset.done $0x0  }
0xa4: {  	s25 =	simm.s32 $0x1B8E;
	s24 =	sld [smem:$0x3FFE];
	[sflag:s23] =	ssyncadd.s32 $0xFFFFFFFF  }
0xa5: {  	s26 =	simm.s32 $execute0_lowered;
	[smem:$0x3FD2] =	sst s25  }
0xa6: {  	s4 =	sshll.u32 s26, $0x1;
	_ =	strace $0x80000049;
	[dreg:$0x1] =	wrdreg $0xFFFFFFFF  }
0xa7: {  	s28 =	simm.s32 $_size_execute0_lowered;
	s2 =	sadd.s32 s2, s4;
	[dreg:$0x0] =	wrdreg $0x0  }
0xa8: {  	s4 =	sshll.u32 s28, $0x1;
	[dreg:$0x2] =	wrdreg s2  }
0xa9: {  	[dreg:$0x3] =	wrdreg s4  }
0xaa: {  	[dreg:$0x4] =	wrdreg $0xC0  }
0xab: {  	_ =	task [dreg:s6], $0x5FFFF  }
0xac: {  	[dreg:$0x1] =	wrdreg $0xFFFFFFFF  }
0xad: {  	[dreg:$0x0] =	wrdreg $0x60  }
0xae: {  	[dreg:$0x2] =	wrdreg s24  }
0xaf: {  	[dreg:$0x3] =	wrdreg $0x170000  }
0xb0: {  	[dreg:$0x4] =	wrdreg $0x120000  }
0xb1: {  	[dreg:$0x5] =	wrdreg $0x9  }
0xb2: {  	_ =	task.clear_ibuf [dreg:s6], $0x6FFFF;
	_ =	strace $0x90000049  }
0xb3: {  	s29 =	simm.s32 $0x9;
	_ =	strace $0x8000004B  }
0xb4: {  	_ =	swait.ge [sflag:s29], $0x1  }
0xb5: {  	[sflag:s29] =	ssyncadd.s32 $0xFFFFFFFF  }
0xb6: {  	_ =	strace $0x9000004B  }
0xb7: {  	_ =	sfence  }
0xb8: {  	s30 =	sld [smem:$0x0];
	_ =	sdelay $0x2  }
0xb9: {  	s31 =	sshll.u32 s1, $0xD;
	s1 =	sshrl.u32 s1, $0x2  }
0xba: {  	s3 =	sand.u32 $0x4000, s31;
	s1 =	sadd.s32 s1, s30  }
0xbb: {  	s0 =	sor.u32 s3, s0;
	s1 =	sshll.u32 s1, $0x11  }
0xbc: {  	s0 =	sor.u32 s1, s0  }
0xbd: {  	s0 =	sadd.s32 $0x8F2B, s0  }
0xbe: {  	[sflag:s0] =	ssyncadd.remote.s32 $0x1  }
0xbf: {  	_ =	sfence.sel $0xFFFF  }
0xc0: {  	[dreg:$0x0] =	wrdreg $0xFFFFFFFF;
	(pc) =	sbr.abs _section_cstart, $3  }
0xc1: {  	[dreg:$0x1] =	wrdreg $0xFFFFFFFF  }
0xc2: {  	_ =	task.clear_ibuf [dreg:s6], $0x2FFFF;
	_ =	strace $0x9FFFFFFF  }
0xc3: {  	(tm) =	ssettm $0x7FFFFFFF  }
tec
execute0_lowered:
.L_overlay_start_1:
0x0: {  	(tag) =	ssettag $0x1  }
0x1: {  	s0 =	rddreg [dreg:$0x0]  }
0x2: {  	s2 =	rddreg [dreg:$0x1]  }
0x3: {  	s3 =	rddreg [dreg:$0x2]  }
0x4: {  	s13 =	stileid.u32;
	s4 =	simm.s32 $0x0;
	s5 =	srdreg.scid  }
0x5: {  	s11 =	simm.s32 $0x3;
	s16 =	simm.s32 $0x1;
	s17 =	simm.s32 $0x4  }
0x6: {  	s18 =	simm.s32 $0x8;
	s19 =	simm.s32 $0x80;
	s26 =	simm.s32 $0x2  }
0x7: {  	s20 =	simm.s32 $0x11000;
	s21 =	simm.s32 $0x0;
	s1 =	smul.u32 $0xA00, s13  }
0x8: {  	s8 =	smul.u32 $0x5000, s13;
	[smem:$0x7FF] =	sst s4;
	s5 =	sand.u32 $0x1, s5  }
0x9: {  	s6 =	smul.u32 $0xA000, s13;
	s31 =	sshll.u32 s13, $0x6;
	_ =	strace $0x8000004A  }
0xa: {  	s7 =	sshll.u32 s5, $0x5;
	s5 =	ssub.s32 $0x2, s5;
	s13 =	sor.u32 $0x1C03, s31  }
0xb: {  	s1 =	sadd.s32 s1, s0;
	s9 =	sshrl.u32 s8, $0x3;
	s6 =	sor.u32 s7, s6  }
0xc: {  	s29 =	sshrl.u32 s5, $0x1;
	s30 =	sadd.s32 s8, s2;
	s12 =	sadd.s32 s8, s3  }
0xd: {  	s28 =	sadd.s32 s9, s0;
	s6 =	sshrl.u32 s6, $0x3;
	s10 =	ssub.s32 s5, s29  }
0xe: {  	s5 =	sadd.s32 $0x2000, s1;
	s14 =	sshrl.u32 s30, $0x3;
	s15 =	sshrl.u32 s12, $0x3  }
0xf: {  	s12 =	simm.s32 $0x9F80;
	s0 =	sadd.s32 s6, s0;
	s6 =	sadd.s32 $0xC000, s1  }
0x10: {  	s7 =	sadd.s32 $0x2A000, s28;
	s10 =	smax.u32 s10, $0x1;
	s1 =	simm.s32 $0x10000  }
0x11: {  	s8 =	sadd.s32 $0x16000, s0;
	s9 =	sadd.s32 $0x34000, s0;
	s0 =	simm.s32 $0x9F00  }
.LBB2_1:
0x12: {  	[tilespmem:s4], [sflag:$0x3] =	stream.linear.gather [hbm4b:s5+s4], $0x5000, $0x38;
	[tilespmem:$0x1C000] =	vst v63  }
0x13: {  	_ =	swait.ge [sflag:s11], $0x5000  }
0x14: {  	[sflag:s11] =	ssyncset.done $0x0  }
0x15: {  	s22 =	simm.s32 $0x5000;
	[sflag:s11] =	ssyncadd.s32 $0xFFFFB000  }
0x16: {  	[tilespmem:s22], [sflag:$0x3] =	stream.linear.gather [hbm4b:s6+s4], $0x5000, $0x38;
	[tilespmem:$0x1C000] =	vst v63  }
0x17: {  	_ =	swait.ge [sflag:s11], $0x5000  }
0x18: {  	[sflag:s11] =	ssyncset.done $0x0  }
0x19: {  	[sflag:s11] =	ssyncadd.s32 $0xFFFFB000  }
0x1a: {  	[spmem:s14], [sflag:s13] =	dma.local [hbm:s7], $0xA00  }
0x1b: {  	_ =	swait.ge [sflag:s11], $0xA00  }
0x1c: {  	[sflag:s11] =	ssyncset.done $0x0  }
0x1d: {  	[sflag:s11] =	ssyncadd.s32 $0xFFFFF600  }
0x1e: {  	[spmem:s15@s17], [sflag:s13] =	dma.strided [hbm:s8@s18], $0xA00, s16, $0x4   }
0x1f: {  	_ =	swait.ge [sflag:s11], $0xA00  }
0x20: {  	[sflag:s11] =	ssyncset.done $0x0  }
0x21: {  	[sflag:s11] =	ssyncadd.s32 $0xFFFFF600  }
0x22: {  	s29 =	simm.s32 $0xA000;
	[bflag:$0x0] =	sbarrier.arrive $0xFFFF  }
0x23: {  	[tilespmem:s29], [sflag:$0x1] =	stream.indirect.gather [spmem:s3], $0x20, s4, s19, $0xb8;
	[tilespmem:$0x1C000] =	vst v63  }
0x24: {  	s30 =	simm.s32 $0xB000  }
0x25: {  	[tilespmem:s30], [sflag:$0x1] =	stream.indirect.gather [spmem:s3], $0x20, s19, s19, $0xb8;
	[tilespmem:$0x1C000] =	vst v63  }
0x26: {  	s31 =	simm.s32 $0x100;
	s23 =	simm.s32 $0xC000;
	s25 =	simm.s32 $0x0  }
0x27: {  	[tilespmem:s23], [sflag:$0x1] =	stream.indirect.gather [spmem:s3], $0x20, s31, s19, $0xb8;
	[tilespmem:$0x1C000] =	vst v63  }
0x28: {  	s24 =	simm.s32 $0xD000;
	s22 =	sand.u32 $0x4000, s25;
	s23 =	simm.s32 $0x180  }
0x29: {  	[tilespmem:s24], [sflag:$0x1] =	stream.indirect.gather [spmem:s3], $0x20, s23, s19, $0xb8;
	[tilespmem:$0x1C000] =	vst v63  }
0x2a: {  	s29 =	sxor.u32 $0xE000, s22;
	s24 =	simm.s32 $0x200  }
0x2b: {  	[tilespmem:s29], [sflag:$0x1] =	stream.indirect.gather [spmem:s3], $0x20, s24, s19, $0xb8;
	[tilespmem:$0x1C000] =	vst v63  }
0x2c: {  	s30 =	sxor.u32 $0xF000, s22;
	s31 =	simm.s32 $0x280  }
0x2d: {  	[tilespmem:s30], [sflag:$0x1] =	stream.indirect.gather [spmem:s3], $0x20, s31, s19, $0xb8;
	[tilespmem:$0x1C000] =	vst v63  }
0x2e: {  	s25 =	ssub.s32 $0x10000, s22;
	s29 =	simm.s32 $0x300  }
0x2f: {  	[tilespmem:s25], [sflag:$0x1] =	stream.indirect.gather [spmem:s3], $0x20, s29, s19, $0xb8;
	[tilespmem:$0x1C000] =	vst v63  }
0x30: {  	s30 =	ssub.s32 $0x11000, s22;
	s31 =	simm.s32 $0x380  }
0x31: {  	[tilespmem:s30], [sflag:$0x1] =	stream.indirect.gather [spmem:s3], $0x20, s31, s19, $0xb8;
	[tilespmem:$0x1C000] =	vst v63  }
0x32: {  	_ =	swait.ge [sflag:s16], $0x1000  }
0x33: {  	[sflag:s16] =	ssyncset.done $0x0  }
0x34: {  	s25 =	sor.u32 $0xA000, s22;
	s29 =	simm.s32 $0x5000;
	[sflag:s16] =	ssyncadd.s32 $0xFFFFF000  }
0x35: {  	[spmem:s2] =	stream.indirect.scatter.add.f32 [tilespmem:s25], [sflag:$0x2], $0x20, s29, s19, $0xb8;
	[tilespmem:$0x1C000] =	vst v63  }
0x36: {  	_ =	swait.ge [sflag:s16], $0x1000  }
0x37: {  	[sflag:s16] =	ssyncset.done $0x0  }
0x38: {  	s30 =	sor.u32 $0xB000, s22;
	s31 =	simm.s32 $0x5080;
	[sflag:s16] =	ssyncadd.s32 $0xFFFFF000  }
0x39: {  	[spmem:s2] =	stream.indirect.scatter.add.f32 [tilespmem:s30], [sflag:$0x2], $0x20, s31, s19, $0xb8;
	[tilespmem:$0x1C000] =	vst v63  }
0x3a: {  	_ =	swait.ge [sflag:s16], $0x1000  }
0x3b: {  	[sflag:s16] =	ssyncset.done $0x0  }
0x3c: {  	s25 =	sadd.s32 $0xC000, s22;
	s29 =	simm.s32 $0x5100;
	[sflag:s16] =	ssyncadd.s32 $0xFFFFF000  }
0x3d: {  	[spmem:s2] =	stream.indirect.scatter.add.f32 [tilespmem:s25], [sflag:$0x2], $0x20, s29, s19, $0xb8;
	[tilespmem:$0x1C000] =	vst v63  }
0x3e: {  	_ =	swait.ge [sflag:s16], $0x1000  }
0x3f: {  	[sflag:s16] =	ssyncset.done $0x0  }
0x40: {  	s22 =	sadd.s32 $0xD000, s22;
	s30 =	simm.s32 $0x5180;
	[sflag:s16] =	ssyncadd.s32 $0xFFFFF000  }
0x41: {  	[spmem:s2] =	stream.indirect.scatter.add.f32 [tilespmem:s22], [sflag:$0x2], $0x20, s30, s19, $0xb8;
	[tilespmem:$0x1C000] =	vst v63  }
0x42: {  	_ =	swait.ge [sflag:s26], $0x1000  }
0x43: {  	[sflag:s26] =	ssyncset.done $0x0  }
0x44: {  	[sflag:s26] =	ssyncadd.s32 $0xFFFFF000  }
0x45: {  	_ =	swait.ge [sflag:s26], $0x1000  }
0x46: {  	[sflag:s26] =	ssyncset.done $0x0  }
0x47: {  	[sflag:s26] =	ssyncadd.s32 $0xFFFFF000  }
0x48: {  	_ =	swait.ge [sflag:s26], $0x1000  }
0x49: {  	[sflag:s26] =	ssyncset.done $0x0  }
0x4a: {  	s28 =	simm.s32 $0x1000;
	[sflag:s26] =	ssyncadd.s32 $0xFFFFF000  }
0x4b: {  	s24 =	simm.s32 $0x1;
	s31 =	simm.s32 $0x4000;
	_ =	swait.ge [sflag:s26], $0x1000  }
0x4c: {  	s23 =	sand.u32 $0x4000, s31;
	s22 =	simm.s32 $0x200;
	[sflag:s26] =	ssyncset.done $0x0  }
.LBB2_2:
0x4d: {  	s29 =	sxor.u32 $0xE000, s23  }
0x4e: {  	s30 =	sadd.s32 $0x200, s22;
	[sflag:s26] =	ssyncadd.s32 $0xFFFFF000;
	s25 =	smov.u32 s28  }
0x4f: {  	[tilespmem:s29], [sflag:$0x1] =	stream.indirect.gather [spmem:s3], $0x20, s30, s19, $0xb8;
	[tilespmem:$0x1C000] =	vst v63  }
0x50: {  	s31 =	sadd.s32 $0x280, s22;
	s29 =	sadd.s32 $0x800, s28;
	s30 =	sxor.u32 $0xF000, s23  }
0x51: {  	[tilespmem:s30], [sflag:$0x1] =	stream.indirect.gather [spmem:s3], $0x20, s31, s19, $0xb8;
	[tilespmem:$0x1C000] =	vst v63  }
0x52: {  	p0 =	sne.s32 s28, $0x13000;
	s28 =	ssub.s32 $0x10000, s23;
	s30 =	sadd.s32 $0x300, s22  }
0x53: {  	[tilespmem:s28], [sflag:$0x1] =	stream.indirect.gather [spmem:s3], $0x20, s30, s19, $0xb8;
	[tilespmem:$0x1C000] =	vst v63  }
0x54: {  	s28 =	ssub.s32 $0x11000, s23;
	s30 =	sadd.s32 $0x380, s22  }
0x55: {  	[tilespmem:s28], [sflag:$0x1] =	stream.indirect.gather [spmem:s3], $0x20, s30, s19, $0xb8;
	[tilespmem:$0x1C000] =	vst v63  }
0x56: {  	_ =	swait.ge [sflag:s16], $0x1000  }
0x57: {  	[sflag:s16] =	ssyncset.done $0x0  }
0x58: {  	s28 =	sor.u32 $0xA000, s23;
	s30 =	sadd.s32 $0x5000, s22;
	[sflag:s16] =	ssyncadd.s32 $0xFFFFF000  }
0x59: {  	[spmem:s2] =	stream.indirect.scatter.add.f32 [tilespmem:s28], [sflag:$0x2], $0x20, s30, s19, $0xb8;
	[tilespmem:$0x1C000] =	vst v63  }
0x5a: {  	_ =	swait.ge [sflag:s16], $0x1000  }
0x5b: {  	[sflag:s16] =	ssyncset.done $0x0  }
0x5c: {  	s28 =	sor.u32 $0xB000, s23;
	s30 =	sadd.s32 $0x5080, s22;
	[sflag:s16] =	ssyncadd.s32 $0xFFFFF000  }
0x5d: {  	[spmem:s2] =	stream.indirect.scatter.add.f32 [tilespmem:s28], [sflag:$0x2], $0x20, s30, s19, $0xb8;
	[tilespmem:$0x1C000] =	vst v63  }
0x5e: {  	_ =	swait.ge [sflag:s16], $0x1000  }
0x5f: {  	[sflag:s16] =	ssyncset.done $0x0  }
0x60: {  	s28 =	sadd.s32 $0xC000, s23;
	s30 =	sadd.s32 $0x5100, s22;
	[sflag:s16] =	ssyncadd.s32 $0xFFFFF000  }
0x61: {  	[spmem:s2] =	stream.indirect.scatter.add.f32 [tilespmem:s28], [sflag:$0x2], $0x20, s30, s19, $0xb8;
	[tilespmem:$0x1C000] =	vst v63  }
0x62: {  	_ =	swait.ge [sflag:s16], $0x1000  }
0x63: {  	[sflag:s16] =	ssyncset.done $0x0  }
0x64: {  	s23 =	sadd.s32 $0xD000, s23;
	s22 =	sadd.s32 $0x5180, s22;
	[sflag:s16] =	ssyncadd.s32 $0xFFFFF000  }
0x65: {  	[spmem:s2] =	stream.indirect.scatter.add.f32 [tilespmem:s23], [sflag:$0x2], $0x20, s22, s19, $0xb8;
	[tilespmem:$0x1C000] =	vst v63  }
0x66: {  	_ =	swait.ge [sflag:s26], $0x1000  }
0x67: {  	[sflag:s26] =	ssyncset.done $0x0  }
0x68: {  	[sflag:s26] =	ssyncadd.s32 $0xFFFFF000  }
0x69: {  	_ =	swait.ge [sflag:s26], $0x1000  }
0x6a: {  	[sflag:s26] =	ssyncset.done $0x0  }
0x6b: {  	[sflag:s26] =	ssyncadd.s32 $0xFFFFF000  }
.Ltmp0:
0x6c: {  	_ =	swait.ge [sflag:s26], $0x1000;
	(pc) =	sbr.rel @p0 .LBB2_2-.Ltmp0, $4  }
0x6d: {  	[sflag:s26] =	ssyncset.done $0x0  }
0x6e: {  	s24 =	sadd.s32 $0x1, s24;
	[sflag:s26] =	ssyncadd.s32 $0xFFFFF000  }
0x6f: {  	s28 =	smov.u32 s29;
	s22 =	sshll.u32 s24, $0xE;
	_ =	swait.ge [sflag:s26], $0x1000  }
0x70: {  	s23 =	sand.u32 $0x4000, s22;
	s22 =	sshra.s32 s25, $0x2;
	[sflag:s26] =	ssyncset.done $0x0  }
0x71: {  	s24 =	sxor.u32 $0xE000, s23;
	s25 =	sadd.s32 $0x200, s22;
	[sflag:s26] =	ssyncadd.s32 $0xFFFFF000  }
0x72: {  	[tilespmem:s24], [sflag:$0x1] =	stream.indirect.gather [spmem:s3], $0x20, s25, s19, $0xb8;
	[tilespmem:$0x1C000] =	vst v63  }
0x73: {  	s28 =	sxor.u32 $0xF000, s23;
	s29 =	sadd.s32 $0x280, s22  }
0x74: {  	[tilespmem:s28], [sflag:$0x1] =	stream.indirect.gather [spmem:s3], $0x20, s29, s19, $0xb8;
	[tilespmem:$0x1C000] =	vst v63  }
0x75: {  	s30 =	ssub.s32 $0x10000, s23;
	s31 =	sadd.s32 $0x300, s22  }
0x76: {  	[tilespmem:s30], [sflag:$0x1] =	stream.indirect.gather [spmem:s3], $0x20, s31, s19, $0xb8;
	[tilespmem:$0x1C000] =	vst v63  }
0x77: {  	s28 =	ssub.s32 $0x11000, s23;
	s29 =	sadd.s32 $0x380, s22  }
0x78: {  	[tilespmem:s28], [sflag:$0x1] =	stream.indirect.gather [spmem:s3], $0x20, s29, s19, $0xb8;
	[tilespmem:$0x1C000] =	vst v63  }
0x79: {  	_ =	swait.ge [sflag:s16], $0x1000  }
0x7a: {  	[sflag:s16] =	ssyncset.done $0x0  }
0x7b: {  	s30 =	sor.u32 $0xA000, s23;
	s31 =	sadd.s32 $0x5000, s22;
	[sflag:s16] =	ssyncadd.s32 $0xFFFFF000  }
0x7c: {  	[spmem:s2] =	stream.indirect.scatter.add.f32 [tilespmem:s30], [sflag:$0x2], $0x20, s31, s19, $0xb8;
	[tilespmem:$0x1C000] =	vst v63  }
0x7d: {  	_ =	swait.ge [sflag:s16], $0x1000  }
0x7e: {  	[sflag:s16] =	ssyncset.done $0x0  }
0x7f: {  	s28 =	sor.u32 $0xB000, s23;
	s29 =	sadd.s32 $0x5080, s22;
	[sflag:s16] =	ssyncadd.s32 $0xFFFFF000  }
0x80: {  	[spmem:s2] =	stream.indirect.scatter.add.f32 [tilespmem:s28], [sflag:$0x2], $0x20, s29, s19, $0xb8;
	[tilespmem:$0x1C000] =	vst v63  }
0x81: {  	_ =	swait.ge [sflag:s16], $0x1000  }
0x82: {  	[sflag:s16] =	ssyncset.done $0x0  }
0x83: {  	s30 =	sadd.s32 $0xC000, s23;
	s31 =	sadd.s32 $0x5100, s22;
	[sflag:s16] =	ssyncadd.s32 $0xFFFFF000  }
0x84: {  	[spmem:s2] =	stream.indirect.scatter.add.f32 [tilespmem:s30], [sflag:$0x2], $0x20, s31, s19, $0xb8;
	[tilespmem:$0x1C000] =	vst v63  }
0x85: {  	_ =	swait.ge [sflag:s16], $0x1000  }
0x86: {  	[sflag:s16] =	ssyncset.done $0x0  }
0x87: {  	s24 =	sadd.s32 $0xD000, s23;
	s25 =	sadd.s32 $0x5180, s22;
	[sflag:s16] =	ssyncadd.s32 $0xFFFFF000  }
0x88: {  	[spmem:s2] =	stream.indirect.scatter.add.f32 [tilespmem:s24], [sflag:$0x2], $0x20, s25, s19, $0xb8;
	[tilespmem:$0x1C000] =	vst v63  }
0x89: {  	_ =	swait.ge [sflag:s26], $0x1000  }
0x8a: {  	[sflag:s26] =	ssyncset.done $0x0  }
0x8b: {  	[sflag:s26] =	ssyncadd.s32 $0xFFFFF000  }
0x8c: {  	_ =	swait.ge [sflag:s26], $0x1000  }
0x8d: {  	[sflag:s26] =	ssyncset.done $0x0  }
0x8e: {  	[sflag:s26] =	ssyncadd.s32 $0xFFFFF000  }
0x8f: {  	_ =	swait.ge [sflag:s26], $0x1000  }
0x90: {  	[sflag:s26] =	ssyncset.done $0x0  }
0x91: {  	[sflag:s26] =	ssyncadd.s32 $0xFFFFF000  }
0x92: {  	_ =	swait.ge [sflag:s26], $0x1000  }
0x93: {  	[sflag:s26] =	ssyncset.done $0x0  }
0x94: {  	[sflag:s26] =	ssyncadd.s32 $0xFFFFF000  }
0x95: {  	_ =	swait.ge [sflag:s16], $0x1000  }
0x96: {  	[sflag:s16] =	ssyncset.done $0x0  }
0x97: {  	s28 =	simm.s32 $0x9E00;
	s29 =	simm.s32 $0xE000;
	[sflag:s16] =	ssyncadd.s32 $0xFFFFF000  }
0x98: {  	[spmem:s2] =	stream.indirect.scatter.add.f32 [tilespmem:s29], [sflag:$0x2], $0x20, s28, s19, $0xb8;
	[tilespmem:$0x1C000] =	vst v63  }
0x99: {  	_ =	swait.ge [sflag:s16], $0x1000  }
0x9a: {  	[sflag:s16] =	ssyncset.done $0x0  }
0x9b: {  	s30 =	simm.s32 $0x9E80;
	s31 =	simm.s32 $0xF000;
	[sflag:s16] =	ssyncadd.s32 $0xFFFFF000  }
0x9c: {  	[spmem:s2] =	stream.indirect.scatter.add.f32 [tilespmem:s31], [sflag:$0x2], $0x20, s30, s19, $0xb8;
	[tilespmem:$0x1C000] =	vst v63  }
0x9d: {  	_ =	swait.ge [sflag:s16], $0x1000  }
0x9e: {  	[sflag:s16] =	ssyncset.done $0x0  }
0x9f: {  	[sflag:s16] =	ssyncadd.s32 $0xFFFFF000  }
0xa0: {  	[spmem:s2] =	stream.indirect.scatter.add.f32 [tilespmem:s1], [sflag:$0x2], $0x20, s0, s19, $0xb8;
	[tilespmem:$0x1C000] =	vst v63  }
0xa1: {  	_ =	swait.ge [sflag:s16], $0x1000  }
0xa2: {  	[sflag:s16] =	ssyncset.done $0x0  }
0xa3: {  	[sflag:s16] =	ssyncadd.s32 $0xFFFFF000  }
0xa4: {  	[spmem:s2] =	stream.indirect.scatter.add.f32 [tilespmem:s20], [sflag:$0x2], $0x20, s12, s19, $0xb8;
	[tilespmem:$0x1C000] =	vst v63  }
0xa5: {  	_ =	swait.ge [sflag:s26], $0x1000  }
0xa6: {  	[sflag:s26] =	ssyncset.done $0x0  }
0xa7: {  	[sflag:s26] =	ssyncadd.s32 $0xFFFFF000  }
0xa8: {  	_ =	swait.ge [sflag:s26], $0x1000  }
0xa9: {  	[sflag:s26] =	ssyncset.done $0x0  }
0xaa: {  	[sflag:s26] =	ssyncadd.s32 $0xFFFFF000  }
0xab: {  	_ =	swait.ge [sflag:s26], $0x1000  }
0xac: {  	[sflag:s26] =	ssyncset.done $0x0  }
0xad: {  	[sflag:s26] =	ssyncadd.s32 $0xFFFFF000  }
0xae: {  	_ =	swait.ge [sflag:s26], $0x1000  }
0xaf: {  	s21 =	sadd.s32 $0x1, s21;
	[sflag:s26] =	ssyncset.done $0x0  }
0xb0: {  	p0 =	sne.s32 s21, s10;
	[sflag:s26] =	ssyncadd.s32 $0xFFFFF000  }
.Ltmp1:
0xb1: {  	[bflag:$0x0] =	sbarrier.arrive $0xFFFF;
	(pc) =	sbr.rel @p0 .LBB2_1-.Ltmp1, $4  }
0xb2: {  	[hbm:s9@s18], [sflag:s13] =	dma.strided [spmem:s14@s17], $0xA00, s16, $0x4   }
0xb3: {  	_ =	swait.ge [sflag:s11], $0xA00  }
0xb4: {  	[sflag:s11] =	ssyncset.done $0x0  }
0xb5: {  	[sflag:s11] =	ssyncadd.s32 $0xFFFFF600  }
0xb6: {  	_ =	sfence.sel $0x180000  }
0xb7: {  	[bflag:$0x0] =	sbarrier.arrive $0xFFFF  }
0xb8: {  	_ =	strace $0x9000004A  }
0xb9: {  	s0 =	stileid.u32;
	[bflag:$0x2] =	sbarrier.arrive $0xFFFF  }
0xba: {  	p0 =	sne.s32 s0, $0x0;
	s0 =	rddreg [dreg:$0x3]  }
0xbb: {  	s0 =	sadd.s32 @!p0 $0x100000, s0  }
0xbc: {  	[sflag:s0] =	ssyncadd.tile.s32 @!p0 $0x1;
	_ =	shalt  }
.Lfunc_end2:
_tile_overlayer_lowered:
.L_overlay_start_2:
0xbd: {  	(tag) =	ssettag $0x2  }
0xbe: {  	s0 =	rddreg [dreg:$0x0];
	s2 =	stileid.u32  }
0xbf: {  	s1 =	rddreg [dreg:$0x1];
	p0 =	sne.s32 s2, $0x0  }
0xc0: {  	s3 =	rddreg [dreg:$0x2];
	[bflag:$0x3] =	sbarrier.arrive $0xFFFF;
	s2 =	simm.s32 @!p0 $0x1C03  }
0xc1: {  	[timem:s3], [sflag:s2] =	dma.local @!p0 [hbm:s0], s1  }
0xc2: {  	s0 =	simm.s32 @!p0 $0x3  }
0xc3: {  	_ =	swait.ge @!p0 [sflag:s0], s1  }
0xc4: {  	s1 =	ssub.s32 @!p0 $0x0, s1;
	[sflag:s0] =	ssyncset.done @!p0 $0x0  }
0xc5: {  	[sflag:s0] =	ssyncadd.s32 @!p0 s1  }
0xc6: {  	[bflag:$0x3] =	sbarrier.arrive $0xFFFF  }
0xc7: {  	_ =	shalt  }

// kernel: kernel.15.cloned.1.call-start
scs
__scs_entry_jumppad:
0x0: {  	(pc) =	sbr.rel $0x88, $3  }
0x1: {  	(tag) =	ssettag $0x0;
	lr =	simm.s32 $0x1  }
0x2: {  	[smem:$0x3F9B] =	sst lr;
	_ =	strace $0xD0000000  }
0x3: {  	_ = 	snop  }
0x4: {  	_ = 	snop  }
0x5: {  	_ = 	snop  }
0x6: {  	_ = 	snop  }
0x7: {  	_ = 	snop  }
__scs_overlays_trampoline_lowered:
0x8: {  	[smem:$0x3FAA] =	sst s0  }
0x9: {  	[smem:$0x3FAB] =	sst s1  }
0xa: {  	[smem:$0x3FAC] =	sst s2  }
0xb: {  	[smem:$0x3FAD] =	sst s3  }
0xc: {  	[smem:$0x3FAE] =	sst s4  }
0xd: {  	[smem:$0x3FAF] =	sst s5  }
0xe: {  	[smem:$0x3FB0] =	sst s6  }
0xf: {  	[smem:$0x3FB1] =	sst s7  }
0x10: {  	[smem:$0x3FB2] =	sst s8  }
0x11: {  	[smem:$0x3FB3] =	sst s9;
	s0 =	simm.s32 @!p0 $0x0  }
0x12: {  	s1 =	sld [smem:$0x3F99];
	s0 =	simm.s32 @p0 $0x1  }
0x13: {  	[smem:$0x3FB4] =	sst s0;
	s0 =	simm.s32 @!p1 $0x0  }
0x14: {  	s2 =	sld [smem:$0x3F98];
	s0 =	simm.s32 @p1 $0x1  }
0x15: {  	[smem:$0x3FB5] =	sst s0;
	s0 =	simm.s32 @!p2 $0x0  }
0x16: {  	s3 =	sld [smem:$0x3FDB];
	s0 =	simm.s32 @p2 $0x1  }
0x17: {  	s4 =	simm.s32 $0x1BF5;
	[smem:$0x3FB7] =	sst s0  }
0x18: {  	s0 =	sld [smem:$0x3F9A];
	_ =	swait.ge [sflag:s4], $0x0  }
0x19: {  	s7 =	sld [smem:$0x3F9B]  }
0x1a: {  	s8 =	sadd.s32 $0xFFFFE003, lr  }
0x1b: {  	s9 =	sadd.s32 $0xFFFFFEF7, lr;
	s5 =	simm.s32 $0xFFFFFFFF;
	p2 =	slt.u32 s8, $0xFFFFF086  }
0x1c: {  	p1 =	slt.u32 s9, $0xF7A;
	s5 =	simm.s32 @!p2 $0x0  }
0x1d: {  	s5 =	simm.s32 @p1 $0x1;
	p0 =	seq.s32 s7, s2  }
0x1e: {  	s7 =	smul.u32 @!p0 $0xF7A, s2;
	p2 =	seq.s32 @!p0 s5, $0x0  }
0x1f: {  	s9 =	smul.u32 $0xF7A, s1;
	s8 =	simm.s32 @!p0 $0x1BF5;
	p2 =	por !p2, p0  }
0x20: {  	[sflag:s8] =	ssyncset.s32 @!p0 $0xFFFFF086;
	s6 =	sadd.s32 @!p0 s3, s7;
	s7 =	simm.s32 @!p0 $0x108  }
0x21: {  	s3 =	sadd.s32 s3, s9;
	s6 =	sadd.s32 @!p0 $0x88, s6;
	s7 =	simm.s32 @p2 $0x1082  }
0x22: {  	[simem:s7], [sflag:s8] =	dma.local @!p0 [hbm:s6], $0xF7A  }
0x23: {  	s9 =	sor.u32 $0xD0000000, s2;
	s6 =	simm.s32 $0x108;
	_ =	swait.ge @!p0 [sflag:s8], $0x0  }
0x24: {  	s3 =	sadd.s32 $0x88, s3;
	s6 =	simm.s32 @!p1 $0x1082;
	[sflag:s4] =	ssyncset.s32 $0xFFFFF086  }
0x25: {  	[simem:s6], [sflag:s4] =	dma.local [hbm:s3], $0xF7A  }
0x26: {  	[smem:$0x3F9B] =	sst s1;
	(tag) =	ssettag s2;
	_ =	strace s9  }
0x27: {  	s1 =	sld [smem:$0x3FAB]  }
0x28: {  	s2 =	sld [smem:$0x3FAC]  }
0x29: {  	s4 =	sld [smem:$0x3FAE]  }
0x2a: {  	p0 =	seq.s32 s5, $0x0;
	s5 =	sld [smem:$0x3FAF]  }
0x2b: {  	s6 =	sld [smem:$0x3FB0]  }
0x2c: {  	s7 =	sld [smem:$0x3FB1]  }
0x2d: {  	s3 =	simm.s32 $0x108;
	s8 =	sld [smem:$0x3FB2]  }
0x2e: {  	s3 =	simm.s32 @!p0 $0x1082;
	s9 =	sld [smem:$0x3FB3]  }
0x2f: {  	lr =	sadd.s32 s0, s3;
	s0 =	sld [smem:$0x3FAA]  }
0x30: {  	s3 =	sld [smem:$0x3FAD]  }
0x31: {  	[smem:$0x3FB6] =	sst s10  }
0x32: {  	s10 =	sld [smem:$0x3FB4];
	_ =	sdelay $0x3  }
0x33: {  	p0 =	seq.s32 s10, $0x1;
	s10 =	sld [smem:$0x3FB6];
	_ =	sdelay $0x3  }
0x34: {  	[smem:$0x3FB6] =	sst s10  }
0x35: {  	s10 =	sld [smem:$0x3FB5];
	_ =	sdelay $0x3  }
0x36: {  	p1 =	seq.s32 s10, $0x1;
	s10 =	sld [smem:$0x3FB6];
	_ =	sdelay $0x3  }
0x37: {  	[smem:$0x3FB6] =	sst s10  }
0x38: {  	s10 =	sld [smem:$0x3FB7]  }
0x39: {  	_ = 	snop;
	(pc) =	sbr.ind lr, $3  }
0x3a: {  	_ = 	snop  }
0x3b: {  	_ = 	snop  }
0x3c: {  	p2 =	seq.s32 s10, $0x1;
	s10 =	sld [smem:$0x3FB6]  }
0x3d: {  	_ =	shalt  }
0x3e: {  	_ =	shalt  }
0x3f: {  	_ =	shalt  }
0x40: {  	_ =	shalt  }
0x41: {  	_ =	shalt  }
0x42: {  	_ =	shalt  }
0x43: {  	_ =	shalt  }
0x44: {  	_ =	shalt  }
0x45: {  	_ =	shalt  }
0x46: {  	_ =	shalt  }
0x47: {  	_ =	shalt  }
0x48: {  	_ =	shalt  }
0x49: {  	_ =	shalt  }
0x4a: {  	_ =	shalt  }
0x4b: {  	_ =	shalt  }
0x4c: {  	_ =	shalt  }
0x4d: {  	_ =	shalt  }
0x4e: {  	_ =	shalt  }
0x4f: {  	_ =	shalt  }
0x50: {  	_ =	shalt  }
0x51: {  	_ =	shalt  }
0x52: {  	_ =	shalt  }
0x53: {  	_ =	shalt  }
0x54: {  	_ =	shalt  }
0x55: {  	_ =	shalt  }
0x56: {  	_ =	shalt  }
0x57: {  	_ =	shalt  }
0x58: {  	_ =	shalt  }
0x59: {  	_ =	shalt  }
0x5a: {  	_ =	shalt  }
0x5b: {  	_ =	shalt  }
0x5c: {  	_ =	shalt  }
0x5d: {  	_ =	shalt  }
0x5e: {  	_ =	shalt  }
0x5f: {  	_ =	shalt  }
0x60: {  	_ =	shalt  }
0x61: {  	_ =	shalt  }
0x62: {  	_ =	shalt  }
0x63: {  	_ =	shalt  }
0x64: {  	_ =	shalt  }
0x65: {  	_ =	shalt  }
0x66: {  	_ =	shalt  }
0x67: {  	_ =	shalt  }
0x68: {  	_ =	shalt  }
0x69: {  	_ =	shalt  }
0x6a: {  	_ =	shalt  }
0x6b: {  	_ =	shalt  }
0x6c: {  	_ =	shalt  }
0x6d: {  	_ =	shalt  }
0x6e: {  	_ =	shalt  }
0x6f: {  	_ =	shalt  }
0x70: {  	_ =	shalt  }
0x71: {  	_ =	shalt  }
0x72: {  	_ =	shalt  }
0x73: {  	_ =	shalt  }
0x74: {  	_ =	shalt  }
0x75: {  	_ =	shalt  }
0x76: {  	_ =	shalt  }
0x77: {  	_ =	shalt  }
0x78: {  	_ =	shalt  }
0x79: {  	_ =	shalt  }
0x7a: {  	_ =	shalt  }
0x7b: {  	_ =	shalt  }
0x7c: {  	_ =	shalt  }
0x7d: {  	_ =	shalt  }
0x7e: {  	_ =	shalt  }
0x7f: {  	_ =	shalt  }
0x80: {  	_ =	shalt  }
0x81: {  	_ =	shalt  }
0x82: {  	_ =	shalt  }
0x83: {  	_ =	shalt  }
0x84: {  	_ =	shalt  }
0x85: {  	_ =	shalt  }
0x86: {  	_ =	shalt  }
0x87: {  	_ =	shalt  }
.Lfunc_end0:
.L_simem_size_0:
called_computation.2_lowered:
.L_overlay_start_0:
0x88: {  	s2 =	sld [smem:$0x3FD9]  }
0x89: {  	s3 =	sld [smem:$0x3FFE];
	_ =	sdelay $0x1  }
0x8a: {  	s1 =	srdreg.scid  }
0x8b: {  	s0 =	sand.u32 $0x1, s1  }
0x8c: {  	s16 =	sshll.u32 s0, $0xA;
	s2 =	sadd.s32 s3, s2  }
0x8d: {  	s2 =	sadd.s32 s2, s16  }
0x8e: {  	[smem:$0x3FC2] =	sst s2  }
0x8f: {  	_ = 	snop  }
0x90: {  	(tm) =	ssettm $0x1  }
0x91: {  	s17 =	sld [smem:$0x3FFB];
	_ =	sdelay $0x3  }
0x92: {  	_ =	strace s17  }
0x93: {  	s2 =	sld [smem:$0x3FFC];
	_ =	sdelay $0x3  }
0x94: {  	_ =	strace s2  }
0x95: {  	s2 =	sld [smem:$0x3FFD];
	_ =	sdelay $0x3  }
0x96: {  	_ =	strace s2  }
0x97: {  	_ =	strace $0x8FFFFFFF  }
0x98: {  	s18 =	sld [smem:$0x3FDB];
	_ =	sdelay $0x1  }
0x99: {  	s19 =	simm.s32 $_scs_section_size  }
0x9a: {  	s4 =	simm.s32 $_size__tile_overlayer_lowered;
	s5 =	simm.s32 $_tile_overlayer_lowered  }
0x9b: {  	s22 =	simm.s32 $0x1BFF;
	s21 =	sshll.u32 s5, $0x1;
	s2 =	sadd.s32 s19, s18  }
0x9c: {  	s6 =	simm.s32 $0x0;
	s20 =	sshll.u32 s4, $0x1;
	s4 =	sadd.s32 s21, s2  }
0x9d: {  	[timem:s6], [sflag:s22] =	dma.local [hbm:s4], s20  }
0x9e: {  	_ =	swait.ge [sflag:s22], s20  }
0x9f: {  	s3 =	ssub.s32 $0x0, s20;
	[sflag:s22] =	ssyncset.done $0x0  }
0xa0: {  	[sflag:s22] =	ssyncadd.s32 s3;
	_ =	sdelay $0x1  }
0xa1: {  	s23 =	simm.s32 $0x1B8B  }
0xa2: {  	_ =	swait.ge [sflag:s23], $0x1  }
0xa3: {  	[sflag:s23] =	ssyncset.done $0x0  }
0xa4: {  	s25 =	simm.s32 $0x1B8E;
	s24 =	sld [smem:$0x3FFE];
	[sflag:s23] =	ssyncadd.s32 $0xFFFFFFFF  }
0xa5: {  	s26 =	simm.s32 $execute0_lowered;
	[smem:$0x3FD2] =	sst s25  }
0xa6: {  	s4 =	sshll.u32 s26, $0x1;
	_ =	strace $0x8000004C;
	[dreg:$0x1] =	wrdreg $0xFFFFFFFF  }
0xa7: {  	s28 =	simm.s32 $_size_execute0_lowered;
	s2 =	sadd.s32 s2, s4;
	[dreg:$0x0] =	wrdreg $0x0  }
0xa8: {  	s4 =	sshll.u32 s28, $0x1;
	[dreg:$0x2] =	wrdreg s2  }
0xa9: {  	[dreg:$0x3] =	wrdreg s4  }
0xaa: {  	[dreg:$0x4] =	wrdreg $0xC0  }
0xab: {  	_ =	task [dreg:s6], $0x5FFFF  }
0xac: {  	[dreg:$0x1] =	wrdreg $0xFFFFFFFF  }
0xad: {  	[dreg:$0x0] =	wrdreg $0x60  }
0xae: {  	[dreg:$0x2] =	wrdreg s24  }
0xaf: {  	[dreg:$0x3] =	wrdreg $0xB8000  }
0xb0: {  	[dreg:$0x4] =	wrdreg $0x90000  }
0xb1: {  	[dreg:$0x5] =	wrdreg $0x9  }
0xb2: {  	_ =	task.clear_ibuf [dreg:s6], $0x6FFFF;
	_ =	strace $0x9000004C  }
0xb3: {  	s29 =	simm.s32 $0x9;
	_ =	strace $0x8000004E  }
0xb4: {  	_ =	swait.ge [sflag:s29], $0x1  }
0xb5: {  	[sflag:s29] =	ssyncadd.s32 $0xFFFFFFFF  }
0xb6: {  	_ =	strace $0x9000004E  }
0xb7: {  	_ =	sfence  }
0xb8: {  	s30 =	sld [smem:$0x0];
	_ =	sdelay $0x2  }
0xb9: {  	s31 =	sshll.u32 s1, $0xD;
	s1 =	sshrl.u32 s1, $0x2  }
0xba: {  	s3 =	sand.u32 $0x4000, s31;
	s1 =	sadd.s32 s1, s30  }
0xbb: {  	s0 =	sor.u32 s3, s0;
	s1 =	sshll.u32 s1, $0x11  }
0xbc: {  	s0 =	sor.u32 s1, s0  }
0xbd: {  	s0 =	sadd.s32 $0x8F2B, s0  }
0xbe: {  	[sflag:s0] =	ssyncadd.remote.s32 $0x1  }
0xbf: {  	_ =	sfence.sel $0xFFFF  }
0xc0: {  	[dreg:$0x0] =	wrdreg $0xFFFFFFFF;
	(pc) =	sbr.abs _section_cstart, $3  }
0xc1: {  	[dreg:$0x1] =	wrdreg $0xFFFFFFFF  }
0xc2: {  	_ =	task.clear_ibuf [dreg:s6], $0x2FFFF;
	_ =	strace $0x9FFFFFFF  }
0xc3: {  	(tm) =	ssettm $0x7FFFFFFF  }
tec
execute0_lowered:
.L_overlay_start_1:
0x0: {  	(tag) =	ssettag $0x1  }
0x1: {  	s0 =	rddreg [dreg:$0x0]  }
0x2: {  	s2 =	rddreg [dreg:$0x1]  }
0x3: {  	s3 =	rddreg [dreg:$0x2];
	s13 =	stileid.u32  }
0x4: {  	s1 =	srdreg.scid;
	s4 =	simm.s32 $0x0;
	s11 =	simm.s32 $0x3  }
0x5: {  	s16 =	simm.s32 $0x80;
	s23 =	simm.s32 $0x1;
	s28 =	simm.s32 $0x4E80  }
0x6: {  	s29 =	simm.s32 $0x7800;
	s30 =	simm.s32 $0x4F00;
	s31 =	simm.s32 $0x8000  }
0x7: {  	s8 =	smul.u32 $0x2800, s13;
	s1 =	sand.u32 $0x1, s1;
	[smem:$0x7FF] =	sst s4  }
0x8: {  	s26 =	sshll.u32 s13, $0x6;
	s5 =	sshll.u32 s1, $0x4;
	s6 =	smul.u32 $0x28000, s1  }
0x9: {  	_ =	strace $0x8000004D;
	s1 =	ssub.s32 $0x2, s1;
	s5 =	sor.u32 s13, s5  }
0xa: {  	s7 =	sshrl.u32 s8, $0x3;
	s25 =	sshrl.u32 s1, $0x1;
	s12 =	sadd.s32 s8, s2  }
0xb: {  	s15 =	sadd.s32 s8, s3;
	s13 =	sor.u32 $0x1C03, s26;
	s5 =	smul.u32 $0x500, s5  }
0xc: {  	s6 =	sadd.s32 s8, s6;
	s9 =	sadd.s32 s7, s0;
	s1 =	ssub.s32 s1, s25  }
0xd: {  	s14 =	sshrl.u32 s12, $0x3;
	s15 =	sshrl.u32 s15, $0x3;
	s12 =	simm.s32 $0x0  }
0xe: {  	s6 =	sshrl.u32 s6, $0x3;
	s7 =	sadd.s32 $0x1B000, s9;
	s8 =	sadd.s32 $0x16000, s9  }
0xf: {  	s10 =	smax.u32 s1, $0x1;
	s1 =	simm.s32 $0x8800;
	s24 =	sadd.s32 s5, s0  }
0x10: {  	s0 =	sadd.s32 s6, s0;
	s5 =	sadd.s32 $0x2000, s24;
	s6 =	sadd.s32 $0xC000, s24  }
0x11: {  	s9 =	sadd.s32 $0x20000, s0;
	s24 =	simm.s32 $0x2;
	s0 =	simm.s32 $0x4F80  }
.LBB2_1:
0x12: {  	[tilespmem:s4], [sflag:$0x3] =	stream.linear.gather [hbm4b:s5+s4], $0x2800, $0x38;
	[tilespmem:$0xE000] =	vst v63  }
0x13: {  	_ =	swait.ge [sflag:s11], $0x2800  }
0x14: {  	[sflag:s11] =	ssyncset.done $0x0  }
0x15: {  	s17 =	simm.s32 $0x2800;
	[sflag:s11] =	ssyncadd.s32 $0xFFFFD800  }
0x16: {  	[tilespmem:s17], [sflag:$0x3] =	stream.linear.gather [hbm4b:s6+s4], $0x2800, $0x38;
	[tilespmem:$0xE000] =	vst v63  }
0x17: {  	_ =	swait.ge [sflag:s11], $0x2800  }
0x18: {  	[sflag:s11] =	ssyncset.done $0x0  }
0x19: {  	[sflag:s11] =	ssyncadd.s32 $0xFFFFD800  }
0x1a: {  	[spmem:s14], [sflag:s13] =	dma.local [hbm:s7], $0x500  }
0x1b: {  	_ =	swait.ge [sflag:s11], $0x500  }
0x1c: {  	[sflag:s11] =	ssyncset.done $0x0  }
0x1d: {  	[sflag:s11] =	ssyncadd.s32 $0xFFFFFB00  }
0x1e: {  	[spmem:s15], [sflag:s13] =	dma.local [hbm:s8], $0x500  }
0x1f: {  	_ =	swait.ge [sflag:s11], $0x500  }
0x20: {  	[sflag:s11] =	ssyncset.done $0x0  }
0x21: {  	[sflag:s11] =	ssyncadd.s32 $0xFFFFFB00  }
0x22: {  	s22 =	simm.s32 $0x5000;
	[bflag:$0x0] =	sbarrier.arrive $0xFFFF  }
0x23: {  	[tilespmem:s22], [sflag:$0x1] =	stream.indirect.gather [spmem:s3], $0x10, s4, s16, $0xb8;
	[tilespmem:$0xE000] =	vst v63  }
0x24: {  	s25 =	simm.s32 $0x5800  }
0x25: {  	[tilespmem:s25], [sflag:$0x1] =	stream.indirect.gather [spmem:s3], $0x10, s16, s16, $0xb8;
	[tilespmem:$0xE000] =	vst v63  }
0x26: {  	s26 =	simm.s32 $0x100;
	s18 =	simm.s32 $0x6000;
	s21 =	simm.s32 $0x0  }
0x27: {  	[tilespmem:s18], [sflag:$0x1] =	stream.indirect.gather [spmem:s3], $0x10, s26, s16, $0xb8;
	[tilespmem:$0xE000] =	vst v63  }
0x28: {  	s19 =	simm.s32 $0x180;
	s20 =	simm.s32 $0x6800;
	s17 =	sand.u32 $0x2000, s21  }
0x29: {  	[tilespmem:s20], [sflag:$0x1] =	stream.indirect.gather [spmem:s3], $0x10, s19, s16, $0xb8;
	[tilespmem:$0xE000] =	vst v63  }
0x2a: {  	s22 =	sxor.u32 $0x7000, s17;
	s19 =	simm.s32 $0x200  }
0x2b: {  	[tilespmem:s22], [sflag:$0x1] =	stream.indirect.gather [spmem:s3], $0x10, s19, s16, $0xb8;
	[tilespmem:$0xE000] =	vst v63  }
0x2c: {  	s25 =	sxor.u32 $0x7800, s17;
	s26 =	simm.s32 $0x280  }
0x2d: {  	[tilespmem:s25], [sflag:$0x1] =	stream.indirect.gather [spmem:s3], $0x10, s26, s16, $0xb8;
	[tilespmem:$0xE000] =	vst v63  }
0x2e: {  	s20 =	simm.s32 $0x300;
	s19 =	ssub.s32 $0x8000, s17  }
0x2f: {  	[tilespmem:s19], [sflag:$0x1] =	stream.indirect.gather [spmem:s3], $0x10, s20, s16, $0xb8;
	[tilespmem:$0xE000] =	vst v63  }
0x30: {  	s21 =	ssub.s32 $0x8800, s17;
	s22 =	simm.s32 $0x380  }
0x31: {  	[tilespmem:s21], [sflag:$0x1] =	stream.indirect.gather [spmem:s3], $0x10, s22, s16, $0xb8;
	[tilespmem:$0xE000] =	vst v63  }
0x32: {  	_ =	swait.ge [sflag:s23], $0x800  }
0x33: {  	[sflag:s23] =	ssyncset.done $0x0  }
0x34: {  	s25 =	sor.u32 $0x5000, s17;
	s26 =	simm.s32 $0x2800;
	[sflag:s23] =	ssyncadd.s32 $0xFFFFF800  }
0x35: {  	[spmem:s2] =	stream.indirect.scatter.add.f32 [tilespmem:s25], [sflag:$0x2], $0x10, s26, s16, $0xb8;
	[tilespmem:$0xE000] =	vst v63  }
0x36: {  	_ =	swait.ge [sflag:s23], $0x800  }
0x37: {  	[sflag:s23] =	ssyncset.done $0x0  }
0x38: {  	s19 =	sor.u32 $0x5800, s17;
	s20 =	simm.s32 $0x2880;
	[sflag:s23] =	ssyncadd.s32 $0xFFFFF800  }
0x39: {  	[spmem:s2] =	stream.indirect.scatter.add.f32 [tilespmem:s19], [sflag:$0x2], $0x10, s20, s16, $0xb8;
	[tilespmem:$0xE000] =	vst v63  }
0x3a: {  	_ =	swait.ge [sflag:s23], $0x800  }
0x3b: {  	[sflag:s23] =	ssyncset.done $0x0  }
0x3c: {  	s21 =	sadd.s32 $0x6000, s17;
	s22 =	simm.s32 $0x2900;
	[sflag:s23] =	ssyncadd.s32 $0xFFFFF800  }
0x3d: {  	[spmem:s2] =	stream.indirect.scatter.add.f32 [tilespmem:s21], [sflag:$0x2], $0x10, s22, s16, $0xb8;
	[tilespmem:$0xE000] =	vst v63  }
0x3e: {  	_ =	swait.ge [sflag:s23], $0x800  }
0x3f: {  	[sflag:s23] =	ssyncset.done $0x0  }
0x40: {  	s17 =	sadd.s32 $0x6800, s17;
	s25 =	simm.s32 $0x2980;
	[sflag:s23] =	ssyncadd.s32 $0xFFFFF800  }
0x41: {  	[spmem:s2] =	stream.indirect.scatter.add.f32 [tilespmem:s17], [sflag:$0x2], $0x10, s25, s16, $0xb8;
	[tilespmem:$0xE000] =	vst v63  }
0x42: {  	_ =	swait.ge [sflag:s24], $0x800  }
0x43: {  	[sflag:s24] =	ssyncset.done $0x0  }
0x44: {  	[sflag:s24] =	ssyncadd.s32 $0xFFFFF800  }
0x45: {  	_ =	swait.ge [sflag:s24], $0x800  }
0x46: {  	[sflag:s24] =	ssyncset.done $0x0  }
0x47: {  	[sflag:s24] =	ssyncadd.s32 $0xFFFFF800  }
0x48: {  	_ =	swait.ge [sflag:s24], $0x800  }
0x49: {  	[sflag:s24] =	ssyncset.done $0x0  }
0x4a: {  	s26 =	simm.s32 $0x2000;
	[sflag:s24] =	ssyncadd.s32 $0xFFFFF800  }
0x4b: {  	s18 =	sand.u32 $0x2000, s26;
	s19 =	simm.s32 $0x1;
	_ =	swait.ge [sflag:s24], $0x800  }
0x4c: {  	s21 =	simm.s32 $0x1000;
	s17 =	simm.s32 $0x200;
	[sflag:s24] =	ssyncset.done $0x0  }
.LBB2_2:
0x4d: {  	s22 =	sxor.u32 $0x7000, s18  }
0x4e: {  	s25 =	sadd.s32 $0x200, s17;
	[sflag:s24] =	ssyncadd.s32 $0xFFFFF800;
	s20 =	smov.u32 s21  }
0x4f: {  	[tilespmem:s22], [sflag:$0x1] =	stream.indirect.gather [spmem:s3], $0x10, s25, s16, $0xb8;
	[tilespmem:$0xE000] =	vst v63  }
0x50: {  	s26 =	sadd.s32 $0x280, s17;
	s22 =	sadd.s32 $0x800, s21;
	s25 =	sxor.u32 $0x7800, s18  }
0x51: {  	[tilespmem:s25], [sflag:$0x1] =	stream.indirect.gather [spmem:s3], $0x10, s26, s16, $0xb8;
	[tilespmem:$0xE000] =	vst v63  }
0x52: {  	p0 =	sne.s32 s21, $0x9000;
	s21 =	ssub.s32 $0x8000, s18;
	s25 =	sadd.s32 $0x300, s17  }
0x53: {  	[tilespmem:s21], [sflag:$0x1] =	stream.indirect.gather [spmem:s3], $0x10, s25, s16, $0xb8;
	[tilespmem:$0xE000] =	vst v63  }
0x54: {  	s21 =	ssub.s32 $0x8800, s18;
	s25 =	sadd.s32 $0x380, s17  }
0x55: {  	[tilespmem:s21], [sflag:$0x1] =	stream.indirect.gather [spmem:s3], $0x10, s25, s16, $0xb8;
	[tilespmem:$0xE000] =	vst v63  }
0x56: {  	_ =	swait.ge [sflag:s23], $0x800  }
0x57: {  	[sflag:s23] =	ssyncset.done $0x0  }
0x58: {  	s21 =	sor.u32 $0x5000, s18;
	s25 =	sadd.s32 $0x2800, s17;
	[sflag:s23] =	ssyncadd.s32 $0xFFFFF800  }
0x59: {  	[spmem:s2] =	stream.indirect.scatter.add.f32 [tilespmem:s21], [sflag:$0x2], $0x10, s25, s16, $0xb8;
	[tilespmem:$0xE000] =	vst v63  }
0x5a: {  	_ =	swait.ge [sflag:s23], $0x800  }
0x5b: {  	[sflag:s23] =	ssyncset.done $0x0  }
0x5c: {  	s21 =	sor.u32 $0x5800, s18;
	s25 =	sadd.s32 $0x2880, s17;
	[sflag:s23] =	ssyncadd.s32 $0xFFFFF800  }
0x5d: {  	[spmem:s2] =	stream.indirect.scatter.add.f32 [tilespmem:s21], [sflag:$0x2], $0x10, s25, s16, $0xb8;
	[tilespmem:$0xE000] =	vst v63  }
0x5e: {  	_ =	swait.ge [sflag:s23], $0x800  }
0x5f: {  	[sflag:s23] =	ssyncset.done $0x0  }
0x60: {  	s21 =	sadd.s32 $0x6000, s18;
	s25 =	sadd.s32 $0x2900, s17;
	[sflag:s23] =	ssyncadd.s32 $0xFFFFF800  }
0x61: {  	[spmem:s2] =	stream.indirect.scatter.add.f32 [tilespmem:s21], [sflag:$0x2], $0x10, s25, s16, $0xb8;
	[tilespmem:$0xE000] =	vst v63  }
0x62: {  	_ =	swait.ge [sflag:s23], $0x800  }
0x63: {  	[sflag:s23] =	ssyncset.done $0x0  }
0x64: {  	s18 =	sadd.s32 $0x6800, s18;
	s17 =	sadd.s32 $0x2980, s17;
	[sflag:s23] =	ssyncadd.s32 $0xFFFFF800  }
0x65: {  	[spmem:s2] =	stream.indirect.scatter.add.f32 [tilespmem:s18], [sflag:$0x2], $0x10, s17, s16, $0xb8;
	[tilespmem:$0xE000] =	vst v63  }
0x66: {  	_ =	swait.ge [sflag:s24], $0x800  }
0x67: {  	[sflag:s24] =	ssyncset.done $0x0  }
0x68: {  	[sflag:s24] =	ssyncadd.s32 $0xFFFFF800  }
0x69: {  	_ =	swait.ge [sflag:s24], $0x800  }
0x6a: {  	[sflag:s24] =	ssyncset.done $0x0  }
0x6b: {  	[sflag:s24] =	ssyncadd.s32 $0xFFFFF800  }
.Ltmp0:
0x6c: {  	_ =	swait.ge [sflag:s24], $0x800;
	(pc) =	sbr.rel @p0 .LBB2_2-.Ltmp0, $4  }
0x6d: {  	[sflag:s24] =	ssyncset.done $0x0  }
0x6e: {  	s19 =	sadd.s32 $0x1, s19;
	[sflag:s24] =	ssyncadd.s32 $0xFFFFF800  }
0x6f: {  	s21 =	smov.u32 s22;
	s17 =	sshll.u32 s19, $0xD;
	_ =	swait.ge [sflag:s24], $0x800  }
0x70: {  	s18 =	sand.u32 $0x2000, s17;
	s17 =	sshra.s32 s20, $0x2;
	[sflag:s24] =	ssyncset.done $0x0  }
0x71: {  	s19 =	sxor.u32 $0x7000, s18;
	s20 =	sadd.s32 $0x200, s17;
	[sflag:s24] =	ssyncadd.s32 $0xFFFFF800  }
0x72: {  	[tilespmem:s19], [sflag:$0x1] =	stream.indirect.gather [spmem:s3], $0x10, s20, s16, $0xb8;
	[tilespmem:$0xE000] =	vst v63  }
0x73: {  	s21 =	sxor.u32 $0x7800, s18;
	s22 =	sadd.s32 $0x280, s17  }
0x74: {  	[tilespmem:s21], [sflag:$0x1] =	stream.indirect.gather [spmem:s3], $0x10, s22, s16, $0xb8;
	[tilespmem:$0xE000] =	vst v63  }
0x75: {  	s25 =	ssub.s32 $0x8000, s18;
	s26 =	sadd.s32 $0x300, s17  }
0x76: {  	[tilespmem:s25], [sflag:$0x1] =	stream.indirect.gather [spmem:s3], $0x10, s26, s16, $0xb8;
	[tilespmem:$0xE000] =	vst v63  }
0x77: {  	s21 =	ssub.s32 $0x8800, s18;
	s22 =	sadd.s32 $0x380, s17  }
0x78: {  	[tilespmem:s21], [sflag:$0x1] =	stream.indirect.gather [spmem:s3], $0x10, s22, s16, $0xb8;
	[tilespmem:$0xE000] =	vst v63  }
0x79: {  	_ =	swait.ge [sflag:s23], $0x800  }
0x7a: {  	[sflag:s23] =	ssyncset.done $0x0  }
0x7b: {  	s25 =	sor.u32 $0x5000, s18;
	s26 =	sadd.s32 $0x2800, s17;
	[sflag:s23] =	ssyncadd.s32 $0xFFFFF800  }
0x7c: {  	[spmem:s2] =	stream.indirect.scatter.add.f32 [tilespmem:s25], [sflag:$0x2], $0x10, s26, s16, $0xb8;
	[tilespmem:$0xE000] =	vst v63  }
0x7d: {  	_ =	swait.ge [sflag:s23], $0x800  }
0x7e: {  	[sflag:s23] =	ssyncset.done $0x0  }
0x7f: {  	s21 =	sor.u32 $0x5800, s18;
	s22 =	sadd.s32 $0x2880, s17;
	[sflag:s23] =	ssyncadd.s32 $0xFFFFF800  }
0x80: {  	[spmem:s2] =	stream.indirect.scatter.add.f32 [tilespmem:s21], [sflag:$0x2], $0x10, s22, s16, $0xb8;
	[tilespmem:$0xE000] =	vst v63  }
0x81: {  	_ =	swait.ge [sflag:s23], $0x800  }
0x82: {  	[sflag:s23] =	ssyncset.done $0x0  }
0x83: {  	s25 =	sadd.s32 $0x6000, s18;
	s26 =	sadd.s32 $0x2900, s17;
	[sflag:s23] =	ssyncadd.s32 $0xFFFFF800  }
0x84: {  	[spmem:s2] =	stream.indirect.scatter.add.f32 [tilespmem:s25], [sflag:$0x2], $0x10, s26, s16, $0xb8;
	[tilespmem:$0xE000] =	vst v63  }
0x85: {  	_ =	swait.ge [sflag:s23], $0x800  }
0x86: {  	[sflag:s23] =	ssyncset.done $0x0  }
0x87: {  	s21 =	sadd.s32 $0x6800, s18;
	s22 =	sadd.s32 $0x2980, s17;
	[sflag:s23] =	ssyncadd.s32 $0xFFFFF800  }
0x88: {  	[spmem:s2] =	stream.indirect.scatter.add.f32 [tilespmem:s21], [sflag:$0x2], $0x10, s22, s16, $0xb8;
	[tilespmem:$0xE000] =	vst v63  }
0x89: {  	_ =	swait.ge [sflag:s24], $0x800  }
0x8a: {  	[sflag:s24] =	ssyncset.done $0x0  }
0x8b: {  	[sflag:s24] =	ssyncadd.s32 $0xFFFFF800  }
0x8c: {  	_ =	swait.ge [sflag:s24], $0x800  }
0x8d: {  	[sflag:s24] =	ssyncset.done $0x0  }
0x8e: {  	[sflag:s24] =	ssyncadd.s32 $0xFFFFF800  }
0x8f: {  	_ =	swait.ge [sflag:s24], $0x800  }
0x90: {  	[sflag:s24] =	ssyncset.done $0x0  }
0x91: {  	[sflag:s24] =	ssyncadd.s32 $0xFFFFF800  }
0x92: {  	_ =	swait.ge [sflag:s24], $0x800  }
0x93: {  	[sflag:s24] =	ssyncset.done $0x0  }
0x94: {  	[sflag:s24] =	ssyncadd.s32 $0xFFFFF800  }
0x95: {  	_ =	swait.ge [sflag:s23], $0x800  }
0x96: {  	[sflag:s23] =	ssyncset.done $0x0  }
0x97: {  	s25 =	simm.s32 $0x4E00;
	s26 =	simm.s32 $0x7000;
	[sflag:s23] =	ssyncadd.s32 $0xFFFFF800  }
0x98: {  	[spmem:s2] =	stream.indirect.scatter.add.f32 [tilespmem:s26], [sflag:$0x2], $0x10, s25, s16, $0xb8;
	[tilespmem:$0xE000] =	vst v63  }
0x99: {  	_ =	swait.ge [sflag:s23], $0x800  }
0x9a: {  	[sflag:s23] =	ssyncset.done $0x0  }
0x9b: {  	[sflag:s23] =	ssyncadd.s32 $0xFFFFF800  }
0x9c: {  	[spmem:s2] =	stream.indirect.scatter.add.f32 [tilespmem:s29], [sflag:$0x2], $0x10, s28, s16, $0xb8;
	[tilespmem:$0xE000] =	vst v63  }
0x9d: {  	_ =	swait.ge [sflag:s23], $0x800  }
0x9e: {  	[sflag:s23] =	ssyncset.done $0x0  }
0x9f: {  	[sflag:s23] =	ssyncadd.s32 $0xFFFFF800  }
0xa0: {  	[spmem:s2] =	stream.indirect.scatter.add.f32 [tilespmem:s31], [sflag:$0x2], $0x10, s30, s16, $0xb8;
	[tilespmem:$0xE000] =	vst v63  }
0xa1: {  	_ =	swait.ge [sflag:s23], $0x800  }
0xa2: {  	[sflag:s23] =	ssyncset.done $0x0  }
0xa3: {  	[sflag:s23] =	ssyncadd.s32 $0xFFFFF800  }
0xa4: {  	[spmem:s2] =	stream.indirect.scatter.add.f32 [tilespmem:s1], [sflag:$0x2], $0x10, s0, s16, $0xb8;
	[tilespmem:$0xE000] =	vst v63  }
0xa5: {  	_ =	swait.ge [sflag:s24], $0x800  }
0xa6: {  	[sflag:s24] =	ssyncset.done $0x0  }
0xa7: {  	[sflag:s24] =	ssyncadd.s32 $0xFFFFF800  }
0xa8: {  	_ =	swait.ge [sflag:s24], $0x800  }
0xa9: {  	[sflag:s24] =	ssyncset.done $0x0  }
0xaa: {  	[sflag:s24] =	ssyncadd.s32 $0xFFFFF800  }
0xab: {  	_ =	swait.ge [sflag:s24], $0x800  }
0xac: {  	[sflag:s24] =	ssyncset.done $0x0  }
0xad: {  	[sflag:s24] =	ssyncadd.s32 $0xFFFFF800  }
0xae: {  	_ =	swait.ge [sflag:s24], $0x800  }
0xaf: {  	s12 =	sadd.s32 $0x1, s12;
	[sflag:s24] =	ssyncset.done $0x0  }
0xb0: {  	p0 =	sne.s32 s12, s10;
	[sflag:s24] =	ssyncadd.s32 $0xFFFFF800  }
.Ltmp1:
0xb1: {  	[bflag:$0x0] =	sbarrier.arrive $0xFFFF;
	(pc) =	sbr.rel @p0 .LBB2_1-.Ltmp1, $4  }
0xb2: {  	[hbm:s9], [sflag:s13] =	dma.local [spmem:s14], $0x500  }
0xb3: {  	_ =	swait.ge [sflag:s11], $0x500  }
0xb4: {  	[sflag:s11] =	ssyncset.done $0x0  }
0xb5: {  	[sflag:s11] =	ssyncadd.s32 $0xFFFFFB00  }
0xb6: {  	_ =	sfence.sel $0x180000  }
0xb7: {  	[bflag:$0x0] =	sbarrier.arrive $0xFFFF  }
0xb8: {  	_ =	strace $0x9000004D  }
0xb9: {  	s0 =	stileid.u32;
	[bflag:$0x2] =	sbarrier.arrive $0xFFFF  }
0xba: {  	p0 =	sne.s32 s0, $0x0;
	s0 =	rddreg [dreg:$0x3]  }
0xbb: {  	s0 =	sadd.s32 @!p0 $0x100000, s0  }
0xbc: {  	[sflag:s0] =	ssyncadd.tile.s32 @!p0 $0x1;
	_ =	shalt  }
.Lfunc_end2:
_tile_overlayer_lowered:
.L_overlay_start_2:
0xbd: {  	(tag) =	ssettag $0x2  }
0xbe: {  	s0 =	rddreg [dreg:$0x0];
	s2 =	stileid.u32  }
0xbf: {  	s1 =	rddreg [dreg:$0x1];
	p0 =	sne.s32 s2, $0x0  }
0xc0: {  	s3 =	rddreg [dreg:$0x2];
	[bflag:$0x3] =	sbarrier.arrive $0xFFFF;
	s2 =	simm.s32 @!p0 $0x1C03  }
0xc1: {  	[timem:s3], [sflag:s2] =	dma.local @!p0 [hbm:s0], s1  }
0xc2: {  	s0 =	simm.s32 @!p0 $0x3  }
0xc3: {  	_ =	swait.ge @!p0 [sflag:s0], s1  }
0xc4: {  	s1 =	ssub.s32 @!p0 $0x0, s1;
	[sflag:s0] =	ssyncset.done @!p0 $0x0  }
0xc5: {  	[sflag:s0] =	ssyncadd.s32 @!p0 s1  }
0xc6: {  	[bflag:$0x3] =	sbarrier.arrive $0xFFFF  }
0xc7: {  	_ =	shalt  }

// kernel: kernel.9.cloned.1.call-start
scs
__scs_entry_jumppad:
0x0: {  	(pc) =	sbr.rel $0x88, $3  }
0x1: {  	(tag) =	ssettag $0x0;
	lr =	simm.s32 $0x1  }
0x2: {  	[smem:$0x3F9B] =	sst lr;
	_ =	strace $0xD0000000  }
0x3: {  	_ = 	snop  }
0x4: {  	_ = 	snop  }
0x5: {  	_ = 	snop  }
0x6: {  	_ = 	snop  }
0x7: {  	_ = 	snop  }
__scs_overlays_trampoline_lowered:
0x8: {  	[smem:$0x3FAA] =	sst s0  }
0x9: {  	[smem:$0x3FAB] =	sst s1  }
0xa: {  	[smem:$0x3FAC] =	sst s2  }
0xb: {  	[smem:$0x3FAD] =	sst s3  }
0xc: {  	[smem:$0x3FAE] =	sst s4  }
0xd: {  	[smem:$0x3FAF] =	sst s5  }
0xe: {  	[smem:$0x3FB0] =	sst s6  }
0xf: {  	[smem:$0x3FB1] =	sst s7  }
0x10: {  	[smem:$0x3FB2] =	sst s8  }
0x11: {  	[smem:$0x3FB3] =	sst s9;
	s0 =	simm.s32 @!p0 $0x0  }
0x12: {  	s1 =	sld [smem:$0x3F99];
	s0 =	simm.s32 @p0 $0x1  }
0x13: {  	[smem:$0x3FB4] =	sst s0;
	s0 =	simm.s32 @!p1 $0x0  }
0x14: {  	s2 =	sld [smem:$0x3F98];
	s0 =	simm.s32 @p1 $0x1  }
0x15: {  	[smem:$0x3FB5] =	sst s0;
	s0 =	simm.s32 @!p2 $0x0  }
0x16: {  	s3 =	sld [smem:$0x3FDB];
	s0 =	simm.s32 @p2 $0x1  }
0x17: {  	s4 =	simm.s32 $0x1BF5;
	[smem:$0x3FB7] =	sst s0  }
0x18: {  	s0 =	sld [smem:$0x3F9A];
	_ =	swait.ge [sflag:s4], $0x0  }
0x19: {  	s7 =	sld [smem:$0x3F9B]  }
0x1a: {  	s8 =	sadd.s32 $0xFFFFE003, lr  }
0x1b: {  	s9 =	sadd.s32 $0xFFFFFEF7, lr;
	s5 =	simm.s32 $0xFFFFFFFF;
	p2 =	slt.u32 s8, $0xFFFFF086  }
0x1c: {  	p1 =	slt.u32 s9, $0xF7A;
	s5 =	simm.s32 @!p2 $0x0  }
0x1d: {  	s5 =	simm.s32 @p1 $0x1;
	p0 =	seq.s32 s7, s2  }
0x1e: {  	s7 =	smul.u32 @!p0 $0xF7A, s2;
	p2 =	seq.s32 @!p0 s5, $0x0  }
0x1f: {  	s9 =	smul.u32 $0xF7A, s1;
	s8 =	simm.s32 @!p0 $0x1BF5;
	p2 =	por !p2, p0  }
0x20: {  	[sflag:s8] =	ssyncset.s32 @!p0 $0xFFFFF086;
	s6 =	sadd.s32 @!p0 s3, s7;
	s7 =	simm.s32 @!p0 $0x108  }
0x21: {  	s3 =	sadd.s32 s3, s9;
	s6 =	sadd.s32 @!p0 $0x88, s6;
	s7 =	simm.s32 @p2 $0x1082  }
0x22: {  	[simem:s7], [sflag:s8] =	dma.local @!p0 [hbm:s6], $0xF7A  }
0x23: {  	s9 =	sor.u32 $0xD0000000, s2;
	s6 =	simm.s32 $0x108;
	_ =	swait.ge @!p0 [sflag:s8], $0x0  }
0x24: {  	s3 =	sadd.s32 $0x88, s3;
	s6 =	simm.s32 @!p1 $0x1082;
	[sflag:s4] =	ssyncset.s32 $0xFFFFF086  }
0x25: {  	[simem:s6], [sflag:s4] =	dma.local [hbm:s3], $0xF7A  }
0x26: {  	[smem:$0x3F9B] =	sst s1;
	(tag) =	ssettag s2;
	_ =	strace s9  }
0x27: {  	s1 =	sld [smem:$0x3FAB]  }
0x28: {  	s2 =	sld [smem:$0x3FAC]  }
0x29: {  	s4 =	sld [smem:$0x3FAE]  }
0x2a: {  	p0 =	seq.s32 s5, $0x0;
	s5 =	sld [smem:$0x3FAF]  }
0x2b: {  	s6 =	sld [smem:$0x3FB0]  }
0x2c: {  	s7 =	sld [smem:$0x3FB1]  }
0x2d: {  	s3 =	simm.s32 $0x108;
	s8 =	sld [smem:$0x3FB2]  }
0x2e: {  	s3 =	simm.s32 @!p0 $0x1082;
	s9 =	sld [smem:$0x3FB3]  }
0x2f: {  	lr =	sadd.s32 s0, s3;
	s0 =	sld [smem:$0x3FAA]  }
0x30: {  	s3 =	sld [smem:$0x3FAD]  }
0x31: {  	[smem:$0x3FB6] =	sst s10  }
0x32: {  	s10 =	sld [smem:$0x3FB4];
	_ =	sdelay $0x3  }
0x33: {  	p0 =	seq.s32 s10, $0x1;
	s10 =	sld [smem:$0x3FB6];
	_ =	sdelay $0x3  }
0x34: {  	[smem:$0x3FB6] =	sst s10  }
0x35: {  	s10 =	sld [smem:$0x3FB5];
	_ =	sdelay $0x3  }
0x36: {  	p1 =	seq.s32 s10, $0x1;
	s10 =	sld [smem:$0x3FB6];
	_ =	sdelay $0x3  }
0x37: {  	[smem:$0x3FB6] =	sst s10  }
0x38: {  	s10 =	sld [smem:$0x3FB7]  }
0x39: {  	_ = 	snop;
	(pc) =	sbr.ind lr, $3  }
0x3a: {  	_ = 	snop  }
0x3b: {  	_ = 	snop  }
0x3c: {  	p2 =	seq.s32 s10, $0x1;
	s10 =	sld [smem:$0x3FB6]  }
0x3d: {  	_ =	shalt  }
0x3e: {  	_ =	shalt  }
0x3f: {  	_ =	shalt  }
0x40: {  	_ =	shalt  }
0x41: {  	_ =	shalt  }
0x42: {  	_ =	shalt  }
0x43: {  	_ =	shalt  }
0x44: {  	_ =	shalt  }
0x45: {  	_ =	shalt  }
0x46: {  	_ =	shalt  }
0x47: {  	_ =	shalt  }
0x48: {  	_ =	shalt  }
0x49: {  	_ =	shalt  }
0x4a: {  	_ =	shalt  }
0x4b: {  	_ =	shalt  }
0x4c: {  	_ =	shalt  }
0x4d: {  	_ =	shalt  }
0x4e: {  	_ =	shalt  }
0x4f: {  	_ =	shalt  }
0x50: {  	_ =	shalt  }
0x51: {  	_ =	shalt  }
0x52: {  	_ =	shalt  }
0x53: {  	_ =	shalt  }
0x54: {  	_ =	shalt  }
0x55: {  	_ =	shalt  }
0x56: {  	_ =	shalt  }
0x57: {  	_ =	shalt  }
0x58: {  	_ =	shalt  }
0x59: {  	_ =	shalt  }
0x5a: {  	_ =	shalt  }
0x5b: {  	_ =	shalt  }
0x5c: {  	_ =	shalt  }
0x5d: {  	_ =	shalt  }
0x5e: {  	_ =	shalt  }
0x5f: {  	_ =	shalt  }
0x60: {  	_ =	shalt  }
0x61: {  	_ =	shalt  }
0x62: {  	_ =	shalt  }
0x63: {  	_ =	shalt  }
0x64: {  	_ =	shalt  }
0x65: {  	_ =	shalt  }
0x66: {  	_ =	shalt  }
0x67: {  	_ =	shalt  }
0x68: {  	_ =	shalt  }
0x69: {  	_ =	shalt  }
0x6a: {  	_ =	shalt  }
0x6b: {  	_ =	shalt  }
0x6c: {  	_ =	shalt  }
0x6d: {  	_ =	shalt  }
0x6e: {  	_ =	shalt  }
0x6f: {  	_ =	shalt  }
0x70: {  	_ =	shalt  }
0x71: {  	_ =	shalt  }
0x72: {  	_ =	shalt  }
0x73: {  	_ =	shalt  }
0x74: {  	_ =	shalt  }
0x75: {  	_ =	shalt  }
0x76: {  	_ =	shalt  }
0x77: {  	_ =	shalt  }
0x78: {  	_ =	shalt  }
0x79: {  	_ =	shalt  }
0x7a: {  	_ =	shalt  }
0x7b: {  	_ =	shalt  }
0x7c: {  	_ =	shalt  }
0x7d: {  	_ =	shalt  }
0x7e: {  	_ =	shalt  }
0x7f: {  	_ =	shalt  }
0x80: {  	_ =	shalt  }
0x81: {  	_ =	shalt  }
0x82: {  	_ =	shalt  }
0x83: {  	_ =	shalt  }
0x84: {  	_ =	shalt  }
0x85: {  	_ =	shalt  }
0x86: {  	_ =	shalt  }
0x87: {  	_ =	shalt  }
.Lfunc_end0:
.L_simem_size_0:
called_computation_lowered:
.L_overlay_start_0:
0x88: {  	s2 =	sld [smem:$0x3FD9]  }
0x89: {  	s3 =	sld [smem:$0x3FFE];
	_ =	sdelay $0x1  }
0x8a: {  	s1 =	srdreg.scid  }
0x8b: {  	s0 =	sand.u32 $0x1, s1  }
0x8c: {  	s17 =	sshll.u32 s0, $0xA;
	s2 =	sadd.s32 s3, s2  }
0x8d: {  	s2 =	sadd.s32 s2, s17  }
0x8e: {  	[smem:$0x3FC2] =	sst s2  }
0x8f: {  	_ = 	snop  }
0x90: {  	s2 =	sld [smem:$0x3FD0];
	(tm) =	ssettm $0x1  }
0x91: {  	s18 =	sld [smem:$0x3FFB];
	_ =	sdelay $0x3  }
0x92: {  	_ =	strace s18  }
0x93: {  	s3 =	sld [smem:$0x3FFC];
	_ =	sdelay $0x3  }
0x94: {  	_ =	strace s3  }
0x95: {  	s3 =	sld [smem:$0x3FFD];
	_ =	sdelay $0x3  }
0x96: {  	_ =	strace s3  }
0x97: {  	_ =	strace $0x8FFFFFFF  }
0x98: {  	s19 =	sld [smem:$0x3FDB];
	_ =	sdelay $0x1  }
0x99: {  	s4 =	simm.s32 $_scs_section_size  }
0x9a: {  	s5 =	simm.s32 $_size__tile_overlayer_lowered;
	s6 =	simm.s32 $_tile_overlayer_lowered  }
0x9b: {  	s22 =	simm.s32 $0x1BFF;
	s21 =	sshll.u32 s6, $0x1;
	s3 =	sadd.s32 s4, s19  }
0x9c: {  	s7 =	simm.s32 $0x0;
	s20 =	sshll.u32 s5, $0x1;
	s5 =	sadd.s32 s21, s3  }
0x9d: {  	[timem:s7], [sflag:s22] =	dma.local [hbm:s5], s20  }
0x9e: {  	_ =	swait.ge [sflag:s22], s20  }
0x9f: {  	s4 =	ssub.s32 $0x0, s20;
	[sflag:s22] =	ssyncset.done $0x0  }
0xa0: {  	[sflag:s22] =	ssyncadd.s32 s4;
	_ =	sdelay $0x1  }
0xa1: {  	s23 =	simm.s32 $0x1B8B  }
0xa2: {  	_ =	swait.ge [sflag:s23], $0x1  }
0xa3: {  	[sflag:s23] =	ssyncset.done $0x0  }
0xa4: {  	s25 =	simm.s32 $0x1B8E;
	s24 =	sld [smem:$0x3FFE];
	[sflag:s23] =	ssyncadd.s32 $0xFFFFFFFF  }
0xa5: {  	s26 =	simm.s32 $execute0_lowered;
	[smem:$0x3FD2] =	sst s25  }
0xa6: {  	s5 =	sshll.u32 s26, $0x1;
	_ =	strace $0x80000046;
	[dreg:$0x1] =	wrdreg $0xFFFFFFFF  }
0xa7: {  	s28 =	simm.s32 $_size_execute0_lowered;
	s3 =	sadd.s32 s3, s5;
	[dreg:$0x0] =	wrdreg $0x0  }
0xa8: {  	s5 =	sshll.u32 s28, $0x1;
	[dreg:$0x2] =	wrdreg s3  }
0xa9: {  	[dreg:$0x3] =	wrdreg s5  }
0xaa: {  	[dreg:$0x4] =	wrdreg $0xC0  }
0xab: {  	_ =	task [dreg:s7], $0x5FFFF  }
0xac: {  	[dreg:$0x1] =	wrdreg $0xFFFFFFFF  }
0xad: {  	[dreg:$0x0] =	wrdreg $0x60  }
0xae: {  	[dreg:$0x2] =	wrdreg s2  }
0xaf: {  	[dreg:$0x3] =	wrdreg s24  }
0xb0: {  	[dreg:$0x4] =	wrdreg $0x2C000  }
0xb1: {  	[dreg:$0x5] =	wrdreg $0x9  }
0xb2: {  	_ =	task.clear_ibuf [dreg:s7], $0x6FFFF;
	_ =	strace $0x90000046  }
0xb3: {  	s29 =	simm.s32 $0x9;
	_ =	strace $0x80000048  }
0xb4: {  	_ =	swait.ge [sflag:s29], $0x1  }
0xb5: {  	[sflag:s29] =	ssyncadd.s32 $0xFFFFFFFF  }
0xb6: {  	_ =	strace $0x90000048  }
0xb7: {  	_ =	sfence  }
0xb8: {  	s30 =	sld [smem:$0x0];
	_ =	sdelay $0x2  }
0xb9: {  	s31 =	sshll.u32 s1, $0xD;
	s1 =	sshrl.u32 s1, $0x2  }
0xba: {  	s3 =	sand.u32 $0x4000, s31;
	s1 =	sadd.s32 s1, s30  }
0xbb: {  	s0 =	sor.u32 s3, s0;
	s1 =	sshll.u32 s1, $0x11  }
0xbc: {  	s0 =	sor.u32 s1, s0  }
0xbd: {  	s0 =	sadd.s32 $0x8F2B, s0  }
0xbe: {  	[sflag:s0] =	ssyncadd.remote.s32 $0x1  }
0xbf: {  	_ =	sfence.sel $0xFFFF  }
0xc0: {  	[dreg:$0x0] =	wrdreg $0xFFFFFFFF;
	(pc) =	sbr.abs _section_cstart, $3  }
0xc1: {  	[dreg:$0x1] =	wrdreg $0xFFFFFFFF  }
0xc2: {  	_ =	task.clear_ibuf [dreg:s7], $0x2FFFF;
	_ =	strace $0x9FFFFFFF  }
0xc3: {  	(tm) =	ssettm $0x7FFFFFFF  }
tec
execute0_lowered:
.L_overlay_start_1:
0x0: {  	(tag) =	ssettag $0x1  }
0x1: {  	s1 =	rddreg [dreg:$0x0]  }
0x2: {  	s6 =	rddreg [dreg:$0x1]  }
0x3: {  	s0 =	srdreg.scid;
	s3 =	rddreg [dreg:$0x2]  }
0x4: {  	s4 =	simm.s32 $0x0;
	s13 =	simm.s32 $0x80;
	s14 =	simm.s32 $0x1  }
0x5: {  	s15 =	simm.s32 $0x0;
	s5 =	sand.u32 $0x1, s0;
	s0 =	stileid.u32  }
0x6: {  	[smem:$0x7FF] =	sst s4;
	s2 =	sshll.u32 s5, $0x4;
	s8 =	smul.u32 $0x1400, s0  }
0x7: {  	s9 =	smul.u32 $0x14000, s5;
	s5 =	ssub.s32 $0x2, s5;
	s2 =	sor.u32 s0, s2  }
0x8: {  	s31 =	sshll.u32 s0, $0x6;
	s11 =	sshrl.u32 s5, $0x1;
	s7 =	smul.u32 $0x500, s2  }
0x9: {  	s2 =	rddreg [dreg:$0x3];
	_ =	strace $0x80000047;
	s10 =	sshrl.u32 s8, $0x3  }
0xa: {  	s9 =	sadd.s32 s8, s9;
	s11 =	ssub.s32 s5, s11;
	s12 =	sadd.s32 s8, s3  }
0xb: {  	s10 =	sadd.s32 s10, s6;
	s9 =	sshrl.u32 s9, $0x3;
	s8 =	smax.u32 s11, $0x1  }
0xc: {  	s11 =	sor.u32 $0x1C02, s31;
	s12 =	sshrl.u32 s12, $0x3;
	s7 =	sadd.s32 s7, s6  }
0xd: {  	s9 =	sadd.s32 s9, s6;
	s6 =	sadd.s32 $0x16000, s10;
	s10 =	simm.s32 $0x2800  }
0xe: {  	s5 =	sadd.s32 $0xC000, s7;
	s7 =	sadd.s32 $0x18800, s9;
	s9 =	simm.s32 $0x2  }
.LBB2_1:
0xf: {  	[tilespmem:s4], [sflag:$0x2] =	stream.linear.gather [hbm4b:s5+s4], $0x2800, $0x38;
	[tilespmem:$0x4000] =	vst v63  }
0x10: {  	_ =	swait.ge [sflag:s9], $0x2800  }
0x11: {  	[sflag:s9] =	ssyncset.done $0x0  }
0x12: {  	[sflag:s9] =	ssyncadd.s32 $0xFFFFD800  }
0x13: {  	[tilespmem:s10], [sflag:$0x2] =	stream.linear.gather [hbm4b:s1+s4], $0x400, $0x38;
	[tilespmem:$0x4000] =	vst v63  }
0x14: {  	_ =	swait.ge [sflag:s9], $0x400  }
0x15: {  	[sflag:s9] =	ssyncset.done $0x0  }
0x16: {  	[sflag:s9] =	ssyncadd.s32 $0xFFFFFC00  }
0x17: {  	[spmem:s12], [sflag:s11] =	dma.local [hbm:s6], $0x280  }
0x18: {  	_ =	swait.ge [sflag:s9], $0x280  }
0x19: {  	[sflag:s9] =	ssyncset.done $0x0  }
0x1a: {  	[sflag:s9] =	ssyncadd.s32 $0xFFFFFD80  }
0x1b: {  	s16 =	simm.s32 $0x0;
	[bflag:$0x0] =	sbarrier.arrive $0xFFFF  }
0x1c: {  	[spmem:s3] =	stream.indirect.scatter.add.f32 [tilespmem:s10], [sflag:$0x1], $0x8, s16, s13, $0xb8;
	[tilespmem:$0x4000] =	vst v63  }
0x1d: {  	s22 =	simm.s32 $0x80  }
0x1e: {  	[spmem:s3] =	stream.indirect.scatter.add.f32 [tilespmem:s10], [sflag:$0x1], $0x8, s22, s13, $0xb8;
	[tilespmem:$0x4000] =	vst v63  }
0x1f: {  	s23 =	simm.s32 $0x100  }
0x20: {  	[spmem:s3] =	stream.indirect.scatter.add.f32 [tilespmem:s10], [sflag:$0x1], $0x8, s23, s13, $0xb8;
	[tilespmem:$0x4000] =	vst v63  }
0x21: {  	s24 =	simm.s32 $0x180  }
0x22: {  	[spmem:s3] =	stream.indirect.scatter.add.f32 [tilespmem:s10], [sflag:$0x1], $0x8, s24, s13, $0xb8;
	[tilespmem:$0x4000] =	vst v63  }
0x23: {  	s25 =	simm.s32 $0x200  }
0x24: {  	[spmem:s3] =	stream.indirect.scatter.add.f32 [tilespmem:s10], [sflag:$0x1], $0x8, s25, s13, $0xb8;
	[tilespmem:$0x4000] =	vst v63  }
0x25: {  	s26 =	simm.s32 $0x280  }
0x26: {  	[spmem:s3] =	stream.indirect.scatter.add.f32 [tilespmem:s10], [sflag:$0x1], $0x8, s26, s13, $0xb8;
	[tilespmem:$0x4000] =	vst v63  }
0x27: {  	s28 =	simm.s32 $0x300  }
0x28: {  	[spmem:s3] =	stream.indirect.scatter.add.f32 [tilespmem:s10], [sflag:$0x1], $0x8, s28, s13, $0xb8;
	[tilespmem:$0x4000] =	vst v63  }
0x29: {  	s29 =	simm.s32 $0x380  }
0x2a: {  	[spmem:s3] =	stream.indirect.scatter.add.f32 [tilespmem:s10], [sflag:$0x1], $0x8, s29, s13, $0xb8;
	[tilespmem:$0x4000] =	vst v63  }
0x2b: {  	s30 =	simm.s32 $0x400  }
0x2c: {  	[spmem:s3] =	stream.indirect.scatter.add.f32 [tilespmem:s10], [sflag:$0x1], $0x8, s30, s13, $0xb8;
	[tilespmem:$0x4000] =	vst v63  }
0x2d: {  	s31 =	simm.s32 $0x480  }
0x2e: {  	[spmem:s3] =	stream.indirect.scatter.add.f32 [tilespmem:s10], [sflag:$0x1], $0x8, s31, s13, $0xb8;
	[tilespmem:$0x4000] =	vst v63  }
0x2f: {  	_ =	swait.ge [sflag:s14], $0x400  }
0x30: {  	[sflag:s14] =	ssyncset.done $0x0  }
0x31: {  	[sflag:s14] =	ssyncadd.s32 $0xFFFFFC00  }
0x32: {  	_ =	swait.ge [sflag:s14], $0x400  }
0x33: {  	[sflag:s14] =	ssyncset.done $0x0  }
0x34: {  	[sflag:s14] =	ssyncadd.s32 $0xFFFFFC00  }
0x35: {  	_ =	swait.ge [sflag:s14], $0x400  }
0x36: {  	[sflag:s14] =	ssyncset.done $0x0  }
0x37: {  	[sflag:s14] =	ssyncadd.s32 $0xFFFFFC00  }
0x38: {  	_ =	swait.ge [sflag:s14], $0x400  }
0x39: {  	[sflag:s14] =	ssyncset.done $0x0  }
0x3a: {  	[sflag:s14] =	ssyncadd.s32 $0xFFFFFC00  }
0x3b: {  	_ =	swait.ge [sflag:s14], $0x400  }
0x3c: {  	[sflag:s14] =	ssyncset.done $0x0  }
0x3d: {  	[sflag:s14] =	ssyncadd.s32 $0xFFFFFC00  }
0x3e: {  	_ =	swait.ge [sflag:s14], $0x400  }
0x3f: {  	[sflag:s14] =	ssyncset.done $0x0  }
0x40: {  	[sflag:s14] =	ssyncadd.s32 $0xFFFFFC00  }
0x41: {  	_ =	swait.ge [sflag:s14], $0x400  }
0x42: {  	[sflag:s14] =	ssyncset.done $0x0  }
0x43: {  	[sflag:s14] =	ssyncadd.s32 $0xFFFFFC00  }
0x44: {  	_ =	swait.ge [sflag:s14], $0x400  }
0x45: {  	[sflag:s14] =	ssyncset.done $0x0  }
0x46: {  	[sflag:s14] =	ssyncadd.s32 $0xFFFFFC00  }
0x47: {  	_ =	swait.ge [sflag:s14], $0x400  }
0x48: {  	[sflag:s14] =	ssyncset.done $0x0  }
0x49: {  	[sflag:s14] =	ssyncadd.s32 $0xFFFFFC00  }
0x4a: {  	_ =	swait.ge [sflag:s14], $0x400  }
0x4b: {  	s18 =	simm.s32 $0x2800;
	s16 =	simm.s32 $0x1400;
	[sflag:s14] =	ssyncset.done $0x0  }
.LBB2_2:
0x4c: {  	s19 =	sshra.s32 s16, $0x2  }
0x4d: {  	[sflag:s14] =	ssyncadd.s32 $0xFFFFFC00;
	s16 =	smov.u32 s18;
	s17 =	sadd.s32 $0x1400, s18  }
0x4e: {  	[spmem:s3] =	stream.indirect.scatter.add.f32 [tilespmem:s10], [sflag:$0x1], $0x8, s19, s13, $0xb8;
	[tilespmem:$0x4000] =	vst v63  }
0x4f: {  	p0 =	sne.s32 s18, $0x8C00;
	s18 =	sadd.s32 $0x80, s19  }
0x50: {  	[spmem:s3] =	stream.indirect.scatter.add.f32 [tilespmem:s10], [sflag:$0x1], $0x8, s18, s13, $0xb8;
	[tilespmem:$0x4000] =	vst v63  }
0x51: {  	s18 =	sadd.s32 $0x100, s19  }
0x52: {  	[spmem:s3] =	stream.indirect.scatter.add.f32 [tilespmem:s10], [sflag:$0x1], $0x8, s18, s13, $0xb8;
	[tilespmem:$0x4000] =	vst v63  }
0x53: {  	s18 =	sadd.s32 $0x180, s19  }
0x54: {  	[spmem:s3] =	stream.indirect.scatter.add.f32 [tilespmem:s10], [sflag:$0x1], $0x8, s18, s13, $0xb8;
	[tilespmem:$0x4000] =	vst v63  }
0x55: {  	s18 =	sadd.s32 $0x200, s19  }
0x56: {  	[spmem:s3] =	stream.indirect.scatter.add.f32 [tilespmem:s10], [sflag:$0x1], $0x8, s18, s13, $0xb8;
	[tilespmem:$0x4000] =	vst v63  }
0x57: {  	s18 =	sadd.s32 $0x280, s19  }
0x58: {  	[spmem:s3] =	stream.indirect.scatter.add.f32 [tilespmem:s10], [sflag:$0x1], $0x8, s18, s13, $0xb8;
	[tilespmem:$0x4000] =	vst v63  }
0x59: {  	s18 =	sadd.s32 $0x300, s19  }
0x5a: {  	[spmem:s3] =	stream.indirect.scatter.add.f32 [tilespmem:s10], [sflag:$0x1], $0x8, s18, s13, $0xb8;
	[tilespmem:$0x4000] =	vst v63  }
0x5b: {  	s18 =	sadd.s32 $0x380, s19  }
0x5c: {  	[spmem:s3] =	stream.indirect.scatter.add.f32 [tilespmem:s10], [sflag:$0x1], $0x8, s18, s13, $0xb8;
	[tilespmem:$0x4000] =	vst v63  }
0x5d: {  	s18 =	sadd.s32 $0x400, s19  }
0x5e: {  	[spmem:s3] =	stream.indirect.scatter.add.f32 [tilespmem:s10], [sflag:$0x1], $0x8, s18, s13, $0xb8;
	[tilespmem:$0x4000] =	vst v63  }
0x5f: {  	s18 =	sadd.s32 $0x480, s19  }
0x60: {  	[spmem:s3] =	stream.indirect.scatter.add.f32 [tilespmem:s10], [sflag:$0x1], $0x8, s18, s13, $0xb8;
	[tilespmem:$0x4000] =	vst v63  }
0x61: {  	_ =	swait.ge [sflag:s14], $0x400  }
0x62: {  	[sflag:s14] =	ssyncset.done $0x0  }
0x63: {  	[sflag:s14] =	ssyncadd.s32 $0xFFFFFC00  }
0x64: {  	_ =	swait.ge [sflag:s14], $0x400  }
0x65: {  	[sflag:s14] =	ssyncset.done $0x0  }
0x66: {  	[sflag:s14] =	ssyncadd.s32 $0xFFFFFC00  }
0x67: {  	_ =	swait.ge [sflag:s14], $0x400  }
0x68: {  	[sflag:s14] =	ssyncset.done $0x0  }
0x69: {  	[sflag:s14] =	ssyncadd.s32 $0xFFFFFC00  }
0x6a: {  	_ =	swait.ge [sflag:s14], $0x400  }
0x6b: {  	[sflag:s14] =	ssyncset.done $0x0  }
0x6c: {  	[sflag:s14] =	ssyncadd.s32 $0xFFFFFC00  }
0x6d: {  	_ =	swait.ge [sflag:s14], $0x400  }
0x6e: {  	[sflag:s14] =	ssyncset.done $0x0  }
0x6f: {  	[sflag:s14] =	ssyncadd.s32 $0xFFFFFC00  }
0x70: {  	_ =	swait.ge [sflag:s14], $0x400  }
0x71: {  	[sflag:s14] =	ssyncset.done $0x0  }
0x72: {  	[sflag:s14] =	ssyncadd.s32 $0xFFFFFC00  }
0x73: {  	_ =	swait.ge [sflag:s14], $0x400  }
0x74: {  	[sflag:s14] =	ssyncset.done $0x0  }
0x75: {  	[sflag:s14] =	ssyncadd.s32 $0xFFFFFC00  }
0x76: {  	_ =	swait.ge [sflag:s14], $0x400  }
0x77: {  	[sflag:s14] =	ssyncset.done $0x0  }
0x78: {  	[sflag:s14] =	ssyncadd.s32 $0xFFFFFC00  }
.Ltmp0:
0x79: {  	_ =	swait.ge [sflag:s14], $0x400;
	(pc) =	sbr.rel @p0 .LBB2_2-.Ltmp0, $4  }
0x7a: {  	[sflag:s14] =	ssyncset.done $0x0  }
0x7b: {  	[sflag:s14] =	ssyncadd.s32 $0xFFFFFC00  }
0x7c: {  	_ =	swait.ge [sflag:s14], $0x400  }
0x7d: {  	s18 =	smov.u32 s17;
	[sflag:s14] =	ssyncset.done $0x0  }
0x7e: {  	s16 =	sshra.s32 s16, $0x2;
	[sflag:s14] =	ssyncadd.s32 $0xFFFFFC00  }
0x7f: {  	[spmem:s3] =	stream.indirect.scatter.add.f32 [tilespmem:s10], [sflag:$0x1], $0x8, s16, s13, $0xb8;
	[tilespmem:$0x4000] =	vst v63  }
0x80: {  	s17 =	sadd.s32 $0x80, s16  }
0x81: {  	[spmem:s3] =	stream.indirect.scatter.add.f32 [tilespmem:s10], [sflag:$0x1], $0x8, s17, s13, $0xb8;
	[tilespmem:$0x4000] =	vst v63  }
0x82: {  	s24 =	sadd.s32 $0x100, s16  }
0x83: {  	[spmem:s3] =	stream.indirect.scatter.add.f32 [tilespmem:s10], [sflag:$0x1], $0x8, s24, s13, $0xb8;
	[tilespmem:$0x4000] =	vst v63  }
0x84: {  	s25 =	sadd.s32 $0x180, s16  }
0x85: {  	[spmem:s3] =	stream.indirect.scatter.add.f32 [tilespmem:s10], [sflag:$0x1], $0x8, s25, s13, $0xb8;
	[tilespmem:$0x4000] =	vst v63  }
0x86: {  	s26 =	sadd.s32 $0x200, s16  }
0x87: {  	[spmem:s3] =	stream.indirect.scatter.add.f32 [tilespmem:s10], [sflag:$0x1], $0x8, s26, s13, $0xb8;
	[tilespmem:$0x4000] =	vst v63  }
0x88: {  	s28 =	sadd.s32 $0x280, s16  }
0x89: {  	[spmem:s3] =	stream.indirect.scatter.add.f32 [tilespmem:s10], [sflag:$0x1], $0x8, s28, s13, $0xb8;
	[tilespmem:$0x4000] =	vst v63  }
0x8a: {  	s29 =	sadd.s32 $0x300, s16  }
0x8b: {  	[spmem:s3] =	stream.indirect.scatter.add.f32 [tilespmem:s10], [sflag:$0x1], $0x8, s29, s13, $0xb8;
	[tilespmem:$0x4000] =	vst v63  }
0x8c: {  	s30 =	sadd.s32 $0x380, s16  }
0x8d: {  	[spmem:s3] =	stream.indirect.scatter.add.f32 [tilespmem:s10], [sflag:$0x1], $0x8, s30, s13, $0xb8;
	[tilespmem:$0x4000] =	vst v63  }
0x8e: {  	s31 =	sadd.s32 $0x400, s16  }
0x8f: {  	[spmem:s3] =	stream.indirect.scatter.add.f32 [tilespmem:s10], [sflag:$0x1], $0x8, s31, s13, $0xb8;
	[tilespmem:$0x4000] =	vst v63  }
0x90: {  	s16 =	sadd.s32 $0x480, s16  }
0x91: {  	[spmem:s3] =	stream.indirect.scatter.add.f32 [tilespmem:s10], [sflag:$0x1], $0x8, s16, s13, $0xb8;
	[tilespmem:$0x4000] =	vst v63  }
0x92: {  	_ =	swait.ge [sflag:s14], $0x400  }
0x93: {  	[sflag:s14] =	ssyncset.done $0x0  }
0x94: {  	[sflag:s14] =	ssyncadd.s32 $0xFFFFFC00  }
0x95: {  	_ =	swait.ge [sflag:s14], $0x400  }
0x96: {  	[sflag:s14] =	ssyncset.done $0x0  }
0x97: {  	[sflag:s14] =	ssyncadd.s32 $0xFFFFFC00  }
0x98: {  	_ =	swait.ge [sflag:s14], $0x400  }
0x99: {  	[sflag:s14] =	ssyncset.done $0x0  }
0x9a: {  	[sflag:s14] =	ssyncadd.s32 $0xFFFFFC00  }
0x9b: {  	_ =	swait.ge [sflag:s14], $0x400  }
0x9c: {  	[sflag:s14] =	ssyncset.done $0x0  }
0x9d: {  	[sflag:s14] =	ssyncadd.s32 $0xFFFFFC00  }
0x9e: {  	_ =	swait.ge [sflag:s14], $0x400  }
0x9f: {  	[sflag:s14] =	ssyncset.done $0x0  }
0xa0: {  	[sflag:s14] =	ssyncadd.s32 $0xFFFFFC00  }
0xa1: {  	_ =	swait.ge [sflag:s14], $0x400  }
0xa2: {  	[sflag:s14] =	ssyncset.done $0x0  }
0xa3: {  	[sflag:s14] =	ssyncadd.s32 $0xFFFFFC00  }
0xa4: {  	_ =	swait.ge [sflag:s14], $0x400  }
0xa5: {  	[sflag:s14] =	ssyncset.done $0x0  }
0xa6: {  	[sflag:s14] =	ssyncadd.s32 $0xFFFFFC00  }
0xa7: {  	_ =	swait.ge [sflag:s14], $0x400  }
0xa8: {  	[sflag:s14] =	ssyncset.done $0x0  }
0xa9: {  	[sflag:s14] =	ssyncadd.s32 $0xFFFFFC00  }
0xaa: {  	_ =	swait.ge [sflag:s14], $0x400  }
0xab: {  	[sflag:s14] =	ssyncset.done $0x0  }
0xac: {  	[sflag:s14] =	ssyncadd.s32 $0xFFFFFC00  }
0xad: {  	_ =	swait.ge [sflag:s14], $0x400  }
0xae: {  	s15 =	sadd.s32 $0x1, s15;
	[sflag:s14] =	ssyncset.done $0x0  }
0xaf: {  	p0 =	sne.s32 s15, s8;
	[sflag:s14] =	ssyncadd.s32 $0xFFFFFC00  }
.Ltmp1:
0xb0: {  	[bflag:$0x0] =	sbarrier.arrive $0xFFFF;
	(pc) =	sbr.rel @p0 .LBB2_1-.Ltmp1, $4  }
0xb1: {  	[hbm:s7], [sflag:s11] =	dma.local [spmem:s12], $0x280  }
0xb2: {  	_ =	swait.ge [sflag:s9], $0x280  }
0xb3: {  	[sflag:s9] =	ssyncset.done $0x0  }
0xb4: {  	[sflag:s9] =	ssyncadd.s32 $0xFFFFFD80  }
0xb5: {  	_ =	sfence.sel $0x180000  }
0xb6: {  	[bflag:$0x0] =	sbarrier.arrive $0xFFFF  }
0xb7: {  	p0 =	sne.s32 s0, $0x0;
	_ =	strace $0x90000047  }
0xb8: {  	s0 =	sadd.s32 @!p0 $0x100000, s2;
	[bflag:$0x2] =	sbarrier.arrive $0xFFFF  }
0xb9: {  	[sflag:s0] =	ssyncadd.tile.s32 @!p0 $0x1;
	_ =	shalt  }
.Lfunc_end2:
_tile_overlayer_lowered:
.L_overlay_start_2:
0xba: {  	(tag) =	ssettag $0x2  }
0xbb: {  	s0 =	rddreg [dreg:$0x0];
	s2 =	stileid.u32  }
0xbc: {  	s1 =	rddreg [dreg:$0x1];
	p0 =	sne.s32 s2, $0x0  }
0xbd: {  	s3 =	rddreg [dreg:$0x2];
	[bflag:$0x3] =	sbarrier.arrive $0xFFFF;
	s2 =	simm.s32 @!p0 $0x1C02  }
0xbe: {  	[timem:s3], [sflag:s2] =	dma.local @!p0 [hbm:s0], s1  }
0xbf: {  	s0 =	simm.s32 @!p0 $0x2  }
0xc0: {  	_ =	swait.ge @!p0 [sflag:s0], s1  }
0xc1: {  	s1 =	ssub.s32 @!p0 $0x0, s1;
	[sflag:s0] =	ssyncset.done @!p0 $0x0  }
0xc2: {  	[sflag:s0] =	ssyncadd.s32 @!p0 s1  }
0xc3: {  	[bflag:$0x3] =	sbarrier.arrive $0xFFFF  }
0xc4: {  	_ =	shalt  }

</sc_bundles>
